<compile_context>
chip_gen: v7x
topology: tpu7x:2x2x1
jax: 0.10.2.dev20260603
libtpu: 0.0.44.dev20260713+nightly
codegen_flags: <defaults>
</compile_context>

<pallas_src>
import functools

import jax
import jax.numpy as jnp
from jax import lax
from jax.experimental import pallas as pl
from jax.experimental.pallas import tpu as pltpu
from jax.experimental.pallas import tpu_sc as plsc

_NC = 2
_NS = 16
_NW = _NC * _NS


@functools.cache
def _make_lookup(B, V, D):
    b_per_w = B // _NW
    C = 8
    NBUF = 3
    n_chunks = b_per_w // C
    main = n_chunks - NBUF - (n_chunks % NBUF)
    assert main >= 0 and main % NBUF == 0 and n_chunks % NBUF != 1
    mesh = plsc.VectorSubcoreMesh(core_axis_name="c", subcore_axis_name="s")

    @functools.partial(
        pl.kernel,
        mesh=mesh,
        out_type=jax.ShapeDtypeStruct((n_chunks, _NW, C, D), jnp.float32),
        scratch_types=[
            pltpu.VMEM((n_chunks, C), jnp.int32),
            [pltpu.VMEM((C, D), jnp.float32) for _ in range(NBUF)],
            [pltpu.SemaphoreType.DMA for _ in range(NBUF)],
            [pltpu.SemaphoreType.DMA for _ in range(NBUF)],
        ],
    )
    def lookup(idx_hbm, table_hbm, out_hbm, idx_v, bufs, gsems, wsems):
        wid = lax.axis_index("s") * _NC + lax.axis_index("c")
        pltpu.sync_copy(idx_hbm.at[wid], idx_v)

        def fire_gather(b, c):
            pltpu.async_copy(table_hbm.at[idx_v.at[c]], bufs[b], gsems[b])

        def wait_gather(b):
            pltpu.make_async_copy(table_hbm.at[idx_v.at[0]], bufs[b],
                                  gsems[b]).wait()

        def fire_write(b, c):
            pltpu.async_copy(bufs[b], out_hbm.at[c, wid], wsems[b])

        def wait_write(b):
            pltpu.make_async_copy(bufs[b], out_hbm.at[0, wid], wsems[b]).wait()

        for b in range(NBUF):
            fire_gather(b, b)

        for g in range(0, main, NBUF):
            for b in range(NBUF):
                c = g + b
                wait_gather(b)
                fire_write(b, c)
                wait_write(b)
                fire_gather(b, c + NBUF)

        for i in range(main, n_chunks):
            b = i % NBUF
            wait_gather(b)
            fire_write(b, i)
            wait_write(b)
            if i + NBUF < n_chunks:
                fire_gather(b, i + NBUF)

    return lookup


def kernel(token_ids, table):
    V, D = table.shape
    idx = token_ids.reshape(-1).astype(jnp.int32)
    B = idx.shape[0]
    b_per_w = B // _NW
    C = 8
    idx3 = idx.reshape(b_per_w // C, _NW, C).transpose(1, 0, 2)
    out = _make_lookup(B, V, D)(idx3, table)
    return out.reshape(token_ids.shape + (D,))

# --- scband reference (transcript-rebuilt; emitter-appended) ---
"""Pipeline reference for scband-llama-embedding-87737591922892 (READ-ONLY COPY).

The authoritative reference and input builder live on the scoring server;
editing this copy changes nothing except your own understanding.
"""

import jax, jax.numpy as jnp
import numpy as np
import math

VOCAB = 100000
DIM = 4096
BATCH = 4
SEQ = 2048

def setup_inputs(seed: int = 0) -> dict:
    key = jax.random.key(seed)
    k_idx, k_w = jax.random.split(key)
    token_ids = jax.random.randint(k_idx, (BATCH, SEQ), 0, VOCAB, dtype=jnp.int64 if jax.config.jax_enable_x64 else jnp.int32)
    std = math.sqrt(2.0 / (5 * DIM))
    table = jax.random.normal(k_w, (VOCAB, DIM), dtype=jnp.float32) * std
    return {"token_ids": token_ids, "table": table}

def reference(token_ids, table):
    # token embedding lookup: nn.Embedding -> table[idx]
    embeddings = jnp.take(table, token_ids, axis=0)
    # dropout is identity in eval/inference mode
    return embeddings

if __name__ == "__main__":
    import jax
    _d = setup_inputs()
    print(jax.jit(kernel)(*tuple(_d.values())))

</pallas_src>

<mosaic_0001>
#map = affine_map<(d0, d1) -> (0, 0, 0)>
#map1 = affine_map<(d0, d1) -> (0, 0)>
#map2 = affine_map<(d0, d1) -> (0, 0, 0, 0)>
module attributes {stable_mosaic.version = 14 : i64} {
  func.func @lookup(%arg0: i32, %arg1: i32, %arg2: memref<32x32x8xi32, #tpu.memory_space<hbm>>, %arg3: memref<100000x4096xf32, #tpu.memory_space<hbm>>, %arg4: memref<32x32x8x4096xf32, #tpu.memory_space<hbm>>, %arg5: memref<32x8xi32, #tpu.memory_space<vmem>>, %arg6: memref<8x4096xf32, #tpu.memory_space<vmem>>, %arg7: memref<8x4096xf32, #tpu.memory_space<vmem>>, %arg8: memref<8x4096xf32, #tpu.memory_space<vmem>>, %arg9: memref<!tpu.dma_semaphore, #tpu.memory_space<semaphore_mem>>, %arg10: memref<!tpu.dma_semaphore, #tpu.memory_space<semaphore_mem>>, %arg11: memref<!tpu.dma_semaphore, #tpu.memory_space<semaphore_mem>>, %arg12: memref<!tpu.dma_semaphore, #tpu.memory_space<semaphore_mem>>, %arg13: memref<!tpu.dma_semaphore, #tpu.memory_space<semaphore_mem>>, %arg14: memref<!tpu.dma_semaphore, #tpu.memory_space<semaphore_mem>>) attributes {dimension_semantics = [#tpu.dimension_semantics<core_parallel>, #tpu.dimension_semantics<subcore_parallel>], iteration_bounds = array<i64: 2, 16>, scalar_prefetch = 0 : i64, scratch_operands = 10 : i64, tpu.core_type = #tpu.core_type<sc_vector_subcore>, window_params = [{transform_indices = #map}, {transform_indices = #map1}, {transform_indices = #map2}]} {
    %mul3A = arith.constant 2 : i32
    %mul3A_0 = arith.muli %arg1, %mul3A : i32
    %add3A = arith.addi %mul3A_0, %arg0 : i32
    "tpu.region"() ({
      %run_scoped3A = tpu.sem_alloc : memref<!tpu.dma_semaphore, #tpu.memory_space<semaphore_mem>>
      %dma_start3A_1023 = arith.constant 0 : i32
      %dma_start3A_1024 = arith.constant 0 : i32
      %dma_start3A_1025 = tpu.memref_slice %arg2[%add3A, %dma_start3A_1023, %dma_start3A_1024] : memref<32x32x8xi32, #tpu.memory_space<hbm>> -> memref<1x32x8xi32, #tpu.memory_space<hbm>>
      %dma_start3A_1026 = tpu.memref_squeeze %dma_start3A_1025 : memref<1x32x8xi32, #tpu.memory_space<hbm>> -> memref<32x8xi32, #tpu.memory_space<hbm>>
      %dma_start3A_1027 = arith.constant 0 : i32
      %dma_start3A_1028 = arith.constant 0 : i32
      %dma_start3A_1029 = tpu.memref_slice %arg2[%add3A, %dma_start3A_1027, %dma_start3A_1028] : memref<32x32x8xi32, #tpu.memory_space<hbm>> -> memref<1x32x8xi32, #tpu.memory_space<hbm>>
      %dma_start3A_1030 = tpu.memref_squeeze %dma_start3A_1029 : memref<1x32x8xi32, #tpu.memory_space<hbm>> -> memref<32x8xi32, #tpu.memory_space<hbm>>
      tpu.enqueue_dma source(%dma_start3A_1030 : memref<32x8xi32, #tpu.memory_space<hbm>>) target(%arg5 : memref<32x8xi32, #tpu.memory_space<vmem>>) target_semaphore(%run_scoped3A : memref<!tpu.dma_semaphore, #tpu.memory_space<semaphore_mem>>)
      %dma_wait3A_1031 = arith.constant 0 : i32
      %dma_wait3A_1032 = arith.constant 0 : i32
      %dma_wait3A_1033 = tpu.memref_slice %arg2[%add3A, %dma_wait3A_1031, %dma_wait3A_1032] : memref<32x32x8xi32, #tpu.memory_space<hbm>> -> memref<1x32x8xi32, #tpu.memory_space<hbm>>
      %dma_wait3A_1034 = tpu.memref_squeeze %dma_wait3A_1033 : memref<1x32x8xi32, #tpu.memory_space<hbm>> -> memref<32x8xi32, #tpu.memory_space<hbm>>
      %dma_wait3A_1035 = arith.constant 0 : i32
      %dma_wait3A_1036 = arith.constant 0 : i32
      %dma_wait3A_1037 = tpu.memref_slice %arg2[%add3A, %dma_wait3A_1035, %dma_wait3A_1036] : memref<32x32x8xi32, #tpu.memory_space<hbm>> -> memref<1x32x8xi32, #tpu.memory_space<hbm>>
      %dma_wait3A_1038 = tpu.memref_squeeze %dma_wait3A_1037 : memref<1x32x8xi32, #tpu.memory_space<hbm>> -> memref<32x8xi32, #tpu.memory_space<hbm>>
      tpu.wait_dma2 semaphore(%run_scoped3A : memref<!tpu.dma_semaphore, #tpu.memory_space<semaphore_mem>>) src(%dma_wait3A_1038 : memref<32x8xi32, #tpu.memory_space<hbm>>) dst(%arg5 : memref<32x8xi32, #tpu.memory_space<vmem>>)
      tpu.yield
    }) : () -> ()
    %dma_start3A = arith.constant 0 : i32
    %dma_start3A_1 = arith.constant 0 : i32
    %dma_start3A_2 = tpu.memref_slice %arg5[%dma_start3A, %dma_start3A_1] : memref<32x8xi32, #tpu.memory_space<vmem>> -> memref<1x8xi32, #tpu.memory_space<vmem>>
    %dma_start3A_3 = tpu.memref_squeeze %dma_start3A_2 : memref<1x8xi32, #tpu.memory_space<vmem>> -> memref<8xi32, #tpu.memory_space<vmem>>
    %dma_start3A_4 = arith.constant 0 : i32
    %dma_start3A_5 = arith.constant 0 : i32
    %dma_start3A_6 = tpu.memref_slice %arg3[%dma_start3A_4, %dma_start3A_5] : memref<100000x4096xf32, #tpu.memory_space<hbm>> -> memref<100000x4096xf32, #tpu.memory_space<hbm>>
    tpu.enqueue_indirect_dma source(%dma_start3A_6 : memref<100000x4096xf32, #tpu.memory_space<hbm>>) target(%arg6 : memref<8x4096xf32, #tpu.memory_space<vmem>>) offsets(%dma_start3A_3 : memref<8xi32, #tpu.memory_space<vmem>>) semaphore(%arg9 : memref<!tpu.dma_semaphore, #tpu.memory_space<semaphore_mem>>)
    %dma_start3A_7 = arith.constant 1 : i32
    %dma_start3A_8 = arith.constant 0 : i32
    %dma_start3A_9 = tpu.memref_slice %arg5[%dma_start3A_7, %dma_start3A_8] : memref<32x8xi32, #tpu.memory_space<vmem>> -> memref<1x8xi32, #tpu.memory_space<vmem>>
    %dma_start3A_10 = tpu.memref_squeeze %dma_start3A_9 : memref<1x8xi32, #tpu.memory_space<vmem>> -> memref<8xi32, #tpu.memory_space<vmem>>
    %dma_start3A_11 = arith.constant 0 : i32
    %dma_start3A_12 = arith.constant 0 : i32
    %dma_start3A_13 = tpu.memref_slice %arg3[%dma_start3A_11, %dma_start3A_12] : memref<100000x4096xf32, #tpu.memory_space<hbm>> -> memref<100000x4096xf32, #tpu.memory_space<hbm>>
    tpu.enqueue_indirect_dma source(%dma_start3A_13 : memref<100000x4096xf32, #tpu.memory_space<hbm>>) target(%arg7 : memref<8x4096xf32, #tpu.memory_space<vmem>>) offsets(%dma_start3A_10 : memref<8xi32, #tpu.memory_space<vmem>>) semaphore(%arg10 : memref<!tpu.dma_semaphore, #tpu.memory_space<semaphore_mem>>)
    %dma_start3A_14 = arith.constant 2 : i32
    %dma_start3A_15 = arith.constant 0 : i32
    %dma_start3A_16 = tpu.memref_slice %arg5[%dma_start3A_14, %dma_start3A_15] : memref<32x8xi32, #tpu.memory_space<vmem>> -> memref<1x8xi32, #tpu.memory_space<vmem>>
    %dma_start3A_17 = tpu.memref_squeeze %dma_start3A_16 : memref<1x8xi32, #tpu.memory_space<vmem>> -> memref<8xi32, #tpu.memory_space<vmem>>
    %dma_start3A_18 = arith.constant 0 : i32
    %dma_start3A_19 = arith.constant 0 : i32
    %dma_start3A_20 = tpu.memref_slice %arg3[%dma_start3A_18, %dma_start3A_19] : memref<100000x4096xf32, #tpu.memory_space<hbm>> -> memref<100000x4096xf32, #tpu.memory_space<hbm>>
    tpu.enqueue_indirect_dma source(%dma_start3A_20 : memref<100000x4096xf32, #tpu.memory_space<hbm>>) target(%arg8 : memref<8x4096xf32, #tpu.memory_space<vmem>>) offsets(%dma_start3A_17 : memref<8xi32, #tpu.memory_space<vmem>>) semaphore(%arg11 : memref<!tpu.dma_semaphore, #tpu.memory_space<semaphore_mem>>)
    %dma_wait3A = arith.constant 0 : i32
    %dma_wait3A_21 = arith.constant 0 : i32
    %dma_wait3A_22 = tpu.memref_slice %arg5[%dma_wait3A, %dma_wait3A_21] : memref<32x8xi32, #tpu.memory_space<vmem>> -> memref<1x8xi32, #tpu.memory_space<vmem>>
    %dma_wait3A_23 = tpu.memref_squeeze %dma_wait3A_22 : memref<1x8xi32, #tpu.memory_space<vmem>> -> memref<8xi32, #tpu.memory_space<vmem>>
    %dma_wait3A_24 = arith.constant 0 : i32
    %dma_wait3A_25 = arith.constant 0 : i32
    %dma_wait3A_26 = tpu.memref_slice %arg3[%dma_wait3A_24, %dma_wait3A_25] : memref<100000x4096xf32, #tpu.memory_space<hbm>> -> memref<100000x4096xf32, #tpu.memory_space<hbm>>
    tpu.wait_indirect_dma semaphore(%arg9 : memref<!tpu.dma_semaphore, #tpu.memory_space<semaphore_mem>>) src(%dma_wait3A_26 : memref<100000x4096xf32, #tpu.memory_space<hbm>>) dst(%arg6 : memref<8x4096xf32, #tpu.memory_space<vmem>>)
    %dma_start3A_27 = arith.constant 0 : i32
    %dma_start3A_28 = arith.constant 0 : i32
    %dma_start3A_29 = arith.constant 0 : i32
    %dma_start3A_30 = tpu.memref_slice %arg4[%dma_start3A_27, %add3A, %dma_start3A_28, %dma_start3A_29] : memref<32x32x8x4096xf32, #tpu.memory_space<hbm>> -> memref<1x1x8x4096xf32, #tpu.memory_space<hbm>>
    %dma_start3A_31 = tpu.memref_squeeze %dma_start3A_30 : memref<1x1x8x4096xf32, #tpu.memory_space<hbm>> -> memref<8x4096xf32, #tpu.memory_space<hbm>>
    %dma_start3A_32 = arith.constant 0 : i32
    %dma_start3A_33 = arith.constant 0 : i32
    %dma_start3A_34 = tpu.memref_slice %arg4[%dma_start3A_27, %add3A, %dma_start3A_32, %dma_start3A_33] : memref<32x32x8x4096xf32, #tpu.memory_space<hbm>> -> memref<1x1x8x4096xf32, #tpu.memory_space<hbm>>
    %dma_start3A_35 = tpu.memref_squeeze %dma_start3A_34 : memref<1x1x8x4096xf32, #tpu.memory_space<hbm>> -> memref<8x4096xf32, #tpu.memory_space<hbm>>
    tpu.enqueue_dma source(%arg6 : memref<8x4096xf32, #tpu.memory_space<vmem>>) target(%dma_start3A_35 : memref<8x4096xf32, #tpu.memory_space<hbm>>) target_semaphore(%arg12 : memref<!tpu.dma_semaphore, #tpu.memory_space<semaphore_mem>>)
    %dma_wait3A_36 = arith.constant 0 : i32
    %dma_wait3A_37 = arith.constant 0 : i32
    %dma_wait3A_38 = arith.constant 0 : i32
    %dma_wait3A_39 = tpu.memref_slice %arg4[%dma_wait3A_36, %add3A, %dma_wait3A_37, %dma_wait3A_38] : memref<32x32x8x4096xf32, #tpu.memory_space<hbm>> -> memref<1x1x8x4096xf32, #tpu.memory_space<hbm>>
    %dma_wait3A_40 = tpu.memref_squeeze %dma_wait3A_39 : memref<1x1x8x4096xf32, #tpu.memory_space<hbm>> -> memref<8x4096xf32, #tpu.memory_space<hbm>>
    %dma_wait3A_41 = arith.constant 0 : i32
    %dma_wait3A_42 = arith.constant 0 : i32
    %dma_wait3A_43 = tpu.memref_slice %arg4[%dma_wait3A_36, %add3A, %dma_wait3A_41, %dma_wait3A_42] : memref<32x32x8x4096xf32, #tpu.memory_space<hbm>> -> memref<1x1x8x4096xf32, #tpu.memory_space<hbm>>
    %dma_wait3A_44 = tpu.memref_squeeze %dma_wait3A_43 : memref<1x1x8x4096xf32, #tpu.memory_space<hbm>> -> memref<8x4096xf32, #tpu.memory_space<hbm>>
    tpu.wait_dma2 semaphore(%arg12 : memref<!tpu.dma_semaphore, #tpu.memory_space<semaphore_mem>>) src(%arg6 : memref<8x4096xf32, #tpu.memory_space<vmem>>) dst(%dma_wait3A_44 : memref<8x4096xf32, #tpu.memory_space<hbm>>)
    %dma_start3A_45 = arith.constant 3 : i32
    %dma_start3A_46 = arith.constant 0 : i32
    %dma_start3A_47 = tpu.memref_slice %arg5[%dma_start3A_45, %dma_start3A_46] : memref<32x8xi32, #tpu.memory_space<vmem>> -> memref<1x8xi32, #tpu.memory_space<vmem>>
    %dma_start3A_48 = tpu.memref_squeeze %dma_start3A_47 : memref<1x8xi32, #tpu.memory_space<vmem>> -> memref<8xi32, #tpu.memory_space<vmem>>
    %dma_start3A_49 = arith.constant 0 : i32
    %dma_start3A_50 = arith.constant 0 : i32
    %dma_start3A_51 = tpu.memref_slice %arg3[%dma_start3A_49, %dma_start3A_50] : memref<100000x4096xf32, #tpu.memory_space<hbm>> -> memref<100000x4096xf32, #tpu.memory_space<hbm>>
    tpu.enqueue_indirect_dma source(%dma_start3A_51 : memref<100000x4096xf32, #tpu.memory_space<hbm>>) target(%arg6 : memref<8x4096xf32, #tpu.memory_space<vmem>>) offsets(%dma_start3A_48 : memref<8xi32, #tpu.memory_space<vmem>>) semaphore(%arg9 : memref<!tpu.dma_semaphore, #tpu.memory_space<semaphore_mem>>)
    %dma_wait3A_52 = arith.constant 0 : i32
    %dma_wait3A_53 = arith.constant 0 : i32
    %dma_wait3A_54 = tpu.memref_slice %arg5[%dma_wait3A_52, %dma_wait3A_53] : memref<32x8xi32, #tpu.memory_space<vmem>> -> memref<1x8xi32, #tpu.memory_space<vmem>>
    %dma_wait3A_55 = tpu.memref_squeeze %dma_wait3A_54 : memref<1x8xi32, #tpu.memory_space<vmem>> -> memref<8xi32, #tpu.memory_space<vmem>>
    %dma_wait3A_56 = arith.constant 0 : i32
    %dma_wait3A_57 = arith.constant 0 : i32
    %dma_wait3A_58 = tpu.memref_slice %arg3[%dma_wait3A_56, %dma_wait3A_57] : memref<100000x4096xf32, #tpu.memory_space<hbm>> -> memref<100000x4096xf32, #tpu.memory_space<hbm>>
    tpu.wait_indirect_dma semaphore(%arg10 : memref<!tpu.dma_semaphore, #tpu.memory_space<semaphore_mem>>) src(%dma_wait3A_58 : memref<100000x4096xf32, #tpu.memory_space<hbm>>) dst(%arg7 : memref<8x4096xf32, #tpu.memory_space<vmem>>)
    %dma_start3A_59 = arith.constant 1 : i32
    %dma_start3A_60 = arith.constant 0 : i32
    %dma_start3A_61 = arith.constant 0 : i32
    %dma_start3A_62 = tpu.memref_slice %arg4[%dma_start3A_59, %add3A, %dma_start3A_60, %dma_start3A_61] : memref<32x32x8x4096xf32, #tpu.memory_space<hbm>> -> memref<1x1x8x4096xf32, #tpu.memory_space<hbm>>
    %dma_start3A_63 = tpu.memref_squeeze %dma_start3A_62 : memref<1x1x8x4096xf32, #tpu.memory_space<hbm>> -> memref<8x4096xf32, #tpu.memory_space<hbm>>
    %dma_start3A_64 = arith.constant 0 : i32
    %dma_start3A_65 = arith.constant 0 : i32
    %dma_start3A_66 = tpu.memref_slice %arg4[%dma_start3A_59, %add3A, %dma_start3A_64, %dma_start3A_65] : memref<32x32x8x4096xf32, #tpu.memory_space<hbm>> -> memref<1x1x8x4096xf32, #tpu.memory_space<hbm>>
    %dma_start3A_67 = tpu.memref_squeeze %dma_start3A_66 : memref<1x1x8x4096xf32, #tpu.memory_space<hbm>> -> memref<8x4096xf32, #tpu.memory_space<hbm>>
    tpu.enqueue_dma source(%arg7 : memref<8x4096xf32, #tpu.memory_space<vmem>>) target(%dma_start3A_67 : memref<8x4096xf32, #tpu.memory_space<hbm>>) target_semaphore(%arg13 : memref<!tpu.dma_semaphore, #tpu.memory_space<semaphore_mem>>)
    %dma_wait3A_68 = arith.constant 0 : i32
    %dma_wait3A_69 = arith.constant 0 : i32
    %dma_wait3A_70 = arith.constant 0 : i32
    %dma_wait3A_71 = tpu.memref_slice %arg4[%dma_wait3A_68, %add3A, %dma_wait3A_69, %dma_wait3A_70] : memref<32x32x8x4096xf32, #tpu.memory_space<hbm>> -> memref<1x1x8x4096xf32, #tpu.memory_space<hbm>>
    %dma_wait3A_72 = tpu.memref_squeeze %dma_wait3A_71 : memref<1x1x8x4096xf32, #tpu.memory_space<hbm>> -> memref<8x4096xf32, #tpu.memory_space<hbm>>
    %dma_wait3A_73 = arith.constant 0 : i32
    %dma_wait3A_74 = arith.constant 0 : i32
    %dma_wait3A_75 = tpu.memref_slice %arg4[%dma_wait3A_68, %add3A, %dma_wait3A_73, %dma_wait3A_74] : memref<32x32x8x4096xf32, #tpu.memory_space<hbm>> -> memref<1x1x8x4096xf32, #tpu.memory_space<hbm>>
    %dma_wait3A_76 = tpu.memref_squeeze %dma_wait3A_75 : memref<1x1x8x4096xf32, #tpu.memory_space<hbm>> -> memref<8x4096xf32, #tpu.memory_space<hbm>>
    tpu.wait_dma2 semaphore(%arg13 : memref<!tpu.dma_semaphore, #tpu.memory_space<semaphore_mem>>) src(%arg7 : memref<8x4096xf32, #tpu.memory_space<vmem>>) dst(%dma_wait3A_76 : memref<8x4096xf32, #tpu.memory_space<hbm>>)
    %dma_start3A_77 = arith.constant 4 : i32
    %dma_start3A_78 = arith.constant 0 : i32
    %dma_start3A_79 = tpu.memref_slice %arg5[%dma_start3A_77, %dma_start3A_78] : memref<32x8xi32, #tpu.memory_space<vmem>> -> memref<1x8xi32, #tpu.memory_space<vmem>>
    %dma_start3A_80 = tpu.memref_squeeze %dma_start3A_79 : memref<1x8xi32, #tpu.memory_space<vmem>> -> memref<8xi32, #tpu.memory_space<vmem>>
    %dma_start3A_81 = arith.constant 0 : i32
    %dma_start3A_82 = arith.constant 0 : i32
    %dma_start3A_83 = tpu.memref_slice %arg3[%dma_start3A_81, %dma_start3A_82] : memref<100000x4096xf32, #tpu.memory_space<hbm>> -> memref<100000x4096xf32, #tpu.memory_space<hbm>>
    tpu.enqueue_indirect_dma source(%dma_start3A_83 : memref<100000x4096xf32, #tpu.memory_space<hbm>>) target(%arg7 : memref<8x4096xf32, #tpu.memory_space<vmem>>) offsets(%dma_start3A_80 : memref<8xi32, #tpu.memory_space<vmem>>) semaphore(%arg10 : memref<!tpu.dma_semaphore, #tpu.memory_space<semaphore_mem>>)
    %dma_wait3A_84 = arith.constant 0 : i32
    %dma_wait3A_85 = arith.constant 0 : i32
    %dma_wait3A_86 = tpu.memref_slice %arg5[%dma_wait3A_84, %dma_wait3A_85] : memref<32x8xi32, #tpu.memory_space<vmem>> -> memref<1x8xi32, #tpu.memory_space<vmem>>
    %dma_wait3A_87 = tpu.memref_squeeze %dma_wait3A_86 : memref<1x8xi32, #tpu.memory_space<vmem>> -> memref<8xi32, #tpu.memory_space<vmem>>
    %dma_wait3A_88 = arith.constant 0 : i32
    %dma_wait3A_89 = arith.constant 0 : i32
    %dma_wait3A_90 = tpu.memref_slice %arg3[%dma_wait3A_88, %dma_wait3A_89] : memref<100000x4096xf32, #tpu.memory_space<hbm>> -> memref<100000x4096xf32, #tpu.memory_space<hbm>>
    tpu.wait_indirect_dma semaphore(%arg11 : memref<!tpu.dma_semaphore, #tpu.memory_space<semaphore_mem>>) src(%dma_wait3A_90 : memref<100000x4096xf32, #tpu.memory_space<hbm>>) dst(%arg8 : memref<8x4096xf32, #tpu.memory_space<vmem>>)
    %dma_start3A_91 = arith.constant 2 : i32
    %dma_start3A_92 = arith.constant 0 : i32
    %dma_start3A_93 = arith.constant 0 : i32
    %dma_start3A_94 = tpu.memref_slice %arg4[%dma_start3A_91, %add3A, %dma_start3A_92, %dma_start3A_93] : memref<32x32x8x4096xf32, #tpu.memory_space<hbm>> -> memref<1x1x8x4096xf32, #tpu.memory_space<hbm>>
    %dma_start3A_95 = tpu.memref_squeeze %dma_start3A_94 : memref<1x1x8x4096xf32, #tpu.memory_space<hbm>> -> memref<8x4096xf32, #tpu.memory_space<hbm>>
    %dma_start3A_96 = arith.constant 0 : i32
    %dma_start3A_97 = arith.constant 0 : i32
    %dma_start3A_98 = tpu.memref_slice %arg4[%dma_start3A_91, %add3A, %dma_start3A_96, %dma_start3A_97] : memref<32x32x8x4096xf32, #tpu.memory_space<hbm>> -> memref<1x1x8x4096xf32, #tpu.memory_space<hbm>>
    %dma_start3A_99 = tpu.memref_squeeze %dma_start3A_98 : memref<1x1x8x4096xf32, #tpu.memory_space<hbm>> -> memref<8x4096xf32, #tpu.memory_space<hbm>>
    tpu.enqueue_dma source(%arg8 : memref<8x4096xf32, #tpu.memory_space<vmem>>) target(%dma_start3A_99 : memref<8x4096xf32, #tpu.memory_space<hbm>>) target_semaphore(%arg14 : memref<!tpu.dma_semaphore, #tpu.memory_space<semaphore_mem>>)
    %dma_wait3A_100 = arith.constant 0 : i32
    %dma_wait3A_101 = arith.constant 0 : i32
    %dma_wait3A_102 = arith.constant 0 : i32
    %dma_wait3A_103 = tpu.memref_slice %arg4[%dma_wait3A_100, %add3A, %dma_wait3A_101, %dma_wait3A_102] : memref<32x32x8x4096xf32, #tpu.memory_space<hbm>> -> memref<1x1x8x4096xf32, #tpu.memory_space<hbm>>
    %dma_wait3A_104 = tpu.memref_squeeze %dma_wait3A_103 : memref<1x1x8x4096xf32, #tpu.memory_space<hbm>> -> memref<8x4096xf32, #tpu.memory_space<hbm>>
    %dma_wait3A_105 = arith.constant 0 : i32
    %dma_wait3A_106 = arith.constant 0 : i32
    %dma_wait3A_107 = tpu.memref_slice %arg4[%dma_wait3A_100, %add3A, %dma_wait3A_105, %dma_wait3A_106] : memref<32x32x8x4096xf32, #tpu.memory_space<hbm>> -> memref<1x1x8x4096xf32, #tpu.memory_space<hbm>>
    %dma_wait3A_108 = tpu.memref_squeeze %dma_wait3A_107 : memref<1x1x8x4096xf32, #tpu.memory_space<hbm>> -> memref<8x4096xf32, #tpu.memory_space<hbm>>
    tpu.wait_dma2 semaphore(%arg14 : memref<!tpu.dma_semaphore, #tpu.memory_space<semaphore_mem>>) src(%arg8 : memref<8x4096xf32, #tpu.memory_space<vmem>>) dst(%dma_wait3A_108 : memref<8x4096xf32, #tpu.memory_space<hbm>>)
    %dma_start3A_109 = arith.constant 5 : i32
    %dma_start3A_110 = arith.constant 0 : i32
    %dma_start3A_111 = tpu.memref_slice %arg5[%dma_start3A_109, %dma_start3A_110] : memref<32x8xi32, #tpu.memory_space<vmem>> -> memref<1x8xi32, #tpu.memory_space<vmem>>
    %dma_start3A_112 = tpu.memref_squeeze %dma_start3A_111 : memref<1x8xi32, #tpu.memory_space<vmem>> -> memref<8xi32, #tpu.memory_space<vmem>>
    %dma_start3A_113 = arith.constant 0 : i32
    %dma_start3A_114 = arith.constant 0 : i32
    %dma_start3A_115 = tpu.memref_slice %arg3[%dma_start3A_113, %dma_start3A_114] : memref<100000x4096xf32, #tpu.memory_space<hbm>> -> memref<100000x4096xf32, #tpu.memory_space<hbm>>
    tpu.enqueue_indirect_dma source(%dma_start3A_115 : memref<100000x4096xf32, #tpu.memory_space<hbm>>) target(%arg8 : memref<8x4096xf32, #tpu.memory_space<vmem>>) offsets(%dma_start3A_112 : memref<8xi32, #tpu.memory_space<vmem>>) semaphore(%arg11 : memref<!tpu.dma_semaphore, #tpu.memory_space<semaphore_mem>>)
    %dma_wait3A_116 = arith.constant 0 : i32
    %dma_wait3A_117 = arith.constant 0 : i32
    %dma_wait3A_118 = tpu.memref_slice %arg5[%dma_wait3A_116, %dma_wait3A_117] : memref<32x8xi32, #tpu.memory_space<vmem>> -> memref<1x8xi32, #tpu.memory_space<vmem>>
    %dma_wait3A_119 = tpu.memref_squeeze %dma_wait3A_118 : memref<1x8xi32, #tpu.memory_space<vmem>> -> memref<8xi32, #tpu.memory_space<vmem>>
    %dma_wait3A_120 = arith.constant 0 : i32
    %dma_wait3A_121 = arith.constant 0 : i32
    %dma_wait3A_122 = tpu.memref_slice %arg3[%dma_wait3A_120, %dma_wait3A_121] : memref<100000x4096xf32, #tpu.memory_space<hbm>> -> memref<100000x4096xf32, #tpu.memory_space<hbm>>
    tpu.wait_indirect_dma semaphore(%arg9 : memref<!tpu.dma_semaphore, #tpu.memory_space<semaphore_mem>>) src(%dma_wait3A_122 : memref<100000x4096xf32, #tpu.memory_space<hbm>>) dst(%arg6 : memref<8x4096xf32, #tpu.memory_space<vmem>>)
    %dma_start3A_123 = arith.constant 3 : i32
    %dma_start3A_124 = arith.constant 0 : i32
    %dma_start3A_125 = arith.constant 0 : i32
    %dma_start3A_126 = tpu.memref_slice %arg4[%dma_start3A_123, %add3A, %dma_start3A_124, %dma_start3A_125] : memref<32x32x8x4096xf32, #tpu.memory_space<hbm>> -> memref<1x1x8x4096xf32, #tpu.memory_space<hbm>>
    %dma_start3A_127 = tpu.memref_squeeze %dma_start3A_126 : memref<1x1x8x4096xf32, #tpu.memory_space<hbm>> -> memref<8x4096xf32, #tpu.memory_space<hbm>>
    %dma_start3A_128 = arith.constant 0 : i32
    %dma_start3A_129 = arith.constant 0 : i32
    %dma_start3A_130 = tpu.memref_slice %arg4[%dma_start3A_123, %add3A, %dma_start3A_128, %dma_start3A_129] : memref<32x32x8x4096xf32, #tpu.memory_space<hbm>> -> memref<1x1x8x4096xf32, #tpu.memory_space<hbm>>
    %dma_start3A_131 = tpu.memref_squeeze %dma_start3A_130 : memref<1x1x8x4096xf32, #tpu.memory_space<hbm>> -> memref<8x4096xf32, #tpu.memory_space<hbm>>
    tpu.enqueue_dma source(%arg6 : memref<8x4096xf32, #tpu.memory_space<vmem>>) target(%dma_start3A_131 : memref<8x4096xf32, #tpu.memory_space<hbm>>) target_semaphore(%arg12 : memref<!tpu.dma_semaphore, #tpu.memory_space<semaphore_mem>>)
    %dma_wait3A_132 = arith.constant 0 : i32
    %dma_wait3A_133 = arith.constant 0 : i32
    %dma_wait3A_134 = arith.constant 0 : i32
    %dma_wait3A_135 = tpu.memref_slice %arg4[%dma_wait3A_132, %add3A, %dma_wait3A_133, %dma_wait3A_134] : memref<32x32x8x4096xf32, #tpu.memory_space<hbm>> -> memref<1x1x8x4096xf32, #tpu.memory_space<hbm>>
    %dma_wait3A_136 = tpu.memref_squeeze %dma_wait3A_135 : memref<1x1x8x4096xf32, #tpu.memory_space<hbm>> -> memref<8x4096xf32, #tpu.memory_space<hbm>>
    %dma_wait3A_137 = arith.constant 0 : i32
    %dma_wait3A_138 = arith.constant 0 : i32
    %dma_wait3A_139 = tpu.memref_slice %arg4[%dma_wait3A_132, %add3A, %dma_wait3A_137, %dma_wait3A_138] : memref<32x32x8x4096xf32, #tpu.memory_space<hbm>> -> memref<1x1x8x4096xf32, #tpu.memory_space<hbm>>
    %dma_wait3A_140 = tpu.memref_squeeze %dma_wait3A_139 : memref<1x1x8x4096xf32, #tpu.memory_space<hbm>> -> memref<8x4096xf32, #tpu.memory_space<hbm>>
    tpu.wait_dma2 semaphore(%arg12 : memref<!tpu.dma_semaphore, #tpu.memory_space<semaphore_mem>>) src(%arg6 : memref<8x4096xf32, #tpu.memory_space<vmem>>) dst(%dma_wait3A_140 : memref<8x4096xf32, #tpu.memory_space<hbm>>)
    %dma_start3A_141 = arith.constant 6 : i32
    %dma_start3A_142 = arith.constant 0 : i32
    %dma_start3A_143 = tpu.memref_slice %arg5[%dma_start3A_141, %dma_start3A_142] : memref<32x8xi32, #tpu.memory_space<vmem>> -> memref<1x8xi32, #tpu.memory_space<vmem>>
    %dma_start3A_144 = tpu.memref_squeeze %dma_start3A_143 : memref<1x8xi32, #tpu.memory_space<vmem>> -> memref<8xi32, #tpu.memory_space<vmem>>
    %dma_start3A_145 = arith.constant 0 : i32
    %dma_start3A_146 = arith.constant 0 : i32
    %dma_start3A_147 = tpu.memref_slice %arg3[%dma_start3A_145, %dma_start3A_146] : memref<100000x4096xf32, #tpu.memory_space<hbm>> -> memref<100000x4096xf32, #tpu.memory_space<hbm>>
    tpu.enqueue_indirect_dma source(%dma_start3A_147 : memref<100000x4096xf32, #tpu.memory_space<hbm>>) target(%arg6 : memref<8x4096xf32, #tpu.memory_space<vmem>>) offsets(%dma_start3A_144 : memref<8xi32, #tpu.memory_space<vmem>>) semaphore(%arg9 : memref<!tpu.dma_semaphore, #tpu.memory_space<semaphore_mem>>)
    %dma_wait3A_148 = arith.constant 0 : i32
    %dma_wait3A_149 = arith.constant 0 : i32
    %dma_wait3A_150 = tpu.memref_slice %arg5[%dma_wait3A_148, %dma_wait3A_149] : memref<32x8xi32, #tpu.memory_space<vmem>> -> memref<1x8xi32, #tpu.memory_space<vmem>>
    %dma_wait3A_151 = tpu.memref_squeeze %dma_wait3A_150 : memref<1x8xi32, #tpu.memory_space<vmem>> -> memref<8xi32, #tpu.memory_space<vmem>>
    %dma_wait3A_152 = arith.constant 0 : i32
    %dma_wait3A_153 = arith.constant 0 : i32
    %dma_wait3A_154 = tpu.memref_slice %arg3[%dma_wait3A_152, %dma_wait3A_153] : memref<100000x4096xf32, #tpu.memory_space<hbm>> -> memref<100000x4096xf32, #tpu.memory_space<hbm>>
    tpu.wait_indirect_dma semaphore(%arg10 : memref<!tpu.dma_semaphore, #tpu.memory_space<semaphore_mem>>) src(%dma_wait3A_154 : memref<100000x4096xf32, #tpu.memory_space<hbm>>) dst(%arg7 : memref<8x4096xf32, #tpu.memory_space<vmem>>)
    %dma_start3A_155 = arith.constant 4 : i32
    %dma_start3A_156 = arith.constant 0 : i32
    %dma_start3A_157 = arith.constant 0 : i32
    %dma_start3A_158 = tpu.memref_slice %arg4[%dma_start3A_155, %add3A, %dma_start3A_156, %dma_start3A_157] : memref<32x32x8x4096xf32, #tpu.memory_space<hbm>> -> memref<1x1x8x4096xf32, #tpu.memory_space<hbm>>
    %dma_start3A_159 = tpu.memref_squeeze %dma_start3A_158 : memref<1x1x8x4096xf32, #tpu.memory_space<hbm>> -> memref<8x4096xf32, #tpu.memory_space<hbm>>
    %dma_start3A_160 = arith.constant 0 : i32
    %dma_start3A_161 = arith.constant 0 : i32
    %dma_start3A_162 = tpu.memref_slice %arg4[%dma_start3A_155, %add3A, %dma_start3A_160, %dma_start3A_161] : memref<32x32x8x4096xf32, #tpu.memory_space<hbm>> -> memref<1x1x8x4096xf32, #tpu.memory_space<hbm>>
    %dma_start3A_163 = tpu.memref_squeeze %dma_start3A_162 : memref<1x1x8x4096xf32, #tpu.memory_space<hbm>> -> memref<8x4096xf32, #tpu.memory_space<hbm>>
    tpu.enqueue_dma source(%arg7 : memref<8x4096xf32, #tpu.memory_space<vmem>>) target(%dma_start3A_163 : memref<8x4096xf32, #tpu.memory_space<hbm>>) target_semaphore(%arg13 : memref<!tpu.dma_semaphore, #tpu.memory_space<semaphore_mem>>)
    %dma_wait3A_164 = arith.constant 0 : i32
    %dma_wait3A_165 = arith.constant 0 : i32
    %dma_wait3A_166 = arith.constant 0 : i32
    %dma_wait3A_167 = tpu.memref_slice %arg4[%dma_wait3A_164, %add3A, %dma_wait3A_165, %dma_wait3A_166] : memref<32x32x8x4096xf32, #tpu.memory_space<hbm>> -> memref<1x1x8x4096xf32, #tpu.memory_space<hbm>>
    %dma_wait3A_168 = tpu.memref_squeeze %dma_wait3A_167 : memref<1x1x8x4096xf32, #tpu.memory_space<hbm>> -> memref<8x4096xf32, #tpu.memory_space<hbm>>
    %dma_wait3A_169 = arith.constant 0 : i32
    %dma_wait3A_170 = arith.constant 0 : i32
    %dma_wait3A_171 = tpu.memref_slice %arg4[%dma_wait3A_164, %add3A, %dma_wait3A_169, %dma_wait3A_170] : memref<32x32x8x4096xf32, #tpu.memory_space<hbm>> -> memref<1x1x8x4096xf32, #tpu.memory_space<hbm>>
    %dma_wait3A_172 = tpu.memref_squeeze %dma_wait3A_171 : memref<1x1x8x4096xf32, #tpu.memory_space<hbm>> -> memref<8x4096xf32, #tpu.memory_space<hbm>>
    tpu.wait_dma2 semaphore(%arg13 : memref<!tpu.dma_semaphore, #tpu.memory_space<semaphore_mem>>) src(%arg7 : memref<8x4096xf32, #tpu.memory_space<vmem>>) dst(%dma_wait3A_172 : memref<8x4096xf32, #tpu.memory_space<hbm>>)
    %dma_start3A_173 = arith.constant 7 : i32
    %dma_start3A_174 = arith.constant 0 : i32
    %dma_start3A_175 = tpu.memref_slice %arg5[%dma_start3A_173, %dma_start3A_174] : memref<32x8xi32, #tpu.memory_space<vmem>> -> memref<1x8xi32, #tpu.memory_space<vmem>>
    %dma_start3A_176 = tpu.memref_squeeze %dma_start3A_175 : memref<1x8xi32, #tpu.memory_space<vmem>> -> memref<8xi32, #tpu.memory_space<vmem>>
    %dma_start3A_177 = arith.constant 0 : i32
    %dma_start3A_178 = arith.constant 0 : i32
    %dma_start3A_179 = tpu.memref_slice %arg3[%dma_start3A_177, %dma_start3A_178] : memref<100000x4096xf32, #tpu.memory_space<hbm>> -> memref<100000x4096xf32, #tpu.memory_space<hbm>>
    tpu.enqueue_indirect_dma source(%dma_start3A_179 : memref<100000x4096xf32, #tpu.memory_space<hbm>>) target(%arg7 : memref<8x4096xf32, #tpu.memory_space<vmem>>) offsets(%dma_start3A_176 : memref<8xi32, #tpu.memory_space<vmem>>) semaphore(%arg10 : memref<!tpu.dma_semaphore, #tpu.memory_space<semaphore_mem>>)
    %dma_wait3A_180 = arith.constant 0 : i32
    %dma_wait3A_181 = arith.constant 0 : i32
    %dma_wait3A_182 = tpu.memref_slice %arg5[%dma_wait3A_180, %dma_wait3A_181] : memref<32x8xi32, #tpu.memory_space<vmem>> -> memref<1x8xi32, #tpu.memory_space<vmem>>
    %dma_wait3A_183 = tpu.memref_squeeze %dma_wait3A_182 : memref<1x8xi32, #tpu.memory_space<vmem>> -> memref<8xi32, #tpu.memory_space<vmem>>
    %dma_wait3A_184 = arith.constant 0 : i32
    %dma_wait3A_185 = arith.constant 0 : i32
    %dma_wait3A_186 = tpu.memref_slice %arg3[%dma_wait3A_184, %dma_wait3A_185] : memref<100000x4096xf32, #tpu.memory_space<hbm>> -> memref<100000x4096xf32, #tpu.memory_space<hbm>>
    tpu.wait_indirect_dma semaphore(%arg11 : memref<!tpu.dma_semaphore, #tpu.memory_space<semaphore_mem>>) src(%dma_wait3A_186 : memref<100000x4096xf32, #tpu.memory_space<hbm>>) dst(%arg8 : memref<8x4096xf32, #tpu.memory_space<vmem>>)
    %dma_start3A_187 = arith.constant 5 : i32
    %dma_start3A_188 = arith.constant 0 : i32
    %dma_start3A_189 = arith.constant 0 : i32
    %dma_start3A_190 = tpu.memref_slice %arg4[%dma_start3A_187, %add3A, %dma_start3A_188, %dma_start3A_189] : memref<32x32x8x4096xf32, #tpu.memory_space<hbm>> -> memref<1x1x8x4096xf32, #tpu.memory_space<hbm>>
    %dma_start3A_191 = tpu.memref_squeeze %dma_start3A_190 : memref<1x1x8x4096xf32, #tpu.memory_space<hbm>> -> memref<8x4096xf32, #tpu.memory_space<hbm>>
    %dma_start3A_192 = arith.constant 0 : i32
    %dma_start3A_193 = arith.constant 0 : i32
    %dma_start3A_194 = tpu.memref_slice %arg4[%dma_start3A_187, %add3A, %dma_start3A_192, %dma_start3A_193] : memref<32x32x8x4096xf32, #tpu.memory_space<hbm>> -> memref<1x1x8x4096xf32, #tpu.memory_space<hbm>>
    %dma_start3A_195 = tpu.memref_squeeze %dma_start3A_194 : memref<1x1x8x4096xf32, #tpu.memory_space<hbm>> -> memref<8x4096xf32, #tpu.memory_space<hbm>>
    tpu.enqueue_dma source(%arg8 : memref<8x4096xf32, #tpu.memory_space<vmem>>) target(%dma_start3A_195 : memref<8x4096xf32, #tpu.memory_space<hbm>>) target_semaphore(%arg14 : memref<!tpu.dma_semaphore, #tpu.memory_space<semaphore_mem>>)
    %dma_wait3A_196 = arith.constant 0 : i32
    %dma_wait3A_197 = arith.constant 0 : i32
    %dma_wait3A_198 = arith.constant 0 : i32
    %dma_wait3A_199 = tpu.memref_slice %arg4[%dma_wait3A_196, %add3A, %dma_wait3A_197, %dma_wait3A_198] : memref<32x32x8x4096xf32, #tpu.memory_space<hbm>> -> memref<1x1x8x4096xf32, #tpu.memory_space<hbm>>
    %dma_wait3A_200 = tpu.memref_squeeze %dma_wait3A_199 : memref<1x1x8x4096xf32, #tpu.memory_space<hbm>> -> memref<8x4096xf32, #tpu.memory_space<hbm>>
    %dma_wait3A_201 = arith.constant 0 : i32
    %dma_wait3A_202 = arith.constant 0 : i32
    %dma_wait3A_203 = tpu.memref_slice %arg4[%dma_wait3A_196, %add3A, %dma_wait3A_201, %dma_wait3A_202] : memref<32x32x8x4096xf32, #tpu.memory_space<hbm>> -> memref<1x1x8x4096xf32, #tpu.memory_space<hbm>>
    %dma_wait3A_204 = tpu.memref_squeeze %dma_wait3A_203 : memref<1x1x8x4096xf32, #tpu.memory_space<hbm>> -> memref<8x4096xf32, #tpu.memory_space<hbm>>
    tpu.wait_dma2 semaphore(%arg14 : memref<!tpu.dma_semaphore, #tpu.memory_space<semaphore_mem>>) src(%arg8 : memref<8x4096xf32, #tpu.memory_space<vmem>>) dst(%dma_wait3A_204 : memref<8x4096xf32, #tpu.memory_space<hbm>>)
    %dma_start3A_205 = arith.constant 8 : i32
    %dma_start3A_206 = arith.constant 0 : i32
    %dma_start3A_207 = tpu.memref_slice %arg5[%dma_start3A_205, %dma_start3A_206] : memref<32x8xi32, #tpu.memory_space<vmem>> -> memref<1x8xi32, #tpu.memory_space<vmem>>
    %dma_start3A_208 = tpu.memref_squeeze %dma_start3A_207 : memref<1x8xi32, #tpu.memory_space<vmem>> -> memref<8xi32, #tpu.memory_space<vmem>>
    %dma_start3A_209 = arith.constant 0 : i32
    %dma_start3A_210 = arith.constant 0 : i32
    %dma_start3A_211 = tpu.memref_slice %arg3[%dma_start3A_209, %dma_start3A_210] : memref<100000x4096xf32, #tpu.memory_space<hbm>> -> memref<100000x4096xf32, #tpu.memory_space<hbm>>
    tpu.enqueue_indirect_dma source(%dma_start3A_211 : memref<100000x4096xf32, #tpu.memory_space<hbm>>) target(%arg8 : memref<8x4096xf32, #tpu.memory_space<vmem>>) offsets(%dma_start3A_208 : memref<8xi32, #tpu.memory_space<vmem>>) semaphore(%arg11 : memref<!tpu.dma_semaphore, #tpu.memory_space<semaphore_mem>>)
    %dma_wait3A_212 = arith.constant 0 : i32
    %dma_wait3A_213 = arith.constant 0 : i32
    %dma_wait3A_214 = tpu.memref_slice %arg5[%dma_wait3A_212, %dma_wait3A_213] : memref<32x8xi32, #tpu.memory_space<vmem>> -> memref<1x8xi32, #tpu.memory_space<vmem>>
    %dma_wait3A_215 = tpu.memref_squeeze %dma_wait3A_214 : memref<1x8xi32, #tpu.memory_space<vmem>> -> memref<8xi32, #tpu.memory_space<vmem>>
    %dma_wait3A_216 = arith.constant 0 : i32
    %dma_wait3A_217 = arith.constant 0 : i32
    %dma_wait3A_218 = tpu.memref_slice %arg3[%dma_wait3A_216, %dma_wait3A_217] : memref<100000x4096xf32, #tpu.memory_space<hbm>> -> memref<100000x4096xf32, #tpu.memory_space<hbm>>
    tpu.wait_indirect_dma semaphore(%arg9 : memref<!tpu.dma_semaphore, #tpu.memory_space<semaphore_mem>>) src(%dma_wait3A_218 : memref<100000x4096xf32, #tpu.memory_space<hbm>>) dst(%arg6 : memref<8x4096xf32, #tpu.memory_space<vmem>>)
    %dma_start3A_219 = arith.constant 6 : i32
    %dma_start3A_220 = arith.constant 0 : i32
    %dma_start3A_221 = arith.constant 0 : i32
    %dma_start3A_222 = tpu.memref_slice %arg4[%dma_start3A_219, %add3A, %dma_start3A_220, %dma_start3A_221] : memref<32x32x8x4096xf32, #tpu.memory_space<hbm>> -> memref<1x1x8x4096xf32, #tpu.memory_space<hbm>>
    %dma_start3A_223 = tpu.memref_squeeze %dma_start3A_222 : memref<1x1x8x4096xf32, #tpu.memory_space<hbm>> -> memref<8x4096xf32, #tpu.memory_space<hbm>>
    %dma_start3A_224 = arith.constant 0 : i32
    %dma_start3A_225 = arith.constant 0 : i32
    %dma_start3A_226 = tpu.memref_slice %arg4[%dma_start3A_219, %add3A, %dma_start3A_224, %dma_start3A_225] : memref<32x32x8x4096xf32, #tpu.memory_space<hbm>> -> memref<1x1x8x4096xf32, #tpu.memory_space<hbm>>
    %dma_start3A_227 = tpu.memref_squeeze %dma_start3A_226 : memref<1x1x8x4096xf32, #tpu.memory_space<hbm>> -> memref<8x4096xf32, #tpu.memory_space<hbm>>
    tpu.enqueue_dma source(%arg6 : memref<8x4096xf32, #tpu.memory_space<vmem>>) target(%dma_start3A_227 : memref<8x4096xf32, #tpu.memory_space<hbm>>) target_semaphore(%arg12 : memref<!tpu.dma_semaphore, #tpu.memory_space<semaphore_mem>>)
    %dma_wait3A_228 = arith.constant 0 : i32
    %dma_wait3A_229 = arith.constant 0 : i32
    %dma_wait3A_230 = arith.constant 0 : i32
    %dma_wait3A_231 = tpu.memref_slice %arg4[%dma_wait3A_228, %add3A, %dma_wait3A_229, %dma_wait3A_230] : memref<32x32x8x4096xf32, #tpu.memory_space<hbm>> -> memref<1x1x8x4096xf32, #tpu.memory_space<hbm>>
    %dma_wait3A_232 = tpu.memref_squeeze %dma_wait3A_231 : memref<1x1x8x4096xf32, #tpu.memory_space<hbm>> -> memref<8x4096xf32, #tpu.memory_space<hbm>>
    %dma_wait3A_233 = arith.constant 0 : i32
    %dma_wait3A_234 = arith.constant 0 : i32
    %dma_wait3A_235 = tpu.memref_slice %arg4[%dma_wait3A_228, %add3A, %dma_wait3A_233, %dma_wait3A_234] : memref<32x32x8x4096xf32, #tpu.memory_space<hbm>> -> memref<1x1x8x4096xf32, #tpu.memory_space<hbm>>
    %dma_wait3A_236 = tpu.memref_squeeze %dma_wait3A_235 : memref<1x1x8x4096xf32, #tpu.memory_space<hbm>> -> memref<8x4096xf32, #tpu.memory_space<hbm>>
    tpu.wait_dma2 semaphore(%arg12 : memref<!tpu.dma_semaphore, #tpu.memory_space<semaphore_mem>>) src(%arg6 : memref<8x4096xf32, #tpu.memory_space<vmem>>) dst(%dma_wait3A_236 : memref<8x4096xf32, #tpu.memory_space<hbm>>)
    %dma_start3A_237 = arith.constant 9 : i32
    %dma_start3A_238 = arith.constant 0 : i32
    %dma_start3A_239 = tpu.memref_slice %arg5[%dma_start3A_237, %dma_start3A_238] : memref<32x8xi32, #tpu.memory_space<vmem>> -> memref<1x8xi32, #tpu.memory_space<vmem>>
    %dma_start3A_240 = tpu.memref_squeeze %dma_start3A_239 : memref<1x8xi32, #tpu.memory_space<vmem>> -> memref<8xi32, #tpu.memory_space<vmem>>
    %dma_start3A_241 = arith.constant 0 : i32
    %dma_start3A_242 = arith.constant 0 : i32
    %dma_start3A_243 = tpu.memref_slice %arg3[%dma_start3A_241, %dma_start3A_242] : memref<100000x4096xf32, #tpu.memory_space<hbm>> -> memref<100000x4096xf32, #tpu.memory_space<hbm>>
    tpu.enqueue_indirect_dma source(%dma_start3A_243 : memref<100000x4096xf32, #tpu.memory_space<hbm>>) target(%arg6 : memref<8x4096xf32, #tpu.memory_space<vmem>>) offsets(%dma_start3A_240 : memref<8xi32, #tpu.memory_space<vmem>>) semaphore(%arg9 : memref<!tpu.dma_semaphore, #tpu.memory_space<semaphore_mem>>)
    %dma_wait3A_244 = arith.constant 0 : i32
    %dma_wait3A_245 = arith.constant 0 : i32
    %dma_wait3A_246 = tpu.memref_slice %arg5[%dma_wait3A_244, %dma_wait3A_245] : memref<32x8xi32, #tpu.memory_space<vmem>> -> memref<1x8xi32, #tpu.memory_space<vmem>>
    %dma_wait3A_247 = tpu.memref_squeeze %dma_wait3A_246 : memref<1x8xi32, #tpu.memory_space<vmem>> -> memref<8xi32, #tpu.memory_space<vmem>>
    %dma_wait3A_248 = arith.constant 0 : i32
    %dma_wait3A_249 = arith.constant 0 : i32
    %dma_wait3A_250 = tpu.memref_slice %arg3[%dma_wait3A_248, %dma_wait3A_249] : memref<100000x4096xf32, #tpu.memory_space<hbm>> -> memref<100000x4096xf32, #tpu.memory_space<hbm>>
    tpu.wait_indirect_dma semaphore(%arg10 : memref<!tpu.dma_semaphore, #tpu.memory_space<semaphore_mem>>) src(%dma_wait3A_250 : memref<100000x4096xf32, #tpu.memory_space<hbm>>) dst(%arg7 : memref<8x4096xf32, #tpu.memory_space<vmem>>)
    %dma_start3A_251 = arith.constant 7 : i32
    %dma_start3A_252 = arith.constant 0 : i32
    %dma_start3A_253 = arith.constant 0 : i32
    %dma_start3A_254 = tpu.memref_slice %arg4[%dma_start3A_251, %add3A, %dma_start3A_252, %dma_start3A_253] : memref<32x32x8x4096xf32, #tpu.memory_space<hbm>> -> memref<1x1x8x4096xf32, #tpu.memory_space<hbm>>
    %dma_start3A_255 = tpu.memref_squeeze %dma_start3A_254 : memref<1x1x8x4096xf32, #tpu.memory_space<hbm>> -> memref<8x4096xf32, #tpu.memory_space<hbm>>
    %dma_start3A_256 = arith.constant 0 : i32
    %dma_start3A_257 = arith.constant 0 : i32
    %dma_start3A_258 = tpu.memref_slice %arg4[%dma_start3A_251, %add3A, %dma_start3A_256, %dma_start3A_257] : memref<32x32x8x4096xf32, #tpu.memory_space<hbm>> -> memref<1x1x8x4096xf32, #tpu.memory_space<hbm>>
    %dma_start3A_259 = tpu.memref_squeeze %dma_start3A_258 : memref<1x1x8x4096xf32, #tpu.memory_space<hbm>> -> memref<8x4096xf32, #tpu.memory_space<hbm>>
    tpu.enqueue_dma source(%arg7 : memref<8x4096xf32, #tpu.memory_space<vmem>>) target(%dma_start3A_259 : memref<8x4096xf32, #tpu.memory_space<hbm>>) target_semaphore(%arg13 : memref<!tpu.dma_semaphore, #tpu.memory_space<semaphore_mem>>)
    %dma_wait3A_260 = arith.constant 0 : i32
    %dma_wait3A_261 = arith.constant 0 : i32
    %dma_wait3A_262 = arith.constant 0 : i32
    %dma_wait3A_263 = tpu.memref_slice %arg4[%dma_wait3A_260, %add3A, %dma_wait3A_261, %dma_wait3A_262] : memref<32x32x8x4096xf32, #tpu.memory_space<hbm>> -> memref<1x1x8x4096xf32, #tpu.memory_space<hbm>>
    %dma_wait3A_264 = tpu.memref_squeeze %dma_wait3A_263 : memref<1x1x8x4096xf32, #tpu.memory_space<hbm>> -> memref<8x4096xf32, #tpu.memory_space<hbm>>
    %dma_wait3A_265 = arith.constant 0 : i32
    %dma_wait3A_266 = arith.constant 0 : i32
    %dma_wait3A_267 = tpu.memref_slice %arg4[%dma_wait3A_260, %add3A, %dma_wait3A_265, %dma_wait3A_266] : memref<32x32x8x4096xf32, #tpu.memory_space<hbm>> -> memref<1x1x8x4096xf32, #tpu.memory_space<hbm>>
    %dma_wait3A_268 = tpu.memref_squeeze %dma_wait3A_267 : memref<1x1x8x4096xf32, #tpu.memory_space<hbm>> -> memref<8x4096xf32, #tpu.memory_space<hbm>>
    tpu.wait_dma2 semaphore(%arg13 : memref<!tpu.dma_semaphore, #tpu.memory_space<semaphore_mem>>) src(%arg7 : memref<8x4096xf32, #tpu.memory_space<vmem>>) dst(%dma_wait3A_268 : memref<8x4096xf32, #tpu.memory_space<hbm>>)
    %dma_start3A_269 = arith.constant 10 : i32
    %dma_start3A_270 = arith.constant 0 : i32
    %dma_start3A_271 = tpu.memref_slice %arg5[%dma_start3A_269, %dma_start3A_270] : memref<32x8xi32, #tpu.memory_space<vmem>> -> memref<1x8xi32, #tpu.memory_space<vmem>>
    %dma_start3A_272 = tpu.memref_squeeze %dma_start3A_271 : memref<1x8xi32, #tpu.memory_space<vmem>> -> memref<8xi32, #tpu.memory_space<vmem>>
    %dma_start3A_273 = arith.constant 0 : i32
    %dma_start3A_274 = arith.constant 0 : i32
    %dma_start3A_275 = tpu.memref_slice %arg3[%dma_start3A_273, %dma_start3A_274] : memref<100000x4096xf32, #tpu.memory_space<hbm>> -> memref<100000x4096xf32, #tpu.memory_space<hbm>>
    tpu.enqueue_indirect_dma source(%dma_start3A_275 : memref<100000x4096xf32, #tpu.memory_space<hbm>>) target(%arg7 : memref<8x4096xf32, #tpu.memory_space<vmem>>) offsets(%dma_start3A_272 : memref<8xi32, #tpu.memory_space<vmem>>) semaphore(%arg10 : memref<!tpu.dma_semaphore, #tpu.memory_space<semaphore_mem>>)
    %dma_wait3A_276 = arith.constant 0 : i32
    %dma_wait3A_277 = arith.constant 0 : i32
    %dma_wait3A_278 = tpu.memref_slice %arg5[%dma_wait3A_276, %dma_wait3A_277] : memref<32x8xi32, #tpu.memory_space<vmem>> -> memref<1x8xi32, #tpu.memory_space<vmem>>
    %dma_wait3A_279 = tpu.memref_squeeze %dma_wait3A_278 : memref<1x8xi32, #tpu.memory_space<vmem>> -> memref<8xi32, #tpu.memory_space<vmem>>
    %dma_wait3A_280 = arith.constant 0 : i32
    %dma_wait3A_281 = arith.constant 0 : i32
    %dma_wait3A_282 = tpu.memref_slice %arg3[%dma_wait3A_280, %dma_wait3A_281] : memref<100000x4096xf32, #tpu.memory_space<hbm>> -> memref<100000x4096xf32, #tpu.memory_space<hbm>>
    tpu.wait_indirect_dma semaphore(%arg11 : memref<!tpu.dma_semaphore, #tpu.memory_space<semaphore_mem>>) src(%dma_wait3A_282 : memref<100000x4096xf32, #tpu.memory_space<hbm>>) dst(%arg8 : memref<8x4096xf32, #tpu.memory_space<vmem>>)
    %dma_start3A_283 = arith.constant 8 : i32
    %dma_start3A_284 = arith.constant 0 : i32
    %dma_start3A_285 = arith.constant 0 : i32
    %dma_start3A_286 = tpu.memref_slice %arg4[%dma_start3A_283, %add3A, %dma_start3A_284, %dma_start3A_285] : memref<32x32x8x4096xf32, #tpu.memory_space<hbm>> -> memref<1x1x8x4096xf32, #tpu.memory_space<hbm>>
    %dma_start3A_287 = tpu.memref_squeeze %dma_start3A_286 : memref<1x1x8x4096xf32, #tpu.memory_space<hbm>> -> memref<8x4096xf32, #tpu.memory_space<hbm>>
    %dma_start3A_288 = arith.constant 0 : i32
    %dma_start3A_289 = arith.constant 0 : i32
    %dma_start3A_290 = tpu.memref_slice %arg4[%dma_start3A_283, %add3A, %dma_start3A_288, %dma_start3A_289] : memref<32x32x8x4096xf32, #tpu.memory_space<hbm>> -> memref<1x1x8x4096xf32, #tpu.memory_space<hbm>>
    %dma_start3A_291 = tpu.memref_squeeze %dma_start3A_290 : memref<1x1x8x4096xf32, #tpu.memory_space<hbm>> -> memref<8x4096xf32, #tpu.memory_space<hbm>>
    tpu.enqueue_dma source(%arg8 : memref<8x4096xf32, #tpu.memory_space<vmem>>) target(%dma_start3A_291 : memref<8x4096xf32, #tpu.memory_space<hbm>>) target_semaphore(%arg14 : memref<!tpu.dma_semaphore, #tpu.memory_space<semaphore_mem>>)
    %dma_wait3A_292 = arith.constant 0 : i32
    %dma_wait3A_293 = arith.constant 0 : i32
    %dma_wait3A_294 = arith.constant 0 : i32
    %dma_wait3A_295 = tpu.memref_slice %arg4[%dma_wait3A_292, %add3A, %dma_wait3A_293, %dma_wait3A_294] : memref<32x32x8x4096xf32, #tpu.memory_space<hbm>> -> memref<1x1x8x4096xf32, #tpu.memory_space<hbm>>
    %dma_wait3A_296 = tpu.memref_squeeze %dma_wait3A_295 : memref<1x1x8x4096xf32, #tpu.memory_space<hbm>> -> memref<8x4096xf32, #tpu.memory_space<hbm>>
    %dma_wait3A_297 = arith.constant 0 : i32
    %dma_wait3A_298 = arith.constant 0 : i32
    %dma_wait3A_299 = tpu.memref_slice %arg4[%dma_wait3A_292, %add3A, %dma_wait3A_297, %dma_wait3A_298] : memref<32x32x8x4096xf32, #tpu.memory_space<hbm>> -> memref<1x1x8x4096xf32, #tpu.memory_space<hbm>>
    %dma_wait3A_300 = tpu.memref_squeeze %dma_wait3A_299 : memref<1x1x8x4096xf32, #tpu.memory_space<hbm>> -> memref<8x4096xf32, #tpu.memory_space<hbm>>
    tpu.wait_dma2 semaphore(%arg14 : memref<!tpu.dma_semaphore, #tpu.memory_space<semaphore_mem>>) src(%arg8 : memref<8x4096xf32, #tpu.memory_space<vmem>>) dst(%dma_wait3A_300 : memref<8x4096xf32, #tpu.memory_space<hbm>>)
    %dma_start3A_301 = arith.constant 11 : i32
    %dma_start3A_302 = arith.constant 0 : i32
    %dma_start3A_303 = tpu.memref_slice %arg5[%dma_start3A_301, %dma_start3A_302] : memref<32x8xi32, #tpu.memory_space<vmem>> -> memref<1x8xi32, #tpu.memory_space<vmem>>
    %dma_start3A_304 = tpu.memref_squeeze %dma_start3A_303 : memref<1x8xi32, #tpu.memory_space<vmem>> -> memref<8xi32, #tpu.memory_space<vmem>>
    %dma_start3A_305 = arith.constant 0 : i32
    %dma_start3A_306 = arith.constant 0 : i32
    %dma_start3A_307 = tpu.memref_slice %arg3[%dma_start3A_305, %dma_start3A_306] : memref<100000x4096xf32, #tpu.memory_space<hbm>> -> memref<100000x4096xf32, #tpu.memory_space<hbm>>
    tpu.enqueue_indirect_dma source(%dma_start3A_307 : memref<100000x4096xf32, #tpu.memory_space<hbm>>) target(%arg8 : memref<8x4096xf32, #tpu.memory_space<vmem>>) offsets(%dma_start3A_304 : memref<8xi32, #tpu.memory_space<vmem>>) semaphore(%arg11 : memref<!tpu.dma_semaphore, #tpu.memory_space<semaphore_mem>>)
    %dma_wait3A_308 = arith.constant 0 : i32
    %dma_wait3A_309 = arith.constant 0 : i32
    %dma_wait3A_310 = tpu.memref_slice %arg5[%dma_wait3A_308, %dma_wait3A_309] : memref<32x8xi32, #tpu.memory_space<vmem>> -> memref<1x8xi32, #tpu.memory_space<vmem>>
    %dma_wait3A_311 = tpu.memref_squeeze %dma_wait3A_310 : memref<1x8xi32, #tpu.memory_space<vmem>> -> memref<8xi32, #tpu.memory_space<vmem>>
    %dma_wait3A_312 = arith.constant 0 : i32
    %dma_wait3A_313 = arith.constant 0 : i32
    %dma_wait3A_314 = tpu.memref_slice %arg3[%dma_wait3A_312, %dma_wait3A_313] : memref<100000x4096xf32, #tpu.memory_space<hbm>> -> memref<100000x4096xf32, #tpu.memory_space<hbm>>
    tpu.wait_indirect_dma semaphore(%arg9 : memref<!tpu.dma_semaphore, #tpu.memory_space<semaphore_mem>>) src(%dma_wait3A_314 : memref<100000x4096xf32, #tpu.memory_space<hbm>>) dst(%arg6 : memref<8x4096xf32, #tpu.memory_space<vmem>>)
    %dma_start3A_315 = arith.constant 9 : i32
    %dma_start3A_316 = arith.constant 0 : i32
    %dma_start3A_317 = arith.constant 0 : i32
    %dma_start3A_318 = tpu.memref_slice %arg4[%dma_start3A_315, %add3A, %dma_start3A_316, %dma_start3A_317] : memref<32x32x8x4096xf32, #tpu.memory_space<hbm>> -> memref<1x1x8x4096xf32, #tpu.memory_space<hbm>>
    %dma_start3A_319 = tpu.memref_squeeze %dma_start3A_318 : memref<1x1x8x4096xf32, #tpu.memory_space<hbm>> -> memref<8x4096xf32, #tpu.memory_space<hbm>>
    %dma_start3A_320 = arith.constant 0 : i32
    %dma_start3A_321 = arith.constant 0 : i32
    %dma_start3A_322 = tpu.memref_slice %arg4[%dma_start3A_315, %add3A, %dma_start3A_320, %dma_start3A_321] : memref<32x32x8x4096xf32, #tpu.memory_space<hbm>> -> memref<1x1x8x4096xf32, #tpu.memory_space<hbm>>
    %dma_start3A_323 = tpu.memref_squeeze %dma_start3A_322 : memref<1x1x8x4096xf32, #tpu.memory_space<hbm>> -> memref<8x4096xf32, #tpu.memory_space<hbm>>
    tpu.enqueue_dma source(%arg6 : memref<8x4096xf32, #tpu.memory_space<vmem>>) target(%dma_start3A_323 : memref<8x4096xf32, #tpu.memory_space<hbm>>) target_semaphore(%arg12 : memref<!tpu.dma_semaphore, #tpu.memory_space<semaphore_mem>>)
    %dma_wait3A_324 = arith.constant 0 : i32
    %dma_wait3A_325 = arith.constant 0 : i32
    %dma_wait3A_326 = arith.constant 0 : i32
    %dma_wait3A_327 = tpu.memref_slice %arg4[%dma_wait3A_324, %add3A, %dma_wait3A_325, %dma_wait3A_326] : memref<32x32x8x4096xf32, #tpu.memory_space<hbm>> -> memref<1x1x8x4096xf32, #tpu.memory_space<hbm>>
    %dma_wait3A_328 = tpu.memref_squeeze %dma_wait3A_327 : memref<1x1x8x4096xf32, #tpu.memory_space<hbm>> -> memref<8x4096xf32, #tpu.memory_space<hbm>>
    %dma_wait3A_329 = arith.constant 0 : i32
    %dma_wait3A_330 = arith.constant 0 : i32
    %dma_wait3A_331 = tpu.memref_slice %arg4[%dma_wait3A_324, %add3A, %dma_wait3A_329, %dma_wait3A_330] : memref<32x32x8x4096xf32, #tpu.memory_space<hbm>> -> memref<1x1x8x4096xf32, #tpu.memory_space<hbm>>
    %dma_wait3A_332 = tpu.memref_squeeze %dma_wait3A_331 : memref<1x1x8x4096xf32, #tpu.memory_space<hbm>> -> memref<8x4096xf32, #tpu.memory_space<hbm>>
    tpu.wait_dma2 semaphore(%arg12 : memref<!tpu.dma_semaphore, #tpu.memory_space<semaphore_mem>>) src(%arg6 : memref<8x4096xf32, #tpu.memory_space<vmem>>) dst(%dma_wait3A_332 : memref<8x4096xf32, #tpu.memory_space<hbm>>)
    %dma_start3A_333 = arith.constant 12 : i32
    %dma_start3A_334 = arith.constant 0 : i32
    %dma_start3A_335 = tpu.memref_slice %arg5[%dma_start3A_333, %dma_start3A_334] : memref<32x8xi32, #tpu.memory_space<vmem>> -> memref<1x8xi32, #tpu.memory_space<vmem>>
    %dma_start3A_336 = tpu.memref_squeeze %dma_start3A_335 : memref<1x8xi32, #tpu.memory_space<vmem>> -> memref<8xi32, #tpu.memory_space<vmem>>
    %dma_start3A_337 = arith.constant 0 : i32
    %dma_start3A_338 = arith.constant 0 : i32
    %dma_start3A_339 = tpu.memref_slice %arg3[%dma_start3A_337, %dma_start3A_338] : memref<100000x4096xf32, #tpu.memory_space<hbm>> -> memref<100000x4096xf32, #tpu.memory_space<hbm>>
    tpu.enqueue_indirect_dma source(%dma_start3A_339 : memref<100000x4096xf32, #tpu.memory_space<hbm>>) target(%arg6 : memref<8x4096xf32, #tpu.memory_space<vmem>>) offsets(%dma_start3A_336 : memref<8xi32, #tpu.memory_space<vmem>>) semaphore(%arg9 : memref<!tpu.dma_semaphore, #tpu.memory_space<semaphore_mem>>)
    %dma_wait3A_340 = arith.constant 0 : i32
    %dma_wait3A_341 = arith.constant 0 : i32
    %dma_wait3A_342 = tpu.memref_slice %arg5[%dma_wait3A_340, %dma_wait3A_341] : memref<32x8xi32, #tpu.memory_space<vmem>> -> memref<1x8xi32, #tpu.memory_space<vmem>>
    %dma_wait3A_343 = tpu.memref_squeeze %dma_wait3A_342 : memref<1x8xi32, #tpu.memory_space<vmem>> -> memref<8xi32, #tpu.memory_space<vmem>>
    %dma_wait3A_344 = arith.constant 0 : i32
    %dma_wait3A_345 = arith.constant 0 : i32
    %dma_wait3A_346 = tpu.memref_slice %arg3[%dma_wait3A_344, %dma_wait3A_345] : memref<100000x4096xf32, #tpu.memory_space<hbm>> -> memref<100000x4096xf32, #tpu.memory_space<hbm>>
    tpu.wait_indirect_dma semaphore(%arg10 : memref<!tpu.dma_semaphore, #tpu.memory_space<semaphore_mem>>) src(%dma_wait3A_346 : memref<100000x4096xf32, #tpu.memory_space<hbm>>) dst(%arg7 : memref<8x4096xf32, #tpu.memory_space<vmem>>)
    %dma_start3A_347 = arith.constant 10 : i32
    %dma_start3A_348 = arith.constant 0 : i32
    %dma_start3A_349 = arith.constant 0 : i32
    %dma_start3A_350 = tpu.memref_slice %arg4[%dma_start3A_347, %add3A, %dma_start3A_348, %dma_start3A_349] : memref<32x32x8x4096xf32, #tpu.memory_space<hbm>> -> memref<1x1x8x4096xf32, #tpu.memory_space<hbm>>
    %dma_start3A_351 = tpu.memref_squeeze %dma_start3A_350 : memref<1x1x8x4096xf32, #tpu.memory_space<hbm>> -> memref<8x4096xf32, #tpu.memory_space<hbm>>
    %dma_start3A_352 = arith.constant 0 : i32
    %dma_start3A_353 = arith.constant 0 : i32
    %dma_start3A_354 = tpu.memref_slice %arg4[%dma_start3A_347, %add3A, %dma_start3A_352, %dma_start3A_353] : memref<32x32x8x4096xf32, #tpu.memory_space<hbm>> -> memref<1x1x8x4096xf32, #tpu.memory_space<hbm>>
    %dma_start3A_355 = tpu.memref_squeeze %dma_start3A_354 : memref<1x1x8x4096xf32, #tpu.memory_space<hbm>> -> memref<8x4096xf32, #tpu.memory_space<hbm>>
    tpu.enqueue_dma source(%arg7 : memref<8x4096xf32, #tpu.memory_space<vmem>>) target(%dma_start3A_355 : memref<8x4096xf32, #tpu.memory_space<hbm>>) target_semaphore(%arg13 : memref<!tpu.dma_semaphore, #tpu.memory_space<semaphore_mem>>)
    %dma_wait3A_356 = arith.constant 0 : i32
    %dma_wait3A_357 = arith.constant 0 : i32
    %dma_wait3A_358 = arith.constant 0 : i32
    %dma_wait3A_359 = tpu.memref_slice %arg4[%dma_wait3A_356, %add3A, %dma_wait3A_357, %dma_wait3A_358] : memref<32x32x8x4096xf32, #tpu.memory_space<hbm>> -> memref<1x1x8x4096xf32, #tpu.memory_space<hbm>>
    %dma_wait3A_360 = tpu.memref_squeeze %dma_wait3A_359 : memref<1x1x8x4096xf32, #tpu.memory_space<hbm>> -> memref<8x4096xf32, #tpu.memory_space<hbm>>
    %dma_wait3A_361 = arith.constant 0 : i32
    %dma_wait3A_362 = arith.constant 0 : i32
    %dma_wait3A_363 = tpu.memref_slice %arg4[%dma_wait3A_356, %add3A, %dma_wait3A_361, %dma_wait3A_362] : memref<32x32x8x4096xf32, #tpu.memory_space<hbm>> -> memref<1x1x8x4096xf32, #tpu.memory_space<hbm>>
    %dma_wait3A_364 = tpu.memref_squeeze %dma_wait3A_363 : memref<1x1x8x4096xf32, #tpu.memory_space<hbm>> -> memref<8x4096xf32, #tpu.memory_space<hbm>>
    tpu.wait_dma2 semaphore(%arg13 : memref<!tpu.dma_semaphore, #tpu.memory_space<semaphore_mem>>) src(%arg7 : memref<8x4096xf32, #tpu.memory_space<vmem>>) dst(%dma_wait3A_364 : memref<8x4096xf32, #tpu.memory_space<hbm>>)
    %dma_start3A_365 = arith.constant 13 : i32
    %dma_start3A_366 = arith.constant 0 : i32
    %dma_start3A_367 = tpu.memref_slice %arg5[%dma_start3A_365, %dma_start3A_366] : memref<32x8xi32, #tpu.memory_space<vmem>> -> memref<1x8xi32, #tpu.memory_space<vmem>>
    %dma_start3A_368 = tpu.memref_squeeze %dma_start3A_367 : memref<1x8xi32, #tpu.memory_space<vmem>> -> memref<8xi32, #tpu.memory_space<vmem>>
    %dma_start3A_369 = arith.constant 0 : i32
    %dma_start3A_370 = arith.constant 0 : i32
    %dma_start3A_371 = tpu.memref_slice %arg3[%dma_start3A_369, %dma_start3A_370] : memref<100000x4096xf32, #tpu.memory_space<hbm>> -> memref<100000x4096xf32, #tpu.memory_space<hbm>>
    tpu.enqueue_indirect_dma source(%dma_start3A_371 : memref<100000x4096xf32, #tpu.memory_space<hbm>>) target(%arg7 : memref<8x4096xf32, #tpu.memory_space<vmem>>) offsets(%dma_start3A_368 : memref<8xi32, #tpu.memory_space<vmem>>) semaphore(%arg10 : memref<!tpu.dma_semaphore, #tpu.memory_space<semaphore_mem>>)
    %dma_wait3A_372 = arith.constant 0 : i32
    %dma_wait3A_373 = arith.constant 0 : i32
    %dma_wait3A_374 = tpu.memref_slice %arg5[%dma_wait3A_372, %dma_wait3A_373] : memref<32x8xi32, #tpu.memory_space<vmem>> -> memref<1x8xi32, #tpu.memory_space<vmem>>
    %dma_wait3A_375 = tpu.memref_squeeze %dma_wait3A_374 : memref<1x8xi32, #tpu.memory_space<vmem>> -> memref<8xi32, #tpu.memory_space<vmem>>
    %dma_wait3A_376 = arith.constant 0 : i32
    %dma_wait3A_377 = arith.constant 0 : i32
    %dma_wait3A_378 = tpu.memref_slice %arg3[%dma_wait3A_376, %dma_wait3A_377] : memref<100000x4096xf32, #tpu.memory_space<hbm>> -> memref<100000x4096xf32, #tpu.memory_space<hbm>>
    tpu.wait_indirect_dma semaphore(%arg11 : memref<!tpu.dma_semaphore, #tpu.memory_space<semaphore_mem>>) src(%dma_wait3A_378 : memref<100000x4096xf32, #tpu.memory_space<hbm>>) dst(%arg8 : memref<8x4096xf32, #tpu.memory_space<vmem>>)
    %dma_start3A_379 = arith.constant 11 : i32
    %dma_start3A_380 = arith.constant 0 : i32
    %dma_start3A_381 = arith.constant 0 : i32
    %dma_start3A_382 = tpu.memref_slice %arg4[%dma_start3A_379, %add3A, %dma_start3A_380, %dma_start3A_381] : memref<32x32x8x4096xf32, #tpu.memory_space<hbm>> -> memref<1x1x8x4096xf32, #tpu.memory_space<hbm>>
    %dma_start3A_383 = tpu.memref_squeeze %dma_start3A_382 : memref<1x1x8x4096xf32, #tpu.memory_space<hbm>> -> memref<8x4096xf32, #tpu.memory_space<hbm>>
    %dma_start3A_384 = arith.constant 0 : i32
    %dma_start3A_385 = arith.constant 0 : i32
    %dma_start3A_386 = tpu.memref_slice %arg4[%dma_start3A_379, %add3A, %dma_start3A_384, %dma_start3A_385] : memref<32x32x8x4096xf32, #tpu.memory_space<hbm>> -> memref<1x1x8x4096xf32, #tpu.memory_space<hbm>>
    %dma_start3A_387 = tpu.memref_squeeze %dma_start3A_386 : memref<1x1x8x4096xf32, #tpu.memory_space<hbm>> -> memref<8x4096xf32, #tpu.memory_space<hbm>>
    tpu.enqueue_dma source(%arg8 : memref<8x4096xf32, #tpu.memory_space<vmem>>) target(%dma_start3A_387 : memref<8x4096xf32, #tpu.memory_space<hbm>>) target_semaphore(%arg14 : memref<!tpu.dma_semaphore, #tpu.memory_space<semaphore_mem>>)
    %dma_wait3A_388 = arith.constant 0 : i32
    %dma_wait3A_389 = arith.constant 0 : i32
    %dma_wait3A_390 = arith.constant 0 : i32
    %dma_wait3A_391 = tpu.memref_slice %arg4[%dma_wait3A_388, %add3A, %dma_wait3A_389, %dma_wait3A_390] : memref<32x32x8x4096xf32, #tpu.memory_space<hbm>> -> memref<1x1x8x4096xf32, #tpu.memory_space<hbm>>
    %dma_wait3A_392 = tpu.memref_squeeze %dma_wait3A_391 : memref<1x1x8x4096xf32, #tpu.memory_space<hbm>> -> memref<8x4096xf32, #tpu.memory_space<hbm>>
    %dma_wait3A_393 = arith.constant 0 : i32
    %dma_wait3A_394 = arith.constant 0 : i32
    %dma_wait3A_395 = tpu.memref_slice %arg4[%dma_wait3A_388, %add3A, %dma_wait3A_393, %dma_wait3A_394] : memref<32x32x8x4096xf32, #tpu.memory_space<hbm>> -> memref<1x1x8x4096xf32, #tpu.memory_space<hbm>>
    %dma_wait3A_396 = tpu.memref_squeeze %dma_wait3A_395 : memref<1x1x8x4096xf32, #tpu.memory_space<hbm>> -> memref<8x4096xf32, #tpu.memory_space<hbm>>
    tpu.wait_dma2 semaphore(%arg14 : memref<!tpu.dma_semaphore, #tpu.memory_space<semaphore_mem>>) src(%arg8 : memref<8x4096xf32, #tpu.memory_space<vmem>>) dst(%dma_wait3A_396 : memref<8x4096xf32, #tpu.memory_space<hbm>>)
    %dma_start3A_397 = arith.constant 14 : i32
    %dma_start3A_398 = arith.constant 0 : i32
    %dma_start3A_399 = tpu.memref_slice %arg5[%dma_start3A_397, %dma_start3A_398] : memref<32x8xi32, #tpu.memory_space<vmem>> -> memref<1x8xi32, #tpu.memory_space<vmem>>
    %dma_start3A_400 = tpu.memref_squeeze %dma_start3A_399 : memref<1x8xi32, #tpu.memory_space<vmem>> -> memref<8xi32, #tpu.memory_space<vmem>>
    %dma_start3A_401 = arith.constant 0 : i32
    %dma_start3A_402 = arith.constant 0 : i32
    %dma_start3A_403 = tpu.memref_slice %arg3[%dma_start3A_401, %dma_start3A_402] : memref<100000x4096xf32, #tpu.memory_space<hbm>> -> memref<100000x4096xf32, #tpu.memory_space<hbm>>
    tpu.enqueue_indirect_dma source(%dma_start3A_403 : memref<100000x4096xf32, #tpu.memory_space<hbm>>) target(%arg8 : memref<8x4096xf32, #tpu.memory_space<vmem>>) offsets(%dma_start3A_400 : memref<8xi32, #tpu.memory_space<vmem>>) semaphore(%arg11 : memref<!tpu.dma_semaphore, #tpu.memory_space<semaphore_mem>>)
    %dma_wait3A_404 = arith.constant 0 : i32
    %dma_wait3A_405 = arith.constant 0 : i32
    %dma_wait3A_406 = tpu.memref_slice %arg5[%dma_wait3A_404, %dma_wait3A_405] : memref<32x8xi32, #tpu.memory_space<vmem>> -> memref<1x8xi32, #tpu.memory_space<vmem>>
    %dma_wait3A_407 = tpu.memref_squeeze %dma_wait3A_406 : memref<1x8xi32, #tpu.memory_space<vmem>> -> memref<8xi32, #tpu.memory_space<vmem>>
    %dma_wait3A_408 = arith.constant 0 : i32
    %dma_wait3A_409 = arith.constant 0 : i32
    %dma_wait3A_410 = tpu.memref_slice %arg3[%dma_wait3A_408, %dma_wait3A_409] : memref<100000x4096xf32, #tpu.memory_space<hbm>> -> memref<100000x4096xf32, #tpu.memory_space<hbm>>
    tpu.wait_indirect_dma semaphore(%arg9 : memref<!tpu.dma_semaphore, #tpu.memory_space<semaphore_mem>>) src(%dma_wait3A_410 : memref<100000x4096xf32, #tpu.memory_space<hbm>>) dst(%arg6 : memref<8x4096xf32, #tpu.memory_space<vmem>>)
    %dma_start3A_411 = arith.constant 12 : i32
    %dma_start3A_412 = arith.constant 0 : i32
    %dma_start3A_413 = arith.constant 0 : i32
    %dma_start3A_414 = tpu.memref_slice %arg4[%dma_start3A_411, %add3A, %dma_start3A_412, %dma_start3A_413] : memref<32x32x8x4096xf32, #tpu.memory_space<hbm>> -> memref<1x1x8x4096xf32, #tpu.memory_space<hbm>>
    %dma_start3A_415 = tpu.memref_squeeze %dma_start3A_414 : memref<1x1x8x4096xf32, #tpu.memory_space<hbm>> -> memref<8x4096xf32, #tpu.memory_space<hbm>>
    %dma_start3A_416 = arith.constant 0 : i32
    %dma_start3A_417 = arith.constant 0 : i32
    %dma_start3A_418 = tpu.memref_slice %arg4[%dma_start3A_411, %add3A, %dma_start3A_416, %dma_start3A_417] : memref<32x32x8x4096xf32, #tpu.memory_space<hbm>> -> memref<1x1x8x4096xf32, #tpu.memory_space<hbm>>
    %dma_start3A_419 = tpu.memref_squeeze %dma_start3A_418 : memref<1x1x8x4096xf32, #tpu.memory_space<hbm>> -> memref<8x4096xf32, #tpu.memory_space<hbm>>
    tpu.enqueue_dma source(%arg6 : memref<8x4096xf32, #tpu.memory_space<vmem>>) target(%dma_start3A_419 : memref<8x4096xf32, #tpu.memory_space<hbm>>) target_semaphore(%arg12 : memref<!tpu.dma_semaphore, #tpu.memory_space<semaphore_mem>>)
    %dma_wait3A_420 = arith.constant 0 : i32
    %dma_wait3A_421 = arith.constant 0 : i32
    %dma_wait3A_422 = arith.constant 0 : i32
    %dma_wait3A_423 = tpu.memref_slice %arg4[%dma_wait3A_420, %add3A, %dma_wait3A_421, %dma_wait3A_422] : memref<32x32x8x4096xf32, #tpu.memory_space<hbm>> -> memref<1x1x8x4096xf32, #tpu.memory_space<hbm>>
    %dma_wait3A_424 = tpu.memref_squeeze %dma_wait3A_423 : memref<1x1x8x4096xf32, #tpu.memory_space<hbm>> -> memref<8x4096xf32, #tpu.memory_space<hbm>>
    %dma_wait3A_425 = arith.constant 0 : i32
    %dma_wait3A_426 = arith.constant 0 : i32
    %dma_wait3A_427 = tpu.memref_slice %arg4[%dma_wait3A_420, %add3A, %dma_wait3A_425, %dma_wait3A_426] : memref<32x32x8x4096xf32, #tpu.memory_space<hbm>> -> memref<1x1x8x4096xf32, #tpu.memory_space<hbm>>
    %dma_wait3A_428 = tpu.memref_squeeze %dma_wait3A_427 : memref<1x1x8x4096xf32, #tpu.memory_space<hbm>> -> memref<8x4096xf32, #tpu.memory_space<hbm>>
    tpu.wait_dma2 semaphore(%arg12 : memref<!tpu.dma_semaphore, #tpu.memory_space<semaphore_mem>>) src(%arg6 : memref<8x4096xf32, #tpu.memory_space<vmem>>) dst(%dma_wait3A_428 : memref<8x4096xf32, #tpu.memory_space<hbm>>)
    %dma_start3A_429 = arith.constant 15 : i32
    %dma_start3A_430 = arith.constant 0 : i32
    %dma_start3A_431 = tpu.memref_slice %arg5[%dma_start3A_429, %dma_start3A_430] : memref<32x8xi32, #tpu.memory_space<vmem>> -> memref<1x8xi32, #tpu.memory_space<vmem>>
    %dma_start3A_432 = tpu.memref_squeeze %dma_start3A_431 : memref<1x8xi32, #tpu.memory_space<vmem>> -> memref<8xi32, #tpu.memory_space<vmem>>
    %dma_start3A_433 = arith.constant 0 : i32
    %dma_start3A_434 = arith.constant 0 : i32
    %dma_start3A_435 = tpu.memref_slice %arg3[%dma_start3A_433, %dma_start3A_434] : memref<100000x4096xf32, #tpu.memory_space<hbm>> -> memref<100000x4096xf32, #tpu.memory_space<hbm>>
    tpu.enqueue_indirect_dma source(%dma_start3A_435 : memref<100000x4096xf32, #tpu.memory_space<hbm>>) target(%arg6 : memref<8x4096xf32, #tpu.memory_space<vmem>>) offsets(%dma_start3A_432 : memref<8xi32, #tpu.memory_space<vmem>>) semaphore(%arg9 : memref<!tpu.dma_semaphore, #tpu.memory_space<semaphore_mem>>)
    %dma_wait3A_436 = arith.constant 0 : i32
    %dma_wait3A_437 = arith.constant 0 : i32
    %dma_wait3A_438 = tpu.memref_slice %arg5[%dma_wait3A_436, %dma_wait3A_437] : memref<32x8xi32, #tpu.memory_space<vmem>> -> memref<1x8xi32, #tpu.memory_space<vmem>>
    %dma_wait3A_439 = tpu.memref_squeeze %dma_wait3A_438 : memref<1x8xi32, #tpu.memory_space<vmem>> -> memref<8xi32, #tpu.memory_space<vmem>>
    %dma_wait3A_440 = arith.constant 0 : i32
    %dma_wait3A_441 = arith.constant 0 : i32
    %dma_wait3A_442 = tpu.memref_slice %arg3[%dma_wait3A_440, %dma_wait3A_441] : memref<100000x4096xf32, #tpu.memory_space<hbm>> -> memref<100000x4096xf32, #tpu.memory_space<hbm>>
    tpu.wait_indirect_dma semaphore(%arg10 : memref<!tpu.dma_semaphore, #tpu.memory_space<semaphore_mem>>) src(%dma_wait3A_442 : memref<100000x4096xf32, #tpu.memory_space<hbm>>) dst(%arg7 : memref<8x4096xf32, #tpu.memory_space<vmem>>)
    %dma_start3A_443 = arith.constant 13 : i32
    %dma_start3A_444 = arith.constant 0 : i32
    %dma_start3A_445 = arith.constant 0 : i32
    %dma_start3A_446 = tpu.memref_slice %arg4[%dma_start3A_443, %add3A, %dma_start3A_444, %dma_start3A_445] : memref<32x32x8x4096xf32, #tpu.memory_space<hbm>> -> memref<1x1x8x4096xf32, #tpu.memory_space<hbm>>
    %dma_start3A_447 = tpu.memref_squeeze %dma_start3A_446 : memref<1x1x8x4096xf32, #tpu.memory_space<hbm>> -> memref<8x4096xf32, #tpu.memory_space<hbm>>
    %dma_start3A_448 = arith.constant 0 : i32
    %dma_start3A_449 = arith.constant 0 : i32
    %dma_start3A_450 = tpu.memref_slice %arg4[%dma_start3A_443, %add3A, %dma_start3A_448, %dma_start3A_449] : memref<32x32x8x4096xf32, #tpu.memory_space<hbm>> -> memref<1x1x8x4096xf32, #tpu.memory_space<hbm>>
    %dma_start3A_451 = tpu.memref_squeeze %dma_start3A_450 : memref<1x1x8x4096xf32, #tpu.memory_space<hbm>> -> memref<8x4096xf32, #tpu.memory_space<hbm>>
    tpu.enqueue_dma source(%arg7 : memref<8x4096xf32, #tpu.memory_space<vmem>>) target(%dma_start3A_451 : memref<8x4096xf32, #tpu.memory_space<hbm>>) target_semaphore(%arg13 : memref<!tpu.dma_semaphore, #tpu.memory_space<semaphore_mem>>)
    %dma_wait3A_452 = arith.constant 0 : i32
    %dma_wait3A_453 = arith.constant 0 : i32
    %dma_wait3A_454 = arith.constant 0 : i32
    %dma_wait3A_455 = tpu.memref_slice %arg4[%dma_wait3A_452, %add3A, %dma_wait3A_453, %dma_wait3A_454] : memref<32x32x8x4096xf32, #tpu.memory_space<hbm>> -> memref<1x1x8x4096xf32, #tpu.memory_space<hbm>>
    %dma_wait3A_456 = tpu.memref_squeeze %dma_wait3A_455 : memref<1x1x8x4096xf32, #tpu.memory_space<hbm>> -> memref<8x4096xf32, #tpu.memory_space<hbm>>
    %dma_wait3A_457 = arith.constant 0 : i32
    %dma_wait3A_458 = arith.constant 0 : i32
    %dma_wait3A_459 = tpu.memref_slice %arg4[%dma_wait3A_452, %add3A, %dma_wait3A_457, %dma_wait3A_458] : memref<32x32x8x4096xf32, #tpu.memory_space<hbm>> -> memref<1x1x8x4096xf32, #tpu.memory_space<hbm>>
    %dma_wait3A_460 = tpu.memref_squeeze %dma_wait3A_459 : memref<1x1x8x4096xf32, #tpu.memory_space<hbm>> -> memref<8x4096xf32, #tpu.memory_space<hbm>>
    tpu.wait_dma2 semaphore(%arg13 : memref<!tpu.dma_semaphore, #tpu.memory_space<semaphore_mem>>) src(%arg7 : memref<8x4096xf32, #tpu.memory_space<vmem>>) dst(%dma_wait3A_460 : memref<8x4096xf32, #tpu.memory_space<hbm>>)
    %dma_start3A_461 = arith.constant 16 : i32
    %dma_start3A_462 = arith.constant 0 : i32
    %dma_start3A_463 = tpu.memref_slice %arg5[%dma_start3A_461, %dma_start3A_462] : memref<32x8xi32, #tpu.memory_space<vmem>> -> memref<1x8xi32, #tpu.memory_space<vmem>>
    %dma_start3A_464 = tpu.memref_squeeze %dma_start3A_463 : memref<1x8xi32, #tpu.memory_space<vmem>> -> memref<8xi32, #tpu.memory_space<vmem>>
    %dma_start3A_465 = arith.constant 0 : i32
    %dma_start3A_466 = arith.constant 0 : i32
    %dma_start3A_467 = tpu.memref_slice %arg3[%dma_start3A_465, %dma_start3A_466] : memref<100000x4096xf32, #tpu.memory_space<hbm>> -> memref<100000x4096xf32, #tpu.memory_space<hbm>>
    tpu.enqueue_indirect_dma source(%dma_start3A_467 : memref<100000x4096xf32, #tpu.memory_space<hbm>>) target(%arg7 : memref<8x4096xf32, #tpu.memory_space<vmem>>) offsets(%dma_start3A_464 : memref<8xi32, #tpu.memory_space<vmem>>) semaphore(%arg10 : memref<!tpu.dma_semaphore, #tpu.memory_space<semaphore_mem>>)
    %dma_wait3A_468 = arith.constant 0 : i32
    %dma_wait3A_469 = arith.constant 0 : i32
    %dma_wait3A_470 = tpu.memref_slice %arg5[%dma_wait3A_468, %dma_wait3A_469] : memref<32x8xi32, #tpu.memory_space<vmem>> -> memref<1x8xi32, #tpu.memory_space<vmem>>
    %dma_wait3A_471 = tpu.memref_squeeze %dma_wait3A_470 : memref<1x8xi32, #tpu.memory_space<vmem>> -> memref<8xi32, #tpu.memory_space<vmem>>
    %dma_wait3A_472 = arith.constant 0 : i32
    %dma_wait3A_473 = arith.constant 0 : i32
    %dma_wait3A_474 = tpu.memref_slice %arg3[%dma_wait3A_472, %dma_wait3A_473] : memref<100000x4096xf32, #tpu.memory_space<hbm>> -> memref<100000x4096xf32, #tpu.memory_space<hbm>>
    tpu.wait_indirect_dma semaphore(%arg11 : memref<!tpu.dma_semaphore, #tpu.memory_space<semaphore_mem>>) src(%dma_wait3A_474 : memref<100000x4096xf32, #tpu.memory_space<hbm>>) dst(%arg8 : memref<8x4096xf32, #tpu.memory_space<vmem>>)
    %dma_start3A_475 = arith.constant 14 : i32
    %dma_start3A_476 = arith.constant 0 : i32
    %dma_start3A_477 = arith.constant 0 : i32
    %dma_start3A_478 = tpu.memref_slice %arg4[%dma_start3A_475, %add3A, %dma_start3A_476, %dma_start3A_477] : memref<32x32x8x4096xf32, #tpu.memory_space<hbm>> -> memref<1x1x8x4096xf32, #tpu.memory_space<hbm>>
    %dma_start3A_479 = tpu.memref_squeeze %dma_start3A_478 : memref<1x1x8x4096xf32, #tpu.memory_space<hbm>> -> memref<8x4096xf32, #tpu.memory_space<hbm>>
    %dma_start3A_480 = arith.constant 0 : i32
    %dma_start3A_481 = arith.constant 0 : i32
    %dma_start3A_482 = tpu.memref_slice %arg4[%dma_start3A_475, %add3A, %dma_start3A_480, %dma_start3A_481] : memref<32x32x8x4096xf32, #tpu.memory_space<hbm>> -> memref<1x1x8x4096xf32, #tpu.memory_space<hbm>>
    %dma_start3A_483 = tpu.memref_squeeze %dma_start3A_482 : memref<1x1x8x4096xf32, #tpu.memory_space<hbm>> -> memref<8x4096xf32, #tpu.memory_space<hbm>>
    tpu.enqueue_dma source(%arg8 : memref<8x4096xf32, #tpu.memory_space<vmem>>) target(%dma_start3A_483 : memref<8x4096xf32, #tpu.memory_space<hbm>>) target_semaphore(%arg14 : memref<!tpu.dma_semaphore, #tpu.memory_space<semaphore_mem>>)
    %dma_wait3A_484 = arith.constant 0 : i32
    %dma_wait3A_485 = arith.constant 0 : i32
    %dma_wait3A_486 = arith.constant 0 : i32
    %dma_wait3A_487 = tpu.memref_slice %arg4[%dma_wait3A_484, %add3A, %dma_wait3A_485, %dma_wait3A_486] : memref<32x32x8x4096xf32, #tpu.memory_space<hbm>> -> memref<1x1x8x4096xf32, #tpu.memory_space<hbm>>
    %dma_wait3A_488 = tpu.memref_squeeze %dma_wait3A_487 : memref<1x1x8x4096xf32, #tpu.memory_space<hbm>> -> memref<8x4096xf32, #tpu.memory_space<hbm>>
    %dma_wait3A_489 = arith.constant 0 : i32
    %dma_wait3A_490 = arith.constant 0 : i32
    %dma_wait3A_491 = tpu.memref_slice %arg4[%dma_wait3A_484, %add3A, %dma_wait3A_489, %dma_wait3A_490] : memref<32x32x8x4096xf32, #tpu.memory_space<hbm>> -> memref<1x1x8x4096xf32, #tpu.memory_space<hbm>>
    %dma_wait3A_492 = tpu.memref_squeeze %dma_wait3A_491 : memref<1x1x8x4096xf32, #tpu.memory_space<hbm>> -> memref<8x4096xf32, #tpu.memory_space<hbm>>
    tpu.wait_dma2 semaphore(%arg14 : memref<!tpu.dma_semaphore, #tpu.memory_space<semaphore_mem>>) src(%arg8 : memref<8x4096xf32, #tpu.memory_space<vmem>>) dst(%dma_wait3A_492 : memref<8x4096xf32, #tpu.memory_space<hbm>>)
    %dma_start3A_493 = arith.constant 17 : i32
    %dma_start3A_494 = arith.constant 0 : i32
    %dma_start3A_495 = tpu.memref_slice %arg5[%dma_start3A_493, %dma_start3A_494] : memref<32x8xi32, #tpu.memory_space<vmem>> -> memref<1x8xi32, #tpu.memory_space<vmem>>
    %dma_start3A_496 = tpu.memref_squeeze %dma_start3A_495 : memref<1x8xi32, #tpu.memory_space<vmem>> -> memref<8xi32, #tpu.memory_space<vmem>>
    %dma_start3A_497 = arith.constant 0 : i32
    %dma_start3A_498 = arith.constant 0 : i32
    %dma_start3A_499 = tpu.memref_slice %arg3[%dma_start3A_497, %dma_start3A_498] : memref<100000x4096xf32, #tpu.memory_space<hbm>> -> memref<100000x4096xf32, #tpu.memory_space<hbm>>
    tpu.enqueue_indirect_dma source(%dma_start3A_499 : memref<100000x4096xf32, #tpu.memory_space<hbm>>) target(%arg8 : memref<8x4096xf32, #tpu.memory_space<vmem>>) offsets(%dma_start3A_496 : memref<8xi32, #tpu.memory_space<vmem>>) semaphore(%arg11 : memref<!tpu.dma_semaphore, #tpu.memory_space<semaphore_mem>>)
    %dma_wait3A_500 = arith.constant 0 : i32
    %dma_wait3A_501 = arith.constant 0 : i32
    %dma_wait3A_502 = tpu.memref_slice %arg5[%dma_wait3A_500, %dma_wait3A_501] : memref<32x8xi32, #tpu.memory_space<vmem>> -> memref<1x8xi32, #tpu.memory_space<vmem>>
    %dma_wait3A_503 = tpu.memref_squeeze %dma_wait3A_502 : memref<1x8xi32, #tpu.memory_space<vmem>> -> memref<8xi32, #tpu.memory_space<vmem>>
    %dma_wait3A_504 = arith.constant 0 : i32
    %dma_wait3A_505 = arith.constant 0 : i32
    %dma_wait3A_506 = tpu.memref_slice %arg3[%dma_wait3A_504, %dma_wait3A_505] : memref<100000x4096xf32, #tpu.memory_space<hbm>> -> memref<100000x4096xf32, #tpu.memory_space<hbm>>
    tpu.wait_indirect_dma semaphore(%arg9 : memref<!tpu.dma_semaphore, #tpu.memory_space<semaphore_mem>>) src(%dma_wait3A_506 : memref<100000x4096xf32, #tpu.memory_space<hbm>>) dst(%arg6 : memref<8x4096xf32, #tpu.memory_space<vmem>>)
    %dma_start3A_507 = arith.constant 15 : i32
    %dma_start3A_508 = arith.constant 0 : i32
    %dma_start3A_509 = arith.constant 0 : i32
    %dma_start3A_510 = tpu.memref_slice %arg4[%dma_start3A_507, %add3A, %dma_start3A_508, %dma_start3A_509] : memref<32x32x8x4096xf32, #tpu.memory_space<hbm>> -> memref<1x1x8x4096xf32, #tpu.memory_space<hbm>>
    %dma_start3A_511 = tpu.memref_squeeze %dma_start3A_510 : memref<1x1x8x4096xf32, #tpu.memory_space<hbm>> -> memref<8x4096xf32, #tpu.memory_space<hbm>>
    %dma_start3A_512 = arith.constant 0 : i32
    %dma_start3A_513 = arith.constant 0 : i32
    %dma_start3A_514 = tpu.memref_slice %arg4[%dma_start3A_507, %add3A, %dma_start3A_512, %dma_start3A_513] : memref<32x32x8x4096xf32, #tpu.memory_space<hbm>> -> memref<1x1x8x4096xf32, #tpu.memory_space<hbm>>
    %dma_start3A_515 = tpu.memref_squeeze %dma_start3A_514 : memref<1x1x8x4096xf32, #tpu.memory_space<hbm>> -> memref<8x4096xf32, #tpu.memory_space<hbm>>
    tpu.enqueue_dma source(%arg6 : memref<8x4096xf32, #tpu.memory_space<vmem>>) target(%dma_start3A_515 : memref<8x4096xf32, #tpu.memory_space<hbm>>) target_semaphore(%arg12 : memref<!tpu.dma_semaphore, #tpu.memory_space<semaphore_mem>>)
    %dma_wait3A_516 = arith.constant 0 : i32
    %dma_wait3A_517 = arith.constant 0 : i32
    %dma_wait3A_518 = arith.constant 0 : i32
    %dma_wait3A_519 = tpu.memref_slice %arg4[%dma_wait3A_516, %add3A, %dma_wait3A_517, %dma_wait3A_518] : memref<32x32x8x4096xf32, #tpu.memory_space<hbm>> -> memref<1x1x8x4096xf32, #tpu.memory_space<hbm>>
    %dma_wait3A_520 = tpu.memref_squeeze %dma_wait3A_519 : memref<1x1x8x4096xf32, #tpu.memory_space<hbm>> -> memref<8x4096xf32, #tpu.memory_space<hbm>>
    %dma_wait3A_521 = arith.constant 0 : i32
    %dma_wait3A_522 = arith.constant 0 : i32
    %dma_wait3A_523 = tpu.memref_slice %arg4[%dma_wait3A_516, %add3A, %dma_wait3A_521, %dma_wait3A_522] : memref<32x32x8x4096xf32, #tpu.memory_space<hbm>> -> memref<1x1x8x4096xf32, #tpu.memory_space<hbm>>
    %dma_wait3A_524 = tpu.memref_squeeze %dma_wait3A_523 : memref<1x1x8x4096xf32, #tpu.memory_space<hbm>> -> memref<8x4096xf32, #tpu.memory_space<hbm>>
    tpu.wait_dma2 semaphore(%arg12 : memref<!tpu.dma_semaphore, #tpu.memory_space<semaphore_mem>>) src(%arg6 : memref<8x4096xf32, #tpu.memory_space<vmem>>) dst(%dma_wait3A_524 : memref<8x4096xf32, #tpu.memory_space<hbm>>)
    %dma_start3A_525 = arith.constant 18 : i32
    %dma_start3A_526 = arith.constant 0 : i32
    %dma_start3A_527 = tpu.memref_slice %arg5[%dma_start3A_525, %dma_start3A_526] : memref<32x8xi32, #tpu.memory_space<vmem>> -> memref<1x8xi32, #tpu.memory_space<vmem>>
    %dma_start3A_528 = tpu.memref_squeeze %dma_start3A_527 : memref<1x8xi32, #tpu.memory_space<vmem>> -> memref<8xi32, #tpu.memory_space<vmem>>
    %dma_start3A_529 = arith.constant 0 : i32
    %dma_start3A_530 = arith.constant 0 : i32
    %dma_start3A_531 = tpu.memref_slice %arg3[%dma_start3A_529, %dma_start3A_530] : memref<100000x4096xf32, #tpu.memory_space<hbm>> -> memref<100000x4096xf32, #tpu.memory_space<hbm>>
    tpu.enqueue_indirect_dma source(%dma_start3A_531 : memref<100000x4096xf32, #tpu.memory_space<hbm>>) target(%arg6 : memref<8x4096xf32, #tpu.memory_space<vmem>>) offsets(%dma_start3A_528 : memref<8xi32, #tpu.memory_space<vmem>>) semaphore(%arg9 : memref<!tpu.dma_semaphore, #tpu.memory_space<semaphore_mem>>)
    %dma_wait3A_532 = arith.constant 0 : i32
    %dma_wait3A_533 = arith.constant 0 : i32
    %dma_wait3A_534 = tpu.memref_slice %arg5[%dma_wait3A_532, %dma_wait3A_533] : memref<32x8xi32, #tpu.memory_space<vmem>> -> memref<1x8xi32, #tpu.memory_space<vmem>>
    %dma_wait3A_535 = tpu.memref_squeeze %dma_wait3A_534 : memref<1x8xi32, #tpu.memory_space<vmem>> -> memref<8xi32, #tpu.memory_space<vmem>>
    %dma_wait3A_536 = arith.constant 0 : i32
    %dma_wait3A_537 = arith.constant 0 : i32
    %dma_wait3A_538 = tpu.memref_slice %arg3[%dma_wait3A_536, %dma_wait3A_537] : memref<100000x4096xf32, #tpu.memory_space<hbm>> -> memref<100000x4096xf32, #tpu.memory_space<hbm>>
    tpu.wait_indirect_dma semaphore(%arg10 : memref<!tpu.dma_semaphore, #tpu.memory_space<semaphore_mem>>) src(%dma_wait3A_538 : memref<100000x4096xf32, #tpu.memory_space<hbm>>) dst(%arg7 : memref<8x4096xf32, #tpu.memory_space<vmem>>)
    %dma_start3A_539 = arith.constant 16 : i32
    %dma_start3A_540 = arith.constant 0 : i32
    %dma_start3A_541 = arith.constant 0 : i32
    %dma_start3A_542 = tpu.memref_slice %arg4[%dma_start3A_539, %add3A, %dma_start3A_540, %dma_start3A_541] : memref<32x32x8x4096xf32, #tpu.memory_space<hbm>> -> memref<1x1x8x4096xf32, #tpu.memory_space<hbm>>
    %dma_start3A_543 = tpu.memref_squeeze %dma_start3A_542 : memref<1x1x8x4096xf32, #tpu.memory_space<hbm>> -> memref<8x4096xf32, #tpu.memory_space<hbm>>
    %dma_start3A_544 = arith.constant 0 : i32
    %dma_start3A_545 = arith.constant 0 : i32
    %dma_start3A_546 = tpu.memref_slice %arg4[%dma_start3A_539, %add3A, %dma_start3A_544, %dma_start3A_545] : memref<32x32x8x4096xf32, #tpu.memory_space<hbm>> -> memref<1x1x8x4096xf32, #tpu.memory_space<hbm>>
    %dma_start3A_547 = tpu.memref_squeeze %dma_start3A_546 : memref<1x1x8x4096xf32, #tpu.memory_space<hbm>> -> memref<8x4096xf32, #tpu.memory_space<hbm>>
    tpu.enqueue_dma source(%arg7 : memref<8x4096xf32, #tpu.memory_space<vmem>>) target(%dma_start3A_547 : memref<8x4096xf32, #tpu.memory_space<hbm>>) target_semaphore(%arg13 : memref<!tpu.dma_semaphore, #tpu.memory_space<semaphore_mem>>)
    %dma_wait3A_548 = arith.constant 0 : i32
    %dma_wait3A_549 = arith.constant 0 : i32
    %dma_wait3A_550 = arith.constant 0 : i32
    %dma_wait3A_551 = tpu.memref_slice %arg4[%dma_wait3A_548, %add3A, %dma_wait3A_549, %dma_wait3A_550] : memref<32x32x8x4096xf32, #tpu.memory_space<hbm>> -> memref<1x1x8x4096xf32, #tpu.memory_space<hbm>>
    %dma_wait3A_552 = tpu.memref_squeeze %dma_wait3A_551 : memref<1x1x8x4096xf32, #tpu.memory_space<hbm>> -> memref<8x4096xf32, #tpu.memory_space<hbm>>
    %dma_wait3A_553 = arith.constant 0 : i32
    %dma_wait3A_554 = arith.constant 0 : i32
    %dma_wait3A_555 = tpu.memref_slice %arg4[%dma_wait3A_548, %add3A, %dma_wait3A_553, %dma_wait3A_554] : memref<32x32x8x4096xf32, #tpu.memory_space<hbm>> -> memref<1x1x8x4096xf32, #tpu.memory_space<hbm>>
    %dma_wait3A_556 = tpu.memref_squeeze %dma_wait3A_555 : memref<1x1x8x4096xf32, #tpu.memory_space<hbm>> -> memref<8x4096xf32, #tpu.memory_space<hbm>>
    tpu.wait_dma2 semaphore(%arg13 : memref<!tpu.dma_semaphore, #tpu.memory_space<semaphore_mem>>) src(%arg7 : memref<8x4096xf32, #tpu.memory_space<vmem>>) dst(%dma_wait3A_556 : memref<8x4096xf32, #tpu.memory_space<hbm>>)
    %dma_start3A_557 = arith.constant 19 : i32
    %dma_start3A_558 = arith.constant 0 : i32
    %dma_start3A_559 = tpu.memref_slice %arg5[%dma_start3A_557, %dma_start3A_558] : memref<32x8xi32, #tpu.memory_space<vmem>> -> memref<1x8xi32, #tpu.memory_space<vmem>>
    %dma_start3A_560 = tpu.memref_squeeze %dma_start3A_559 : memref<1x8xi32, #tpu.memory_space<vmem>> -> memref<8xi32, #tpu.memory_space<vmem>>
    %dma_start3A_561 = arith.constant 0 : i32
    %dma_start3A_562 = arith.constant 0 : i32
    %dma_start3A_563 = tpu.memref_slice %arg3[%dma_start3A_561, %dma_start3A_562] : memref<100000x4096xf32, #tpu.memory_space<hbm>> -> memref<100000x4096xf32, #tpu.memory_space<hbm>>
    tpu.enqueue_indirect_dma source(%dma_start3A_563 : memref<100000x4096xf32, #tpu.memory_space<hbm>>) target(%arg7 : memref<8x4096xf32, #tpu.memory_space<vmem>>) offsets(%dma_start3A_560 : memref<8xi32, #tpu.memory_space<vmem>>) semaphore(%arg10 : memref<!tpu.dma_semaphore, #tpu.memory_space<semaphore_mem>>)
    %dma_wait3A_564 = arith.constant 0 : i32
    %dma_wait3A_565 = arith.constant 0 : i32
    %dma_wait3A_566 = tpu.memref_slice %arg5[%dma_wait3A_564, %dma_wait3A_565] : memref<32x8xi32, #tpu.memory_space<vmem>> -> memref<1x8xi32, #tpu.memory_space<vmem>>
    %dma_wait3A_567 = tpu.memref_squeeze %dma_wait3A_566 : memref<1x8xi32, #tpu.memory_space<vmem>> -> memref<8xi32, #tpu.memory_space<vmem>>
    %dma_wait3A_568 = arith.constant 0 : i32
    %dma_wait3A_569 = arith.constant 0 : i32
    %dma_wait3A_570 = tpu.memref_slice %arg3[%dma_wait3A_568, %dma_wait3A_569] : memref<100000x4096xf32, #tpu.memory_space<hbm>> -> memref<100000x4096xf32, #tpu.memory_space<hbm>>
    tpu.wait_indirect_dma semaphore(%arg11 : memref<!tpu.dma_semaphore, #tpu.memory_space<semaphore_mem>>) src(%dma_wait3A_570 : memref<100000x4096xf32, #tpu.memory_space<hbm>>) dst(%arg8 : memref<8x4096xf32, #tpu.memory_space<vmem>>)
    %dma_start3A_571 = arith.constant 17 : i32
    %dma_start3A_572 = arith.constant 0 : i32
    %dma_start3A_573 = arith.constant 0 : i32
    %dma_start3A_574 = tpu.memref_slice %arg4[%dma_start3A_571, %add3A, %dma_start3A_572, %dma_start3A_573] : memref<32x32x8x4096xf32, #tpu.memory_space<hbm>> -> memref<1x1x8x4096xf32, #tpu.memory_space<hbm>>
    %dma_start3A_575 = tpu.memref_squeeze %dma_start3A_574 : memref<1x1x8x4096xf32, #tpu.memory_space<hbm>> -> memref<8x4096xf32, #tpu.memory_space<hbm>>
    %dma_start3A_576 = arith.constant 0 : i32
    %dma_start3A_577 = arith.constant 0 : i32
    %dma_start3A_578 = tpu.memref_slice %arg4[%dma_start3A_571, %add3A, %dma_start3A_576, %dma_start3A_577] : memref<32x32x8x4096xf32, #tpu.memory_space<hbm>> -> memref<1x1x8x4096xf32, #tpu.memory_space<hbm>>
    %dma_start3A_579 = tpu.memref_squeeze %dma_start3A_578 : memref<1x1x8x4096xf32, #tpu.memory_space<hbm>> -> memref<8x4096xf32, #tpu.memory_space<hbm>>
    tpu.enqueue_dma source(%arg8 : memref<8x4096xf32, #tpu.memory_space<vmem>>) target(%dma_start3A_579 : memref<8x4096xf32, #tpu.memory_space<hbm>>) target_semaphore(%arg14 : memref<!tpu.dma_semaphore, #tpu.memory_space<semaphore_mem>>)
    %dma_wait3A_580 = arith.constant 0 : i32
    %dma_wait3A_581 = arith.constant 0 : i32
    %dma_wait3A_582 = arith.constant 0 : i32
    %dma_wait3A_583 = tpu.memref_slice %arg4[%dma_wait3A_580, %add3A, %dma_wait3A_581, %dma_wait3A_582] : memref<32x32x8x4096xf32, #tpu.memory_space<hbm>> -> memref<1x1x8x4096xf32, #tpu.memory_space<hbm>>
    %dma_wait3A_584 = tpu.memref_squeeze %dma_wait3A_583 : memref<1x1x8x4096xf32, #tpu.memory_space<hbm>> -> memref<8x4096xf32, #tpu.memory_space<hbm>>
    %dma_wait3A_585 = arith.constant 0 : i32
    %dma_wait3A_586 = arith.constant 0 : i32
    %dma_wait3A_587 = tpu.memref_slice %arg4[%dma_wait3A_580, %add3A, %dma_wait3A_585, %dma_wait3A_586] : memref<32x32x8x4096xf32, #tpu.memory_space<hbm>> -> memref<1x1x8x4096xf32, #tpu.memory_space<hbm>>
    %dma_wait3A_588 = tpu.memref_squeeze %dma_wait3A_587 : memref<1x1x8x4096xf32, #tpu.memory_space<hbm>> -> memref<8x4096xf32, #tpu.memory_space<hbm>>
    tpu.wait_dma2 semaphore(%arg14 : memref<!tpu.dma_semaphore, #tpu.memory_space<semaphore_mem>>) src(%arg8 : memref<8x4096xf32, #tpu.memory_space<vmem>>) dst(%dma_wait3A_588 : memref<8x4096xf32, #tpu.memory_space<hbm>>)
    %dma_start3A_589 = arith.constant 20 : i32
    %dma_start3A_590 = arith.constant 0 : i32
    %dma_start3A_591 = tpu.memref_slice %arg5[%dma_start3A_589, %dma_start3A_590] : memref<32x8xi32, #tpu.memory_space<vmem>> -> memref<1x8xi32, #tpu.memory_space<vmem>>
    %dma_start3A_592 = tpu.memref_squeeze %dma_start3A_591 : memref<1x8xi32, #tpu.memory_space<vmem>> -> memref<8xi32, #tpu.memory_space<vmem>>
    %dma_start3A_593 = arith.constant 0 : i32
    %dma_start3A_594 = arith.constant 0 : i32
    %dma_start3A_595 = tpu.memref_slice %arg3[%dma_start3A_593, %dma_start3A_594] : memref<100000x4096xf32, #tpu.memory_space<hbm>> -> memref<100000x4096xf32, #tpu.memory_space<hbm>>
    tpu.enqueue_indirect_dma source(%dma_start3A_595 : memref<100000x4096xf32, #tpu.memory_space<hbm>>) target(%arg8 : memref<8x4096xf32, #tpu.memory_space<vmem>>) offsets(%dma_start3A_592 : memref<8xi32, #tpu.memory_space<vmem>>) semaphore(%arg11 : memref<!tpu.dma_semaphore, #tpu.memory_space<semaphore_mem>>)
    %dma_wait3A_596 = arith.constant 0 : i32
    %dma_wait3A_597 = arith.constant 0 : i32
    %dma_wait3A_598 = tpu.memref_slice %arg5[%dma_wait3A_596, %dma_wait3A_597] : memref<32x8xi32, #tpu.memory_space<vmem>> -> memref<1x8xi32, #tpu.memory_space<vmem>>
    %dma_wait3A_599 = tpu.memref_squeeze %dma_wait3A_598 : memref<1x8xi32, #tpu.memory_space<vmem>> -> memref<8xi32, #tpu.memory_space<vmem>>
    %dma_wait3A_600 = arith.constant 0 : i32
    %dma_wait3A_601 = arith.constant 0 : i32
    %dma_wait3A_602 = tpu.memref_slice %arg3[%dma_wait3A_600, %dma_wait3A_601] : memref<100000x4096xf32, #tpu.memory_space<hbm>> -> memref<100000x4096xf32, #tpu.memory_space<hbm>>
    tpu.wait_indirect_dma semaphore(%arg9 : memref<!tpu.dma_semaphore, #tpu.memory_space<semaphore_mem>>) src(%dma_wait3A_602 : memref<100000x4096xf32, #tpu.memory_space<hbm>>) dst(%arg6 : memref<8x4096xf32, #tpu.memory_space<vmem>>)
    %dma_start3A_603 = arith.constant 18 : i32
    %dma_start3A_604 = arith.constant 0 : i32
    %dma_start3A_605 = arith.constant 0 : i32
    %dma_start3A_606 = tpu.memref_slice %arg4[%dma_start3A_603, %add3A, %dma_start3A_604, %dma_start3A_605] : memref<32x32x8x4096xf32, #tpu.memory_space<hbm>> -> memref<1x1x8x4096xf32, #tpu.memory_space<hbm>>
    %dma_start3A_607 = tpu.memref_squeeze %dma_start3A_606 : memref<1x1x8x4096xf32, #tpu.memory_space<hbm>> -> memref<8x4096xf32, #tpu.memory_space<hbm>>
    %dma_start3A_608 = arith.constant 0 : i32
    %dma_start3A_609 = arith.constant 0 : i32
    %dma_start3A_610 = tpu.memref_slice %arg4[%dma_start3A_603, %add3A, %dma_start3A_608, %dma_start3A_609] : memref<32x32x8x4096xf32, #tpu.memory_space<hbm>> -> memref<1x1x8x4096xf32, #tpu.memory_space<hbm>>
    %dma_start3A_611 = tpu.memref_squeeze %dma_start3A_610 : memref<1x1x8x4096xf32, #tpu.memory_space<hbm>> -> memref<8x4096xf32, #tpu.memory_space<hbm>>
    tpu.enqueue_dma source(%arg6 : memref<8x4096xf32, #tpu.memory_space<vmem>>) target(%dma_start3A_611 : memref<8x4096xf32, #tpu.memory_space<hbm>>) target_semaphore(%arg12 : memref<!tpu.dma_semaphore, #tpu.memory_space<semaphore_mem>>)
    %dma_wait3A_612 = arith.constant 0 : i32
    %dma_wait3A_613 = arith.constant 0 : i32
    %dma_wait3A_614 = arith.constant 0 : i32
    %dma_wait3A_615 = tpu.memref_slice %arg4[%dma_wait3A_612, %add3A, %dma_wait3A_613, %dma_wait3A_614] : memref<32x32x8x4096xf32, #tpu.memory_space<hbm>> -> memref<1x1x8x4096xf32, #tpu.memory_space<hbm>>
    %dma_wait3A_616 = tpu.memref_squeeze %dma_wait3A_615 : memref<1x1x8x4096xf32, #tpu.memory_space<hbm>> -> memref<8x4096xf32, #tpu.memory_space<hbm>>
    %dma_wait3A_617 = arith.constant 0 : i32
    %dma_wait3A_618 = arith.constant 0 : i32
    %dma_wait3A_619 = tpu.memref_slice %arg4[%dma_wait3A_612, %add3A, %dma_wait3A_617, %dma_wait3A_618] : memref<32x32x8x4096xf32, #tpu.memory_space<hbm>> -> memref<1x1x8x4096xf32, #tpu.memory_space<hbm>>
    %dma_wait3A_620 = tpu.memref_squeeze %dma_wait3A_619 : memref<1x1x8x4096xf32, #tpu.memory_space<hbm>> -> memref<8x4096xf32, #tpu.memory_space<hbm>>
    tpu.wait_dma2 semaphore(%arg12 : memref<!tpu.dma_semaphore, #tpu.memory_space<semaphore_mem>>) src(%arg6 : memref<8x4096xf32, #tpu.memory_space<vmem>>) dst(%dma_wait3A_620 : memref<8x4096xf32, #tpu.memory_space<hbm>>)
    %dma_start3A_621 = arith.constant 21 : i32
    %dma_start3A_622 = arith.constant 0 : i32
    %dma_start3A_623 = tpu.memref_slice %arg5[%dma_start3A_621, %dma_start3A_622] : memref<32x8xi32, #tpu.memory_space<vmem>> -> memref<1x8xi32, #tpu.memory_space<vmem>>
    %dma_start3A_624 = tpu.memref_squeeze %dma_start3A_623 : memref<1x8xi32, #tpu.memory_space<vmem>> -> memref<8xi32, #tpu.memory_space<vmem>>
    %dma_start3A_625 = arith.constant 0 : i32
    %dma_start3A_626 = arith.constant 0 : i32
    %dma_start3A_627 = tpu.memref_slice %arg3[%dma_start3A_625, %dma_start3A_626] : memref<100000x4096xf32, #tpu.memory_space<hbm>> -> memref<100000x4096xf32, #tpu.memory_space<hbm>>
    tpu.enqueue_indirect_dma source(%dma_start3A_627 : memref<100000x4096xf32, #tpu.memory_space<hbm>>) target(%arg6 : memref<8x4096xf32, #tpu.memory_space<vmem>>) offsets(%dma_start3A_624 : memref<8xi32, #tpu.memory_space<vmem>>) semaphore(%arg9 : memref<!tpu.dma_semaphore, #tpu.memory_space<semaphore_mem>>)
    %dma_wait3A_628 = arith.constant 0 : i32
    %dma_wait3A_629 = arith.constant 0 : i32
    %dma_wait3A_630 = tpu.memref_slice %arg5[%dma_wait3A_628, %dma_wait3A_629] : memref<32x8xi32, #tpu.memory_space<vmem>> -> memref<1x8xi32, #tpu.memory_space<vmem>>
    %dma_wait3A_631 = tpu.memref_squeeze %dma_wait3A_630 : memref<1x8xi32, #tpu.memory_space<vmem>> -> memref<8xi32, #tpu.memory_space<vmem>>
    %dma_wait3A_632 = arith.constant 0 : i32
    %dma_wait3A_633 = arith.constant 0 : i32
    %dma_wait3A_634 = tpu.memref_slice %arg3[%dma_wait3A_632, %dma_wait3A_633] : memref<100000x4096xf32, #tpu.memory_space<hbm>> -> memref<100000x4096xf32, #tpu.memory_space<hbm>>
    tpu.wait_indirect_dma semaphore(%arg10 : memref<!tpu.dma_semaphore, #tpu.memory_space<semaphore_mem>>) src(%dma_wait3A_634 : memref<100000x4096xf32, #tpu.memory_space<hbm>>) dst(%arg7 : memref<8x4096xf32, #tpu.memory_space<vmem>>)
    %dma_start3A_635 = arith.constant 19 : i32
    %dma_start3A_636 = arith.constant 0 : i32
    %dma_start3A_637 = arith.constant 0 : i32
    %dma_start3A_638 = tpu.memref_slice %arg4[%dma_start3A_635, %add3A, %dma_start3A_636, %dma_start3A_637] : memref<32x32x8x4096xf32, #tpu.memory_space<hbm>> -> memref<1x1x8x4096xf32, #tpu.memory_space<hbm>>
    %dma_start3A_639 = tpu.memref_squeeze %dma_start3A_638 : memref<1x1x8x4096xf32, #tpu.memory_space<hbm>> -> memref<8x4096xf32, #tpu.memory_space<hbm>>
    %dma_start3A_640 = arith.constant 0 : i32
    %dma_start3A_641 = arith.constant 0 : i32
    %dma_start3A_642 = tpu.memref_slice %arg4[%dma_start3A_635, %add3A, %dma_start3A_640, %dma_start3A_641] : memref<32x32x8x4096xf32, #tpu.memory_space<hbm>> -> memref<1x1x8x4096xf32, #tpu.memory_space<hbm>>
    %dma_start3A_643 = tpu.memref_squeeze %dma_start3A_642 : memref<1x1x8x4096xf32, #tpu.memory_space<hbm>> -> memref<8x4096xf32, #tpu.memory_space<hbm>>
    tpu.enqueue_dma source(%arg7 : memref<8x4096xf32, #tpu.memory_space<vmem>>) target(%dma_start3A_643 : memref<8x4096xf32, #tpu.memory_space<hbm>>) target_semaphore(%arg13 : memref<!tpu.dma_semaphore, #tpu.memory_space<semaphore_mem>>)
    %dma_wait3A_644 = arith.constant 0 : i32
    %dma_wait3A_645 = arith.constant 0 : i32
    %dma_wait3A_646 = arith.constant 0 : i32
    %dma_wait3A_647 = tpu.memref_slice %arg4[%dma_wait3A_644, %add3A, %dma_wait3A_645, %dma_wait3A_646] : memref<32x32x8x4096xf32, #tpu.memory_space<hbm>> -> memref<1x1x8x4096xf32, #tpu.memory_space<hbm>>
    %dma_wait3A_648 = tpu.memref_squeeze %dma_wait3A_647 : memref<1x1x8x4096xf32, #tpu.memory_space<hbm>> -> memref<8x4096xf32, #tpu.memory_space<hbm>>
    %dma_wait3A_649 = arith.constant 0 : i32
    %dma_wait3A_650 = arith.constant 0 : i32
    %dma_wait3A_651 = tpu.memref_slice %arg4[%dma_wait3A_644, %add3A, %dma_wait3A_649, %dma_wait3A_650] : memref<32x32x8x4096xf32, #tpu.memory_space<hbm>> -> memref<1x1x8x4096xf32, #tpu.memory_space<hbm>>
    %dma_wait3A_652 = tpu.memref_squeeze %dma_wait3A_651 : memref<1x1x8x4096xf32, #tpu.memory_space<hbm>> -> memref<8x4096xf32, #tpu.memory_space<hbm>>
    tpu.wait_dma2 semaphore(%arg13 : memref<!tpu.dma_semaphore, #tpu.memory_space<semaphore_mem>>) src(%arg7 : memref<8x4096xf32, #tpu.memory_space<vmem>>) dst(%dma_wait3A_652 : memref<8x4096xf32, #tpu.memory_space<hbm>>)
    %dma_start3A_653 = arith.constant 22 : i32
    %dma_start3A_654 = arith.constant 0 : i32
    %dma_start3A_655 = tpu.memref_slice %arg5[%dma_start3A_653, %dma_start3A_654] : memref<32x8xi32, #tpu.memory_space<vmem>> -> memref<1x8xi32, #tpu.memory_space<vmem>>
    %dma_start3A_656 = tpu.memref_squeeze %dma_start3A_655 : memref<1x8xi32, #tpu.memory_space<vmem>> -> memref<8xi32, #tpu.memory_space<vmem>>
    %dma_start3A_657 = arith.constant 0 : i32
    %dma_start3A_658 = arith.constant 0 : i32
    %dma_start3A_659 = tpu.memref_slice %arg3[%dma_start3A_657, %dma_start3A_658] : memref<100000x4096xf32, #tpu.memory_space<hbm>> -> memref<100000x4096xf32, #tpu.memory_space<hbm>>
    tpu.enqueue_indirect_dma source(%dma_start3A_659 : memref<100000x4096xf32, #tpu.memory_space<hbm>>) target(%arg7 : memref<8x4096xf32, #tpu.memory_space<vmem>>) offsets(%dma_start3A_656 : memref<8xi32, #tpu.memory_space<vmem>>) semaphore(%arg10 : memref<!tpu.dma_semaphore, #tpu.memory_space<semaphore_mem>>)
    %dma_wait3A_660 = arith.constant 0 : i32
    %dma_wait3A_661 = arith.constant 0 : i32
    %dma_wait3A_662 = tpu.memref_slice %arg5[%dma_wait3A_660, %dma_wait3A_661] : memref<32x8xi32, #tpu.memory_space<vmem>> -> memref<1x8xi32, #tpu.memory_space<vmem>>
    %dma_wait3A_663 = tpu.memref_squeeze %dma_wait3A_662 : memref<1x8xi32, #tpu.memory_space<vmem>> -> memref<8xi32, #tpu.memory_space<vmem>>
    %dma_wait3A_664 = arith.constant 0 : i32
    %dma_wait3A_665 = arith.constant 0 : i32
    %dma_wait3A_666 = tpu.memref_slice %arg3[%dma_wait3A_664, %dma_wait3A_665] : memref<100000x4096xf32, #tpu.memory_space<hbm>> -> memref<100000x4096xf32, #tpu.memory_space<hbm>>
    tpu.wait_indirect_dma semaphore(%arg11 : memref<!tpu.dma_semaphore, #tpu.memory_space<semaphore_mem>>) src(%dma_wait3A_666 : memref<100000x4096xf32, #tpu.memory_space<hbm>>) dst(%arg8 : memref<8x4096xf32, #tpu.memory_space<vmem>>)
    %dma_start3A_667 = arith.constant 20 : i32
    %dma_start3A_668 = arith.constant 0 : i32
    %dma_start3A_669 = arith.constant 0 : i32
    %dma_start3A_670 = tpu.memref_slice %arg4[%dma_start3A_667, %add3A, %dma_start3A_668, %dma_start3A_669] : memref<32x32x8x4096xf32, #tpu.memory_space<hbm>> -> memref<1x1x8x4096xf32, #tpu.memory_space<hbm>>
    %dma_start3A_671 = tpu.memref_squeeze %dma_start3A_670 : memref<1x1x8x4096xf32, #tpu.memory_space<hbm>> -> memref<8x4096xf32, #tpu.memory_space<hbm>>
    %dma_start3A_672 = arith.constant 0 : i32
    %dma_start3A_673 = arith.constant 0 : i32
    %dma_start3A_674 = tpu.memref_slice %arg4[%dma_start3A_667, %add3A, %dma_start3A_672, %dma_start3A_673] : memref<32x32x8x4096xf32, #tpu.memory_space<hbm>> -> memref<1x1x8x4096xf32, #tpu.memory_space<hbm>>
    %dma_start3A_675 = tpu.memref_squeeze %dma_start3A_674 : memref<1x1x8x4096xf32, #tpu.memory_space<hbm>> -> memref<8x4096xf32, #tpu.memory_space<hbm>>
    tpu.enqueue_dma source(%arg8 : memref<8x4096xf32, #tpu.memory_space<vmem>>) target(%dma_start3A_675 : memref<8x4096xf32, #tpu.memory_space<hbm>>) target_semaphore(%arg14 : memref<!tpu.dma_semaphore, #tpu.memory_space<semaphore_mem>>)
    %dma_wait3A_676 = arith.constant 0 : i32
    %dma_wait3A_677 = arith.constant 0 : i32
    %dma_wait3A_678 = arith.constant 0 : i32
    %dma_wait3A_679 = tpu.memref_slice %arg4[%dma_wait3A_676, %add3A, %dma_wait3A_677, %dma_wait3A_678] : memref<32x32x8x4096xf32, #tpu.memory_space<hbm>> -> memref<1x1x8x4096xf32, #tpu.memory_space<hbm>>
    %dma_wait3A_680 = tpu.memref_squeeze %dma_wait3A_679 : memref<1x1x8x4096xf32, #tpu.memory_space<hbm>> -> memref<8x4096xf32, #tpu.memory_space<hbm>>
    %dma_wait3A_681 = arith.constant 0 : i32
    %dma_wait3A_682 = arith.constant 0 : i32
    %dma_wait3A_683 = tpu.memref_slice %arg4[%dma_wait3A_676, %add3A, %dma_wait3A_681, %dma_wait3A_682] : memref<32x32x8x4096xf32, #tpu.memory_space<hbm>> -> memref<1x1x8x4096xf32, #tpu.memory_space<hbm>>
    %dma_wait3A_684 = tpu.memref_squeeze %dma_wait3A_683 : memref<1x1x8x4096xf32, #tpu.memory_space<hbm>> -> memref<8x4096xf32, #tpu.memory_space<hbm>>
    tpu.wait_dma2 semaphore(%arg14 : memref<!tpu.dma_semaphore, #tpu.memory_space<semaphore_mem>>) src(%arg8 : memref<8x4096xf32, #tpu.memory_space<vmem>>) dst(%dma_wait3A_684 : memref<8x4096xf32, #tpu.memory_space<hbm>>)
    %dma_start3A_685 = arith.constant 23 : i32
    %dma_start3A_686 = arith.constant 0 : i32
    %dma_start3A_687 = tpu.memref_slice %arg5[%dma_start3A_685, %dma_start3A_686] : memref<32x8xi32, #tpu.memory_space<vmem>> -> memref<1x8xi32, #tpu.memory_space<vmem>>
    %dma_start3A_688 = tpu.memref_squeeze %dma_start3A_687 : memref<1x8xi32, #tpu.memory_space<vmem>> -> memref<8xi32, #tpu.memory_space<vmem>>
    %dma_start3A_689 = arith.constant 0 : i32
    %dma_start3A_690 = arith.constant 0 : i32
    %dma_start3A_691 = tpu.memref_slice %arg3[%dma_start3A_689, %dma_start3A_690] : memref<100000x4096xf32, #tpu.memory_space<hbm>> -> memref<100000x4096xf32, #tpu.memory_space<hbm>>
    tpu.enqueue_indirect_dma source(%dma_start3A_691 : memref<100000x4096xf32, #tpu.memory_space<hbm>>) target(%arg8 : memref<8x4096xf32, #tpu.memory_space<vmem>>) offsets(%dma_start3A_688 : memref<8xi32, #tpu.memory_space<vmem>>) semaphore(%arg11 : memref<!tpu.dma_semaphore, #tpu.memory_space<semaphore_mem>>)
    %dma_wait3A_692 = arith.constant 0 : i32
    %dma_wait3A_693 = arith.constant 0 : i32
    %dma_wait3A_694 = tpu.memref_slice %arg5[%dma_wait3A_692, %dma_wait3A_693] : memref<32x8xi32, #tpu.memory_space<vmem>> -> memref<1x8xi32, #tpu.memory_space<vmem>>
    %dma_wait3A_695 = tpu.memref_squeeze %dma_wait3A_694 : memref<1x8xi32, #tpu.memory_space<vmem>> -> memref<8xi32, #tpu.memory_space<vmem>>
    %dma_wait3A_696 = arith.constant 0 : i32
    %dma_wait3A_697 = arith.constant 0 : i32
    %dma_wait3A_698 = tpu.memref_slice %arg3[%dma_wait3A_696, %dma_wait3A_697] : memref<100000x4096xf32, #tpu.memory_space<hbm>> -> memref<100000x4096xf32, #tpu.memory_space<hbm>>
    tpu.wait_indirect_dma semaphore(%arg9 : memref<!tpu.dma_semaphore, #tpu.memory_space<semaphore_mem>>) src(%dma_wait3A_698 : memref<100000x4096xf32, #tpu.memory_space<hbm>>) dst(%arg6 : memref<8x4096xf32, #tpu.memory_space<vmem>>)
    %dma_start3A_699 = arith.constant 21 : i32
    %dma_start3A_700 = arith.constant 0 : i32
    %dma_start3A_701 = arith.constant 0 : i32
    %dma_start3A_702 = tpu.memref_slice %arg4[%dma_start3A_699, %add3A, %dma_start3A_700, %dma_start3A_701] : memref<32x32x8x4096xf32, #tpu.memory_space<hbm>> -> memref<1x1x8x4096xf32, #tpu.memory_space<hbm>>
    %dma_start3A_703 = tpu.memref_squeeze %dma_start3A_702 : memref<1x1x8x4096xf32, #tpu.memory_space<hbm>> -> memref<8x4096xf32, #tpu.memory_space<hbm>>
    %dma_start3A_704 = arith.constant 0 : i32
    %dma_start3A_705 = arith.constant 0 : i32
    %dma_start3A_706 = tpu.memref_slice %arg4[%dma_start3A_699, %add3A, %dma_start3A_704, %dma_start3A_705] : memref<32x32x8x4096xf32, #tpu.memory_space<hbm>> -> memref<1x1x8x4096xf32, #tpu.memory_space<hbm>>
    %dma_start3A_707 = tpu.memref_squeeze %dma_start3A_706 : memref<1x1x8x4096xf32, #tpu.memory_space<hbm>> -> memref<8x4096xf32, #tpu.memory_space<hbm>>
    tpu.enqueue_dma source(%arg6 : memref<8x4096xf32, #tpu.memory_space<vmem>>) target(%dma_start3A_707 : memref<8x4096xf32, #tpu.memory_space<hbm>>) target_semaphore(%arg12 : memref<!tpu.dma_semaphore, #tpu.memory_space<semaphore_mem>>)
    %dma_wait3A_708 = arith.constant 0 : i32
    %dma_wait3A_709 = arith.constant 0 : i32
    %dma_wait3A_710 = arith.constant 0 : i32
    %dma_wait3A_711 = tpu.memref_slice %arg4[%dma_wait3A_708, %add3A, %dma_wait3A_709, %dma_wait3A_710] : memref<32x32x8x4096xf32, #tpu.memory_space<hbm>> -> memref<1x1x8x4096xf32, #tpu.memory_space<hbm>>
    %dma_wait3A_712 = tpu.memref_squeeze %dma_wait3A_711 : memref<1x1x8x4096xf32, #tpu.memory_space<hbm>> -> memref<8x4096xf32, #tpu.memory_space<hbm>>
    %dma_wait3A_713 = arith.constant 0 : i32
    %dma_wait3A_714 = arith.constant 0 : i32
    %dma_wait3A_715 = tpu.memref_slice %arg4[%dma_wait3A_708, %add3A, %dma_wait3A_713, %dma_wait3A_714] : memref<32x32x8x4096xf32, #tpu.memory_space<hbm>> -> memref<1x1x8x4096xf32, #tpu.memory_space<hbm>>
    %dma_wait3A_716 = tpu.memref_squeeze %dma_wait3A_715 : memref<1x1x8x4096xf32, #tpu.memory_space<hbm>> -> memref<8x4096xf32, #tpu.memory_space<hbm>>
    tpu.wait_dma2 semaphore(%arg12 : memref<!tpu.dma_semaphore, #tpu.memory_space<semaphore_mem>>) src(%arg6 : memref<8x4096xf32, #tpu.memory_space<vmem>>) dst(%dma_wait3A_716 : memref<8x4096xf32, #tpu.memory_space<hbm>>)
    %dma_start3A_717 = arith.constant 24 : i32
    %dma_start3A_718 = arith.constant 0 : i32
    %dma_start3A_719 = tpu.memref_slice %arg5[%dma_start3A_717, %dma_start3A_718] : memref<32x8xi32, #tpu.memory_space<vmem>> -> memref<1x8xi32, #tpu.memory_space<vmem>>
    %dma_start3A_720 = tpu.memref_squeeze %dma_start3A_719 : memref<1x8xi32, #tpu.memory_space<vmem>> -> memref<8xi32, #tpu.memory_space<vmem>>
    %dma_start3A_721 = arith.constant 0 : i32
    %dma_start3A_722 = arith.constant 0 : i32
    %dma_start3A_723 = tpu.memref_slice %arg3[%dma_start3A_721, %dma_start3A_722] : memref<100000x4096xf32, #tpu.memory_space<hbm>> -> memref<100000x4096xf32, #tpu.memory_space<hbm>>
    tpu.enqueue_indirect_dma source(%dma_start3A_723 : memref<100000x4096xf32, #tpu.memory_space<hbm>>) target(%arg6 : memref<8x4096xf32, #tpu.memory_space<vmem>>) offsets(%dma_start3A_720 : memref<8xi32, #tpu.memory_space<vmem>>) semaphore(%arg9 : memref<!tpu.dma_semaphore, #tpu.memory_space<semaphore_mem>>)
    %dma_wait3A_724 = arith.constant 0 : i32
    %dma_wait3A_725 = arith.constant 0 : i32
    %dma_wait3A_726 = tpu.memref_slice %arg5[%dma_wait3A_724, %dma_wait3A_725] : memref<32x8xi32, #tpu.memory_space<vmem>> -> memref<1x8xi32, #tpu.memory_space<vmem>>
    %dma_wait3A_727 = tpu.memref_squeeze %dma_wait3A_726 : memref<1x8xi32, #tpu.memory_space<vmem>> -> memref<8xi32, #tpu.memory_space<vmem>>
    %dma_wait3A_728 = arith.constant 0 : i32
    %dma_wait3A_729 = arith.constant 0 : i32
    %dma_wait3A_730 = tpu.memref_slice %arg3[%dma_wait3A_728, %dma_wait3A_729] : memref<100000x4096xf32, #tpu.memory_space<hbm>> -> memref<100000x4096xf32, #tpu.memory_space<hbm>>
    tpu.wait_indirect_dma semaphore(%arg10 : memref<!tpu.dma_semaphore, #tpu.memory_space<semaphore_mem>>) src(%dma_wait3A_730 : memref<100000x4096xf32, #tpu.memory_space<hbm>>) dst(%arg7 : memref<8x4096xf32, #tpu.memory_space<vmem>>)
    %dma_start3A_731 = arith.constant 22 : i32
    %dma_start3A_732 = arith.constant 0 : i32
    %dma_start3A_733 = arith.constant 0 : i32
    %dma_start3A_734 = tpu.memref_slice %arg4[%dma_start3A_731, %add3A, %dma_start3A_732, %dma_start3A_733] : memref<32x32x8x4096xf32, #tpu.memory_space<hbm>> -> memref<1x1x8x4096xf32, #tpu.memory_space<hbm>>
    %dma_start3A_735 = tpu.memref_squeeze %dma_start3A_734 : memref<1x1x8x4096xf32, #tpu.memory_space<hbm>> -> memref<8x4096xf32, #tpu.memory_space<hbm>>
    %dma_start3A_736 = arith.constant 0 : i32
    %dma_start3A_737 = arith.constant 0 : i32
    %dma_start3A_738 = tpu.memref_slice %arg4[%dma_start3A_731, %add3A, %dma_start3A_736, %dma_start3A_737] : memref<32x32x8x4096xf32, #tpu.memory_space<hbm>> -> memref<1x1x8x4096xf32, #tpu.memory_space<hbm>>
    %dma_start3A_739 = tpu.memref_squeeze %dma_start3A_738 : memref<1x1x8x4096xf32, #tpu.memory_space<hbm>> -> memref<8x4096xf32, #tpu.memory_space<hbm>>
    tpu.enqueue_dma source(%arg7 : memref<8x4096xf32, #tpu.memory_space<vmem>>) target(%dma_start3A_739 : memref<8x4096xf32, #tpu.memory_space<hbm>>) target_semaphore(%arg13 : memref<!tpu.dma_semaphore, #tpu.memory_space<semaphore_mem>>)
    %dma_wait3A_740 = arith.constant 0 : i32
    %dma_wait3A_741 = arith.constant 0 : i32
    %dma_wait3A_742 = arith.constant 0 : i32
    %dma_wait3A_743 = tpu.memref_slice %arg4[%dma_wait3A_740, %add3A, %dma_wait3A_741, %dma_wait3A_742] : memref<32x32x8x4096xf32, #tpu.memory_space<hbm>> -> memref<1x1x8x4096xf32, #tpu.memory_space<hbm>>
    %dma_wait3A_744 = tpu.memref_squeeze %dma_wait3A_743 : memref<1x1x8x4096xf32, #tpu.memory_space<hbm>> -> memref<8x4096xf32, #tpu.memory_space<hbm>>
    %dma_wait3A_745 = arith.constant 0 : i32
    %dma_wait3A_746 = arith.constant 0 : i32
    %dma_wait3A_747 = tpu.memref_slice %arg4[%dma_wait3A_740, %add3A, %dma_wait3A_745, %dma_wait3A_746] : memref<32x32x8x4096xf32, #tpu.memory_space<hbm>> -> memref<1x1x8x4096xf32, #tpu.memory_space<hbm>>
    %dma_wait3A_748 = tpu.memref_squeeze %dma_wait3A_747 : memref<1x1x8x4096xf32, #tpu.memory_space<hbm>> -> memref<8x4096xf32, #tpu.memory_space<hbm>>
    tpu.wait_dma2 semaphore(%arg13 : memref<!tpu.dma_semaphore, #tpu.memory_space<semaphore_mem>>) src(%arg7 : memref<8x4096xf32, #tpu.memory_space<vmem>>) dst(%dma_wait3A_748 : memref<8x4096xf32, #tpu.memory_space<hbm>>)
    %dma_start3A_749 = arith.constant 25 : i32
    %dma_start3A_750 = arith.constant 0 : i32
    %dma_start3A_751 = tpu.memref_slice %arg5[%dma_start3A_749, %dma_start3A_750] : memref<32x8xi32, #tpu.memory_space<vmem>> -> memref<1x8xi32, #tpu.memory_space<vmem>>
    %dma_start3A_752 = tpu.memref_squeeze %dma_start3A_751 : memref<1x8xi32, #tpu.memory_space<vmem>> -> memref<8xi32, #tpu.memory_space<vmem>>
    %dma_start3A_753 = arith.constant 0 : i32
    %dma_start3A_754 = arith.constant 0 : i32
    %dma_start3A_755 = tpu.memref_slice %arg3[%dma_start3A_753, %dma_start3A_754] : memref<100000x4096xf32, #tpu.memory_space<hbm>> -> memref<100000x4096xf32, #tpu.memory_space<hbm>>
    tpu.enqueue_indirect_dma source(%dma_start3A_755 : memref<100000x4096xf32, #tpu.memory_space<hbm>>) target(%arg7 : memref<8x4096xf32, #tpu.memory_space<vmem>>) offsets(%dma_start3A_752 : memref<8xi32, #tpu.memory_space<vmem>>) semaphore(%arg10 : memref<!tpu.dma_semaphore, #tpu.memory_space<semaphore_mem>>)
    %dma_wait3A_756 = arith.constant 0 : i32
    %dma_wait3A_757 = arith.constant 0 : i32
    %dma_wait3A_758 = tpu.memref_slice %arg5[%dma_wait3A_756, %dma_wait3A_757] : memref<32x8xi32, #tpu.memory_space<vmem>> -> memref<1x8xi32, #tpu.memory_space<vmem>>
    %dma_wait3A_759 = tpu.memref_squeeze %dma_wait3A_758 : memref<1x8xi32, #tpu.memory_space<vmem>> -> memref<8xi32, #tpu.memory_space<vmem>>
    %dma_wait3A_760 = arith.constant 0 : i32
    %dma_wait3A_761 = arith.constant 0 : i32
    %dma_wait3A_762 = tpu.memref_slice %arg3[%dma_wait3A_760, %dma_wait3A_761] : memref<100000x4096xf32, #tpu.memory_space<hbm>> -> memref<100000x4096xf32, #tpu.memory_space<hbm>>
    tpu.wait_indirect_dma semaphore(%arg11 : memref<!tpu.dma_semaphore, #tpu.memory_space<semaphore_mem>>) src(%dma_wait3A_762 : memref<100000x4096xf32, #tpu.memory_space<hbm>>) dst(%arg8 : memref<8x4096xf32, #tpu.memory_space<vmem>>)
    %dma_start3A_763 = arith.constant 23 : i32
    %dma_start3A_764 = arith.constant 0 : i32
    %dma_start3A_765 = arith.constant 0 : i32
    %dma_start3A_766 = tpu.memref_slice %arg4[%dma_start3A_763, %add3A, %dma_start3A_764, %dma_start3A_765] : memref<32x32x8x4096xf32, #tpu.memory_space<hbm>> -> memref<1x1x8x4096xf32, #tpu.memory_space<hbm>>
    %dma_start3A_767 = tpu.memref_squeeze %dma_start3A_766 : memref<1x1x8x4096xf32, #tpu.memory_space<hbm>> -> memref<8x4096xf32, #tpu.memory_space<hbm>>
    %dma_start3A_768 = arith.constant 0 : i32
    %dma_start3A_769 = arith.constant 0 : i32
    %dma_start3A_770 = tpu.memref_slice %arg4[%dma_start3A_763, %add3A, %dma_start3A_768, %dma_start3A_769] : memref<32x32x8x4096xf32, #tpu.memory_space<hbm>> -> memref<1x1x8x4096xf32, #tpu.memory_space<hbm>>
    %dma_start3A_771 = tpu.memref_squeeze %dma_start3A_770 : memref<1x1x8x4096xf32, #tpu.memory_space<hbm>> -> memref<8x4096xf32, #tpu.memory_space<hbm>>
    tpu.enqueue_dma source(%arg8 : memref<8x4096xf32, #tpu.memory_space<vmem>>) target(%dma_start3A_771 : memref<8x4096xf32, #tpu.memory_space<hbm>>) target_semaphore(%arg14 : memref<!tpu.dma_semaphore, #tpu.memory_space<semaphore_mem>>)
    %dma_wait3A_772 = arith.constant 0 : i32
    %dma_wait3A_773 = arith.constant 0 : i32
    %dma_wait3A_774 = arith.constant 0 : i32
    %dma_wait3A_775 = tpu.memref_slice %arg4[%dma_wait3A_772, %add3A, %dma_wait3A_773, %dma_wait3A_774] : memref<32x32x8x4096xf32, #tpu.memory_space<hbm>> -> memref<1x1x8x4096xf32, #tpu.memory_space<hbm>>
    %dma_wait3A_776 = tpu.memref_squeeze %dma_wait3A_775 : memref<1x1x8x4096xf32, #tpu.memory_space<hbm>> -> memref<8x4096xf32, #tpu.memory_space<hbm>>
    %dma_wait3A_777 = arith.constant 0 : i32
    %dma_wait3A_778 = arith.constant 0 : i32
    %dma_wait3A_779 = tpu.memref_slice %arg4[%dma_wait3A_772, %add3A, %dma_wait3A_777, %dma_wait3A_778] : memref<32x32x8x4096xf32, #tpu.memory_space<hbm>> -> memref<1x1x8x4096xf32, #tpu.memory_space<hbm>>
    %dma_wait3A_780 = tpu.memref_squeeze %dma_wait3A_779 : memref<1x1x8x4096xf32, #tpu.memory_space<hbm>> -> memref<8x4096xf32, #tpu.memory_space<hbm>>
    tpu.wait_dma2 semaphore(%arg14 : memref<!tpu.dma_semaphore, #tpu.memory_space<semaphore_mem>>) src(%arg8 : memref<8x4096xf32, #tpu.memory_space<vmem>>) dst(%dma_wait3A_780 : memref<8x4096xf32, #tpu.memory_space<hbm>>)
    %dma_start3A_781 = arith.constant 26 : i32
    %dma_start3A_782 = arith.constant 0 : i32
    %dma_start3A_783 = tpu.memref_slice %arg5[%dma_start3A_781, %dma_start3A_782] : memref<32x8xi32, #tpu.memory_space<vmem>> -> memref<1x8xi32, #tpu.memory_space<vmem>>
    %dma_start3A_784 = tpu.memref_squeeze %dma_start3A_783 : memref<1x8xi32, #tpu.memory_space<vmem>> -> memref<8xi32, #tpu.memory_space<vmem>>
    %dma_start3A_785 = arith.constant 0 : i32
    %dma_start3A_786 = arith.constant 0 : i32
    %dma_start3A_787 = tpu.memref_slice %arg3[%dma_start3A_785, %dma_start3A_786] : memref<100000x4096xf32, #tpu.memory_space<hbm>> -> memref<100000x4096xf32, #tpu.memory_space<hbm>>
    tpu.enqueue_indirect_dma source(%dma_start3A_787 : memref<100000x4096xf32, #tpu.memory_space<hbm>>) target(%arg8 : memref<8x4096xf32, #tpu.memory_space<vmem>>) offsets(%dma_start3A_784 : memref<8xi32, #tpu.memory_space<vmem>>) semaphore(%arg11 : memref<!tpu.dma_semaphore, #tpu.memory_space<semaphore_mem>>)
    %dma_wait3A_788 = arith.constant 0 : i32
    %dma_wait3A_789 = arith.constant 0 : i32
    %dma_wait3A_790 = tpu.memref_slice %arg5[%dma_wait3A_788, %dma_wait3A_789] : memref<32x8xi32, #tpu.memory_space<vmem>> -> memref<1x8xi32, #tpu.memory_space<vmem>>
    %dma_wait3A_791 = tpu.memref_squeeze %dma_wait3A_790 : memref<1x8xi32, #tpu.memory_space<vmem>> -> memref<8xi32, #tpu.memory_space<vmem>>
    %dma_wait3A_792 = arith.constant 0 : i32
    %dma_wait3A_793 = arith.constant 0 : i32
    %dma_wait3A_794 = tpu.memref_slice %arg3[%dma_wait3A_792, %dma_wait3A_793] : memref<100000x4096xf32, #tpu.memory_space<hbm>> -> memref<100000x4096xf32, #tpu.memory_space<hbm>>
    tpu.wait_indirect_dma semaphore(%arg9 : memref<!tpu.dma_semaphore, #tpu.memory_space<semaphore_mem>>) src(%dma_wait3A_794 : memref<100000x4096xf32, #tpu.memory_space<hbm>>) dst(%arg6 : memref<8x4096xf32, #tpu.memory_space<vmem>>)
    %dma_start3A_795 = arith.constant 24 : i32
    %dma_start3A_796 = arith.constant 0 : i32
    %dma_start3A_797 = arith.constant 0 : i32
    %dma_start3A_798 = tpu.memref_slice %arg4[%dma_start3A_795, %add3A, %dma_start3A_796, %dma_start3A_797] : memref<32x32x8x4096xf32, #tpu.memory_space<hbm>> -> memref<1x1x8x4096xf32, #tpu.memory_space<hbm>>
    %dma_start3A_799 = tpu.memref_squeeze %dma_start3A_798 : memref<1x1x8x4096xf32, #tpu.memory_space<hbm>> -> memref<8x4096xf32, #tpu.memory_space<hbm>>
    %dma_start3A_800 = arith.constant 0 : i32
    %dma_start3A_801 = arith.constant 0 : i32
    %dma_start3A_802 = tpu.memref_slice %arg4[%dma_start3A_795, %add3A, %dma_start3A_800, %dma_start3A_801] : memref<32x32x8x4096xf32, #tpu.memory_space<hbm>> -> memref<1x1x8x4096xf32, #tpu.memory_space<hbm>>
    %dma_start3A_803 = tpu.memref_squeeze %dma_start3A_802 : memref<1x1x8x4096xf32, #tpu.memory_space<hbm>> -> memref<8x4096xf32, #tpu.memory_space<hbm>>
    tpu.enqueue_dma source(%arg6 : memref<8x4096xf32, #tpu.memory_space<vmem>>) target(%dma_start3A_803 : memref<8x4096xf32, #tpu.memory_space<hbm>>) target_semaphore(%arg12 : memref<!tpu.dma_semaphore, #tpu.memory_space<semaphore_mem>>)
    %dma_wait3A_804 = arith.constant 0 : i32
    %dma_wait3A_805 = arith.constant 0 : i32
    %dma_wait3A_806 = arith.constant 0 : i32
    %dma_wait3A_807 = tpu.memref_slice %arg4[%dma_wait3A_804, %add3A, %dma_wait3A_805, %dma_wait3A_806] : memref<32x32x8x4096xf32, #tpu.memory_space<hbm>> -> memref<1x1x8x4096xf32, #tpu.memory_space<hbm>>
    %dma_wait3A_808 = tpu.memref_squeeze %dma_wait3A_807 : memref<1x1x8x4096xf32, #tpu.memory_space<hbm>> -> memref<8x4096xf32, #tpu.memory_space<hbm>>
    %dma_wait3A_809 = arith.constant 0 : i32
    %dma_wait3A_810 = arith.constant 0 : i32
    %dma_wait3A_811 = tpu.memref_slice %arg4[%dma_wait3A_804, %add3A, %dma_wait3A_809, %dma_wait3A_810] : memref<32x32x8x4096xf32, #tpu.memory_space<hbm>> -> memref<1x1x8x4096xf32, #tpu.memory_space<hbm>>
    %dma_wait3A_812 = tpu.memref_squeeze %dma_wait3A_811 : memref<1x1x8x4096xf32, #tpu.memory_space<hbm>> -> memref<8x4096xf32, #tpu.memory_space<hbm>>
    tpu.wait_dma2 semaphore(%arg12 : memref<!tpu.dma_semaphore, #tpu.memory_space<semaphore_mem>>) src(%arg6 : memref<8x4096xf32, #tpu.memory_space<vmem>>) dst(%dma_wait3A_812 : memref<8x4096xf32, #tpu.memory_space<hbm>>)
    %dma_start3A_813 = arith.constant 27 : i32
    %dma_start3A_814 = arith.constant 0 : i32
    %dma_start3A_815 = tpu.memref_slice %arg5[%dma_start3A_813, %dma_start3A_814] : memref<32x8xi32, #tpu.memory_space<vmem>> -> memref<1x8xi32, #tpu.memory_space<vmem>>
    %dma_start3A_816 = tpu.memref_squeeze %dma_start3A_815 : memref<1x8xi32, #tpu.memory_space<vmem>> -> memref<8xi32, #tpu.memory_space<vmem>>
    %dma_start3A_817 = arith.constant 0 : i32
    %dma_start3A_818 = arith.constant 0 : i32
    %dma_start3A_819 = tpu.memref_slice %arg3[%dma_start3A_817, %dma_start3A_818] : memref<100000x4096xf32, #tpu.memory_space<hbm>> -> memref<100000x4096xf32, #tpu.memory_space<hbm>>
    tpu.enqueue_indirect_dma source(%dma_start3A_819 : memref<100000x4096xf32, #tpu.memory_space<hbm>>) target(%arg6 : memref<8x4096xf32, #tpu.memory_space<vmem>>) offsets(%dma_start3A_816 : memref<8xi32, #tpu.memory_space<vmem>>) semaphore(%arg9 : memref<!tpu.dma_semaphore, #tpu.memory_space<semaphore_mem>>)
    %dma_wait3A_820 = arith.constant 0 : i32
    %dma_wait3A_821 = arith.constant 0 : i32
    %dma_wait3A_822 = tpu.memref_slice %arg5[%dma_wait3A_820, %dma_wait3A_821] : memref<32x8xi32, #tpu.memory_space<vmem>> -> memref<1x8xi32, #tpu.memory_space<vmem>>
    %dma_wait3A_823 = tpu.memref_squeeze %dma_wait3A_822 : memref<1x8xi32, #tpu.memory_space<vmem>> -> memref<8xi32, #tpu.memory_space<vmem>>
    %dma_wait3A_824 = arith.constant 0 : i32
    %dma_wait3A_825 = arith.constant 0 : i32
    %dma_wait3A_826 = tpu.memref_slice %arg3[%dma_wait3A_824, %dma_wait3A_825] : memref<100000x4096xf32, #tpu.memory_space<hbm>> -> memref<100000x4096xf32, #tpu.memory_space<hbm>>
    tpu.wait_indirect_dma semaphore(%arg10 : memref<!tpu.dma_semaphore, #tpu.memory_space<semaphore_mem>>) src(%dma_wait3A_826 : memref<100000x4096xf32, #tpu.memory_space<hbm>>) dst(%arg7 : memref<8x4096xf32, #tpu.memory_space<vmem>>)
    %dma_start3A_827 = arith.constant 25 : i32
    %dma_start3A_828 = arith.constant 0 : i32
    %dma_start3A_829 = arith.constant 0 : i32
    %dma_start3A_830 = tpu.memref_slice %arg4[%dma_start3A_827, %add3A, %dma_start3A_828, %dma_start3A_829] : memref<32x32x8x4096xf32, #tpu.memory_space<hbm>> -> memref<1x1x8x4096xf32, #tpu.memory_space<hbm>>
    %dma_start3A_831 = tpu.memref_squeeze %dma_start3A_830 : memref<1x1x8x4096xf32, #tpu.memory_space<hbm>> -> memref<8x4096xf32, #tpu.memory_space<hbm>>
    %dma_start3A_832 = arith.constant 0 : i32
    %dma_start3A_833 = arith.constant 0 : i32
    %dma_start3A_834 = tpu.memref_slice %arg4[%dma_start3A_827, %add3A, %dma_start3A_832, %dma_start3A_833] : memref<32x32x8x4096xf32, #tpu.memory_space<hbm>> -> memref<1x1x8x4096xf32, #tpu.memory_space<hbm>>
    %dma_start3A_835 = tpu.memref_squeeze %dma_start3A_834 : memref<1x1x8x4096xf32, #tpu.memory_space<hbm>> -> memref<8x4096xf32, #tpu.memory_space<hbm>>
    tpu.enqueue_dma source(%arg7 : memref<8x4096xf32, #tpu.memory_space<vmem>>) target(%dma_start3A_835 : memref<8x4096xf32, #tpu.memory_space<hbm>>) target_semaphore(%arg13 : memref<!tpu.dma_semaphore, #tpu.memory_space<semaphore_mem>>)
    %dma_wait3A_836 = arith.constant 0 : i32
    %dma_wait3A_837 = arith.constant 0 : i32
    %dma_wait3A_838 = arith.constant 0 : i32
    %dma_wait3A_839 = tpu.memref_slice %arg4[%dma_wait3A_836, %add3A, %dma_wait3A_837, %dma_wait3A_838] : memref<32x32x8x4096xf32, #tpu.memory_space<hbm>> -> memref<1x1x8x4096xf32, #tpu.memory_space<hbm>>
    %dma_wait3A_840 = tpu.memref_squeeze %dma_wait3A_839 : memref<1x1x8x4096xf32, #tpu.memory_space<hbm>> -> memref<8x4096xf32, #tpu.memory_space<hbm>>
    %dma_wait3A_841 = arith.constant 0 : i32
    %dma_wait3A_842 = arith.constant 0 : i32
    %dma_wait3A_843 = tpu.memref_slice %arg4[%dma_wait3A_836, %add3A, %dma_wait3A_841, %dma_wait3A_842] : memref<32x32x8x4096xf32, #tpu.memory_space<hbm>> -> memref<1x1x8x4096xf32, #tpu.memory_space<hbm>>
    %dma_wait3A_844 = tpu.memref_squeeze %dma_wait3A_843 : memref<1x1x8x4096xf32, #tpu.memory_space<hbm>> -> memref<8x4096xf32, #tpu.memory_space<hbm>>
    tpu.wait_dma2 semaphore(%arg13 : memref<!tpu.dma_semaphore, #tpu.memory_space<semaphore_mem>>) src(%arg7 : memref<8x4096xf32, #tpu.memory_space<vmem>>) dst(%dma_wait3A_844 : memref<8x4096xf32, #tpu.memory_space<hbm>>)
    %dma_start3A_845 = arith.constant 28 : i32
    %dma_start3A_846 = arith.constant 0 : i32
    %dma_start3A_847 = tpu.memref_slice %arg5[%dma_start3A_845, %dma_start3A_846] : memref<32x8xi32, #tpu.memory_space<vmem>> -> memref<1x8xi32, #tpu.memory_space<vmem>>
    %dma_start3A_848 = tpu.memref_squeeze %dma_start3A_847 : memref<1x8xi32, #tpu.memory_space<vmem>> -> memref<8xi32, #tpu.memory_space<vmem>>
    %dma_start3A_849 = arith.constant 0 : i32
    %dma_start3A_850 = arith.constant 0 : i32
    %dma_start3A_851 = tpu.memref_slice %arg3[%dma_start3A_849, %dma_start3A_850] : memref<100000x4096xf32, #tpu.memory_space<hbm>> -> memref<100000x4096xf32, #tpu.memory_space<hbm>>
    tpu.enqueue_indirect_dma source(%dma_start3A_851 : memref<100000x4096xf32, #tpu.memory_space<hbm>>) target(%arg7 : memref<8x4096xf32, #tpu.memory_space<vmem>>) offsets(%dma_start3A_848 : memref<8xi32, #tpu.memory_space<vmem>>) semaphore(%arg10 : memref<!tpu.dma_semaphore, #tpu.memory_space<semaphore_mem>>)
    %dma_wait3A_852 = arith.constant 0 : i32
    %dma_wait3A_853 = arith.constant 0 : i32
    %dma_wait3A_854 = tpu.memref_slice %arg5[%dma_wait3A_852, %dma_wait3A_853] : memref<32x8xi32, #tpu.memory_space<vmem>> -> memref<1x8xi32, #tpu.memory_space<vmem>>
    %dma_wait3A_855 = tpu.memref_squeeze %dma_wait3A_854 : memref<1x8xi32, #tpu.memory_space<vmem>> -> memref<8xi32, #tpu.memory_space<vmem>>
    %dma_wait3A_856 = arith.constant 0 : i32
    %dma_wait3A_857 = arith.constant 0 : i32
    %dma_wait3A_858 = tpu.memref_slice %arg3[%dma_wait3A_856, %dma_wait3A_857] : memref<100000x4096xf32, #tpu.memory_space<hbm>> -> memref<100000x4096xf32, #tpu.memory_space<hbm>>
    tpu.wait_indirect_dma semaphore(%arg11 : memref<!tpu.dma_semaphore, #tpu.memory_space<semaphore_mem>>) src(%dma_wait3A_858 : memref<100000x4096xf32, #tpu.memory_space<hbm>>) dst(%arg8 : memref<8x4096xf32, #tpu.memory_space<vmem>>)
    %dma_start3A_859 = arith.constant 26 : i32
    %dma_start3A_860 = arith.constant 0 : i32
    %dma_start3A_861 = arith.constant 0 : i32
    %dma_start3A_862 = tpu.memref_slice %arg4[%dma_start3A_859, %add3A, %dma_start3A_860, %dma_start3A_861] : memref<32x32x8x4096xf32, #tpu.memory_space<hbm>> -> memref<1x1x8x4096xf32, #tpu.memory_space<hbm>>
    %dma_start3A_863 = tpu.memref_squeeze %dma_start3A_862 : memref<1x1x8x4096xf32, #tpu.memory_space<hbm>> -> memref<8x4096xf32, #tpu.memory_space<hbm>>
    %dma_start3A_864 = arith.constant 0 : i32
    %dma_start3A_865 = arith.constant 0 : i32
    %dma_start3A_866 = tpu.memref_slice %arg4[%dma_start3A_859, %add3A, %dma_start3A_864, %dma_start3A_865] : memref<32x32x8x4096xf32, #tpu.memory_space<hbm>> -> memref<1x1x8x4096xf32, #tpu.memory_space<hbm>>
    %dma_start3A_867 = tpu.memref_squeeze %dma_start3A_866 : memref<1x1x8x4096xf32, #tpu.memory_space<hbm>> -> memref<8x4096xf32, #tpu.memory_space<hbm>>
    tpu.enqueue_dma source(%arg8 : memref<8x4096xf32, #tpu.memory_space<vmem>>) target(%dma_start3A_867 : memref<8x4096xf32, #tpu.memory_space<hbm>>) target_semaphore(%arg14 : memref<!tpu.dma_semaphore, #tpu.memory_space<semaphore_mem>>)
    %dma_wait3A_868 = arith.constant 0 : i32
    %dma_wait3A_869 = arith.constant 0 : i32
    %dma_wait3A_870 = arith.constant 0 : i32
    %dma_wait3A_871 = tpu.memref_slice %arg4[%dma_wait3A_868, %add3A, %dma_wait3A_869, %dma_wait3A_870] : memref<32x32x8x4096xf32, #tpu.memory_space<hbm>> -> memref<1x1x8x4096xf32, #tpu.memory_space<hbm>>
    %dma_wait3A_872 = tpu.memref_squeeze %dma_wait3A_871 : memref<1x1x8x4096xf32, #tpu.memory_space<hbm>> -> memref<8x4096xf32, #tpu.memory_space<hbm>>
    %dma_wait3A_873 = arith.constant 0 : i32
    %dma_wait3A_874 = arith.constant 0 : i32
    %dma_wait3A_875 = tpu.memref_slice %arg4[%dma_wait3A_868, %add3A, %dma_wait3A_873, %dma_wait3A_874] : memref<32x32x8x4096xf32, #tpu.memory_space<hbm>> -> memref<1x1x8x4096xf32, #tpu.memory_space<hbm>>
    %dma_wait3A_876 = tpu.memref_squeeze %dma_wait3A_875 : memref<1x1x8x4096xf32, #tpu.memory_space<hbm>> -> memref<8x4096xf32, #tpu.memory_space<hbm>>
    tpu.wait_dma2 semaphore(%arg14 : memref<!tpu.dma_semaphore, #tpu.memory_space<semaphore_mem>>) src(%arg8 : memref<8x4096xf32, #tpu.memory_space<vmem>>) dst(%dma_wait3A_876 : memref<8x4096xf32, #tpu.memory_space<hbm>>)
    %dma_start3A_877 = arith.constant 29 : i32
    %dma_start3A_878 = arith.constant 0 : i32
    %dma_start3A_879 = tpu.memref_slice %arg5[%dma_start3A_877, %dma_start3A_878] : memref<32x8xi32, #tpu.memory_space<vmem>> -> memref<1x8xi32, #tpu.memory_space<vmem>>
    %dma_start3A_880 = tpu.memref_squeeze %dma_start3A_879 : memref<1x8xi32, #tpu.memory_space<vmem>> -> memref<8xi32, #tpu.memory_space<vmem>>
    %dma_start3A_881 = arith.constant 0 : i32
    %dma_start3A_882 = arith.constant 0 : i32
    %dma_start3A_883 = tpu.memref_slice %arg3[%dma_start3A_881, %dma_start3A_882] : memref<100000x4096xf32, #tpu.memory_space<hbm>> -> memref<100000x4096xf32, #tpu.memory_space<hbm>>
    tpu.enqueue_indirect_dma source(%dma_start3A_883 : memref<100000x4096xf32, #tpu.memory_space<hbm>>) target(%arg8 : memref<8x4096xf32, #tpu.memory_space<vmem>>) offsets(%dma_start3A_880 : memref<8xi32, #tpu.memory_space<vmem>>) semaphore(%arg11 : memref<!tpu.dma_semaphore, #tpu.memory_space<semaphore_mem>>)
    %dma_wait3A_884 = arith.constant 0 : i32
    %dma_wait3A_885 = arith.constant 0 : i32
    %dma_wait3A_886 = tpu.memref_slice %arg5[%dma_wait3A_884, %dma_wait3A_885] : memref<32x8xi32, #tpu.memory_space<vmem>> -> memref<1x8xi32, #tpu.memory_space<vmem>>
    %dma_wait3A_887 = tpu.memref_squeeze %dma_wait3A_886 : memref<1x8xi32, #tpu.memory_space<vmem>> -> memref<8xi32, #tpu.memory_space<vmem>>
    %dma_wait3A_888 = arith.constant 0 : i32
    %dma_wait3A_889 = arith.constant 0 : i32
    %dma_wait3A_890 = tpu.memref_slice %arg3[%dma_wait3A_888, %dma_wait3A_889] : memref<100000x4096xf32, #tpu.memory_space<hbm>> -> memref<100000x4096xf32, #tpu.memory_space<hbm>>
    tpu.wait_indirect_dma semaphore(%arg9 : memref<!tpu.dma_semaphore, #tpu.memory_space<semaphore_mem>>) src(%dma_wait3A_890 : memref<100000x4096xf32, #tpu.memory_space<hbm>>) dst(%arg6 : memref<8x4096xf32, #tpu.memory_space<vmem>>)
    %dma_start3A_891 = arith.constant 27 : i32
    %dma_start3A_892 = arith.constant 0 : i32
    %dma_start3A_893 = arith.constant 0 : i32
    %dma_start3A_894 = tpu.memref_slice %arg4[%dma_start3A_891, %add3A, %dma_start3A_892, %dma_start3A_893] : memref<32x32x8x4096xf32, #tpu.memory_space<hbm>> -> memref<1x1x8x4096xf32, #tpu.memory_space<hbm>>
    %dma_start3A_895 = tpu.memref_squeeze %dma_start3A_894 : memref<1x1x8x4096xf32, #tpu.memory_space<hbm>> -> memref<8x4096xf32, #tpu.memory_space<hbm>>
    %dma_start3A_896 = arith.constant 0 : i32
    %dma_start3A_897 = arith.constant 0 : i32
    %dma_start3A_898 = tpu.memref_slice %arg4[%dma_start3A_891, %add3A, %dma_start3A_896, %dma_start3A_897] : memref<32x32x8x4096xf32, #tpu.memory_space<hbm>> -> memref<1x1x8x4096xf32, #tpu.memory_space<hbm>>
    %dma_start3A_899 = tpu.memref_squeeze %dma_start3A_898 : memref<1x1x8x4096xf32, #tpu.memory_space<hbm>> -> memref<8x4096xf32, #tpu.memory_space<hbm>>
    tpu.enqueue_dma source(%arg6 : memref<8x4096xf32, #tpu.memory_space<vmem>>) target(%dma_start3A_899 : memref<8x4096xf32, #tpu.memory_space<hbm>>) target_semaphore(%arg12 : memref<!tpu.dma_semaphore, #tpu.memory_space<semaphore_mem>>)
    %dma_wait3A_900 = arith.constant 0 : i32
    %dma_wait3A_901 = arith.constant 0 : i32
    %dma_wait3A_902 = arith.constant 0 : i32
    %dma_wait3A_903 = tpu.memref_slice %arg4[%dma_wait3A_900, %add3A, %dma_wait3A_901, %dma_wait3A_902] : memref<32x32x8x4096xf32, #tpu.memory_space<hbm>> -> memref<1x1x8x4096xf32, #tpu.memory_space<hbm>>
    %dma_wait3A_904 = tpu.memref_squeeze %dma_wait3A_903 : memref<1x1x8x4096xf32, #tpu.memory_space<hbm>> -> memref<8x4096xf32, #tpu.memory_space<hbm>>
    %dma_wait3A_905 = arith.constant 0 : i32
    %dma_wait3A_906 = arith.constant 0 : i32
    %dma_wait3A_907 = tpu.memref_slice %arg4[%dma_wait3A_900, %add3A, %dma_wait3A_905, %dma_wait3A_906] : memref<32x32x8x4096xf32, #tpu.memory_space<hbm>> -> memref<1x1x8x4096xf32, #tpu.memory_space<hbm>>
    %dma_wait3A_908 = tpu.memref_squeeze %dma_wait3A_907 : memref<1x1x8x4096xf32, #tpu.memory_space<hbm>> -> memref<8x4096xf32, #tpu.memory_space<hbm>>
    tpu.wait_dma2 semaphore(%arg12 : memref<!tpu.dma_semaphore, #tpu.memory_space<semaphore_mem>>) src(%arg6 : memref<8x4096xf32, #tpu.memory_space<vmem>>) dst(%dma_wait3A_908 : memref<8x4096xf32, #tpu.memory_space<hbm>>)
    %dma_start3A_909 = arith.constant 30 : i32
    %dma_start3A_910 = arith.constant 0 : i32
    %dma_start3A_911 = tpu.memref_slice %arg5[%dma_start3A_909, %dma_start3A_910] : memref<32x8xi32, #tpu.memory_space<vmem>> -> memref<1x8xi32, #tpu.memory_space<vmem>>
    %dma_start3A_912 = tpu.memref_squeeze %dma_start3A_911 : memref<1x8xi32, #tpu.memory_space<vmem>> -> memref<8xi32, #tpu.memory_space<vmem>>
    %dma_start3A_913 = arith.constant 0 : i32
    %dma_start3A_914 = arith.constant 0 : i32
    %dma_start3A_915 = tpu.memref_slice %arg3[%dma_start3A_913, %dma_start3A_914] : memref<100000x4096xf32, #tpu.memory_space<hbm>> -> memref<100000x4096xf32, #tpu.memory_space<hbm>>
    tpu.enqueue_indirect_dma source(%dma_start3A_915 : memref<100000x4096xf32, #tpu.memory_space<hbm>>) target(%arg6 : memref<8x4096xf32, #tpu.memory_space<vmem>>) offsets(%dma_start3A_912 : memref<8xi32, #tpu.memory_space<vmem>>) semaphore(%arg9 : memref<!tpu.dma_semaphore, #tpu.memory_space<semaphore_mem>>)
    %dma_wait3A_916 = arith.constant 0 : i32
    %dma_wait3A_917 = arith.constant 0 : i32
    %dma_wait3A_918 = tpu.memref_slice %arg5[%dma_wait3A_916, %dma_wait3A_917] : memref<32x8xi32, #tpu.memory_space<vmem>> -> memref<1x8xi32, #tpu.memory_space<vmem>>
    %dma_wait3A_919 = tpu.memref_squeeze %dma_wait3A_918 : memref<1x8xi32, #tpu.memory_space<vmem>> -> memref<8xi32, #tpu.memory_space<vmem>>
    %dma_wait3A_920 = arith.constant 0 : i32
    %dma_wait3A_921 = arith.constant 0 : i32
    %dma_wait3A_922 = tpu.memref_slice %arg3[%dma_wait3A_920, %dma_wait3A_921] : memref<100000x4096xf32, #tpu.memory_space<hbm>> -> memref<100000x4096xf32, #tpu.memory_space<hbm>>
    tpu.wait_indirect_dma semaphore(%arg10 : memref<!tpu.dma_semaphore, #tpu.memory_space<semaphore_mem>>) src(%dma_wait3A_922 : memref<100000x4096xf32, #tpu.memory_space<hbm>>) dst(%arg7 : memref<8x4096xf32, #tpu.memory_space<vmem>>)
    %dma_start3A_923 = arith.constant 28 : i32
    %dma_start3A_924 = arith.constant 0 : i32
    %dma_start3A_925 = arith.constant 0 : i32
    %dma_start3A_926 = tpu.memref_slice %arg4[%dma_start3A_923, %add3A, %dma_start3A_924, %dma_start3A_925] : memref<32x32x8x4096xf32, #tpu.memory_space<hbm>> -> memref<1x1x8x4096xf32, #tpu.memory_space<hbm>>
    %dma_start3A_927 = tpu.memref_squeeze %dma_start3A_926 : memref<1x1x8x4096xf32, #tpu.memory_space<hbm>> -> memref<8x4096xf32, #tpu.memory_space<hbm>>
    %dma_start3A_928 = arith.constant 0 : i32
    %dma_start3A_929 = arith.constant 0 : i32
    %dma_start3A_930 = tpu.memref_slice %arg4[%dma_start3A_923, %add3A, %dma_start3A_928, %dma_start3A_929] : memref<32x32x8x4096xf32, #tpu.memory_space<hbm>> -> memref<1x1x8x4096xf32, #tpu.memory_space<hbm>>
    %dma_start3A_931 = tpu.memref_squeeze %dma_start3A_930 : memref<1x1x8x4096xf32, #tpu.memory_space<hbm>> -> memref<8x4096xf32, #tpu.memory_space<hbm>>
    tpu.enqueue_dma source(%arg7 : memref<8x4096xf32, #tpu.memory_space<vmem>>) target(%dma_start3A_931 : memref<8x4096xf32, #tpu.memory_space<hbm>>) target_semaphore(%arg13 : memref<!tpu.dma_semaphore, #tpu.memory_space<semaphore_mem>>)
    %dma_wait3A_932 = arith.constant 0 : i32
    %dma_wait3A_933 = arith.constant 0 : i32
    %dma_wait3A_934 = arith.constant 0 : i32
    %dma_wait3A_935 = tpu.memref_slice %arg4[%dma_wait3A_932, %add3A, %dma_wait3A_933, %dma_wait3A_934] : memref<32x32x8x4096xf32, #tpu.memory_space<hbm>> -> memref<1x1x8x4096xf32, #tpu.memory_space<hbm>>
    %dma_wait3A_936 = tpu.memref_squeeze %dma_wait3A_935 : memref<1x1x8x4096xf32, #tpu.memory_space<hbm>> -> memref<8x4096xf32, #tpu.memory_space<hbm>>
    %dma_wait3A_937 = arith.constant 0 : i32
    %dma_wait3A_938 = arith.constant 0 : i32
    %dma_wait3A_939 = tpu.memref_slice %arg4[%dma_wait3A_932, %add3A, %dma_wait3A_937, %dma_wait3A_938] : memref<32x32x8x4096xf32, #tpu.memory_space<hbm>> -> memref<1x1x8x4096xf32, #tpu.memory_space<hbm>>
    %dma_wait3A_940 = tpu.memref_squeeze %dma_wait3A_939 : memref<1x1x8x4096xf32, #tpu.memory_space<hbm>> -> memref<8x4096xf32, #tpu.memory_space<hbm>>
    tpu.wait_dma2 semaphore(%arg13 : memref<!tpu.dma_semaphore, #tpu.memory_space<semaphore_mem>>) src(%arg7 : memref<8x4096xf32, #tpu.memory_space<vmem>>) dst(%dma_wait3A_940 : memref<8x4096xf32, #tpu.memory_space<hbm>>)
    %dma_start3A_941 = arith.constant 31 : i32
    %dma_start3A_942 = arith.constant 0 : i32
    %dma_start3A_943 = tpu.memref_slice %arg5[%dma_start3A_941, %dma_start3A_942] : memref<32x8xi32, #tpu.memory_space<vmem>> -> memref<1x8xi32, #tpu.memory_space<vmem>>
    %dma_start3A_944 = tpu.memref_squeeze %dma_start3A_943 : memref<1x8xi32, #tpu.memory_space<vmem>> -> memref<8xi32, #tpu.memory_space<vmem>>
    %dma_start3A_945 = arith.constant 0 : i32
    %dma_start3A_946 = arith.constant 0 : i32
    %dma_start3A_947 = tpu.memref_slice %arg3[%dma_start3A_945, %dma_start3A_946] : memref<100000x4096xf32, #tpu.memory_space<hbm>> -> memref<100000x4096xf32, #tpu.memory_space<hbm>>
    tpu.enqueue_indirect_dma source(%dma_start3A_947 : memref<100000x4096xf32, #tpu.memory_space<hbm>>) target(%arg7 : memref<8x4096xf32, #tpu.memory_space<vmem>>) offsets(%dma_start3A_944 : memref<8xi32, #tpu.memory_space<vmem>>) semaphore(%arg10 : memref<!tpu.dma_semaphore, #tpu.memory_space<semaphore_mem>>)
    %dma_wait3A_948 = arith.constant 0 : i32
    %dma_wait3A_949 = arith.constant 0 : i32
    %dma_wait3A_950 = tpu.memref_slice %arg5[%dma_wait3A_948, %dma_wait3A_949] : memref<32x8xi32, #tpu.memory_space<vmem>> -> memref<1x8xi32, #tpu.memory_space<vmem>>
    %dma_wait3A_951 = tpu.memref_squeeze %dma_wait3A_950 : memref<1x8xi32, #tpu.memory_space<vmem>> -> memref<8xi32, #tpu.memory_space<vmem>>
    %dma_wait3A_952 = arith.constant 0 : i32
    %dma_wait3A_953 = arith.constant 0 : i32
    %dma_wait3A_954 = tpu.memref_slice %arg3[%dma_wait3A_952, %dma_wait3A_953] : memref<100000x4096xf32, #tpu.memory_space<hbm>> -> memref<100000x4096xf32, #tpu.memory_space<hbm>>
    tpu.wait_indirect_dma semaphore(%arg11 : memref<!tpu.dma_semaphore, #tpu.memory_space<semaphore_mem>>) src(%dma_wait3A_954 : memref<100000x4096xf32, #tpu.memory_space<hbm>>) dst(%arg8 : memref<8x4096xf32, #tpu.memory_space<vmem>>)
    %dma_start3A_955 = arith.constant 29 : i32
    %dma_start3A_956 = arith.constant 0 : i32
    %dma_start3A_957 = arith.constant 0 : i32
    %dma_start3A_958 = tpu.memref_slice %arg4[%dma_start3A_955, %add3A, %dma_start3A_956, %dma_start3A_957] : memref<32x32x8x4096xf32, #tpu.memory_space<hbm>> -> memref<1x1x8x4096xf32, #tpu.memory_space<hbm>>
    %dma_start3A_959 = tpu.memref_squeeze %dma_start3A_958 : memref<1x1x8x4096xf32, #tpu.memory_space<hbm>> -> memref<8x4096xf32, #tpu.memory_space<hbm>>
    %dma_start3A_960 = arith.constant 0 : i32
    %dma_start3A_961 = arith.constant 0 : i32
    %dma_start3A_962 = tpu.memref_slice %arg4[%dma_start3A_955, %add3A, %dma_start3A_960, %dma_start3A_961] : memref<32x32x8x4096xf32, #tpu.memory_space<hbm>> -> memref<1x1x8x4096xf32, #tpu.memory_space<hbm>>
    %dma_start3A_963 = tpu.memref_squeeze %dma_start3A_962 : memref<1x1x8x4096xf32, #tpu.memory_space<hbm>> -> memref<8x4096xf32, #tpu.memory_space<hbm>>
    tpu.enqueue_dma source(%arg8 : memref<8x4096xf32, #tpu.memory_space<vmem>>) target(%dma_start3A_963 : memref<8x4096xf32, #tpu.memory_space<hbm>>) target_semaphore(%arg14 : memref<!tpu.dma_semaphore, #tpu.memory_space<semaphore_mem>>)
    %dma_wait3A_964 = arith.constant 0 : i32
    %dma_wait3A_965 = arith.constant 0 : i32
    %dma_wait3A_966 = arith.constant 0 : i32
    %dma_wait3A_967 = tpu.memref_slice %arg4[%dma_wait3A_964, %add3A, %dma_wait3A_965, %dma_wait3A_966] : memref<32x32x8x4096xf32, #tpu.memory_space<hbm>> -> memref<1x1x8x4096xf32, #tpu.memory_space<hbm>>
    %dma_wait3A_968 = tpu.memref_squeeze %dma_wait3A_967 : memref<1x1x8x4096xf32, #tpu.memory_space<hbm>> -> memref<8x4096xf32, #tpu.memory_space<hbm>>
    %dma_wait3A_969 = arith.constant 0 : i32
    %dma_wait3A_970 = arith.constant 0 : i32
    %dma_wait3A_971 = tpu.memref_slice %arg4[%dma_wait3A_964, %add3A, %dma_wait3A_969, %dma_wait3A_970] : memref<32x32x8x4096xf32, #tpu.memory_space<hbm>> -> memref<1x1x8x4096xf32, #tpu.memory_space<hbm>>
    %dma_wait3A_972 = tpu.memref_squeeze %dma_wait3A_971 : memref<1x1x8x4096xf32, #tpu.memory_space<hbm>> -> memref<8x4096xf32, #tpu.memory_space<hbm>>
    tpu.wait_dma2 semaphore(%arg14 : memref<!tpu.dma_semaphore, #tpu.memory_space<semaphore_mem>>) src(%arg8 : memref<8x4096xf32, #tpu.memory_space<vmem>>) dst(%dma_wait3A_972 : memref<8x4096xf32, #tpu.memory_space<hbm>>)
    %dma_wait3A_973 = arith.constant 0 : i32
    %dma_wait3A_974 = arith.constant 0 : i32
    %dma_wait3A_975 = tpu.memref_slice %arg5[%dma_wait3A_973, %dma_wait3A_974] : memref<32x8xi32, #tpu.memory_space<vmem>> -> memref<1x8xi32, #tpu.memory_space<vmem>>
    %dma_wait3A_976 = tpu.memref_squeeze %dma_wait3A_975 : memref<1x8xi32, #tpu.memory_space<vmem>> -> memref<8xi32, #tpu.memory_space<vmem>>
    %dma_wait3A_977 = arith.constant 0 : i32
    %dma_wait3A_978 = arith.constant 0 : i32
    %dma_wait3A_979 = tpu.memref_slice %arg3[%dma_wait3A_977, %dma_wait3A_978] : memref<100000x4096xf32, #tpu.memory_space<hbm>> -> memref<100000x4096xf32, #tpu.memory_space<hbm>>
    tpu.wait_indirect_dma semaphore(%arg9 : memref<!tpu.dma_semaphore, #tpu.memory_space<semaphore_mem>>) src(%dma_wait3A_979 : memref<100000x4096xf32, #tpu.memory_space<hbm>>) dst(%arg6 : memref<8x4096xf32, #tpu.memory_space<vmem>>)
    %dma_start3A_980 = arith.constant 30 : i32
    %dma_start3A_981 = arith.constant 0 : i32
    %dma_start3A_982 = arith.constant 0 : i32
    %dma_start3A_983 = tpu.memref_slice %arg4[%dma_start3A_980, %add3A, %dma_start3A_981, %dma_start3A_982] : memref<32x32x8x4096xf32, #tpu.memory_space<hbm>> -> memref<1x1x8x4096xf32, #tpu.memory_space<hbm>>
    %dma_start3A_984 = tpu.memref_squeeze %dma_start3A_983 : memref<1x1x8x4096xf32, #tpu.memory_space<hbm>> -> memref<8x4096xf32, #tpu.memory_space<hbm>>
    %dma_start3A_985 = arith.constant 0 : i32
    %dma_start3A_986 = arith.constant 0 : i32
    %dma_start3A_987 = tpu.memref_slice %arg4[%dma_start3A_980, %add3A, %dma_start3A_985, %dma_start3A_986] : memref<32x32x8x4096xf32, #tpu.memory_space<hbm>> -> memref<1x1x8x4096xf32, #tpu.memory_space<hbm>>
    %dma_start3A_988 = tpu.memref_squeeze %dma_start3A_987 : memref<1x1x8x4096xf32, #tpu.memory_space<hbm>> -> memref<8x4096xf32, #tpu.memory_space<hbm>>
    tpu.enqueue_dma source(%arg6 : memref<8x4096xf32, #tpu.memory_space<vmem>>) target(%dma_start3A_988 : memref<8x4096xf32, #tpu.memory_space<hbm>>) target_semaphore(%arg12 : memref<!tpu.dma_semaphore, #tpu.memory_space<semaphore_mem>>)
    %dma_wait3A_989 = arith.constant 0 : i32
    %dma_wait3A_990 = arith.constant 0 : i32
    %dma_wait3A_991 = arith.constant 0 : i32
    %dma_wait3A_992 = tpu.memref_slice %arg4[%dma_wait3A_989, %add3A, %dma_wait3A_990, %dma_wait3A_991] : memref<32x32x8x4096xf32, #tpu.memory_space<hbm>> -> memref<1x1x8x4096xf32, #tpu.memory_space<hbm>>
    %dma_wait3A_993 = tpu.memref_squeeze %dma_wait3A_992 : memref<1x1x8x4096xf32, #tpu.memory_space<hbm>> -> memref<8x4096xf32, #tpu.memory_space<hbm>>
    %dma_wait3A_994 = arith.constant 0 : i32
    %dma_wait3A_995 = arith.constant 0 : i32
    %dma_wait3A_996 = tpu.memref_slice %arg4[%dma_wait3A_989, %add3A, %dma_wait3A_994, %dma_wait3A_995] : memref<32x32x8x4096xf32, #tpu.memory_space<hbm>> -> memref<1x1x8x4096xf32, #tpu.memory_space<hbm>>
    %dma_wait3A_997 = tpu.memref_squeeze %dma_wait3A_996 : memref<1x1x8x4096xf32, #tpu.memory_space<hbm>> -> memref<8x4096xf32, #tpu.memory_space<hbm>>
    tpu.wait_dma2 semaphore(%arg12 : memref<!tpu.dma_semaphore, #tpu.memory_space<semaphore_mem>>) src(%arg6 : memref<8x4096xf32, #tpu.memory_space<vmem>>) dst(%dma_wait3A_997 : memref<8x4096xf32, #tpu.memory_space<hbm>>)
    %dma_wait3A_998 = arith.constant 0 : i32
    %dma_wait3A_999 = arith.constant 0 : i32
    %dma_wait3A_1000 = tpu.memref_slice %arg5[%dma_wait3A_998, %dma_wait3A_999] : memref<32x8xi32, #tpu.memory_space<vmem>> -> memref<1x8xi32, #tpu.memory_space<vmem>>
    %dma_wait3A_1001 = tpu.memref_squeeze %dma_wait3A_1000 : memref<1x8xi32, #tpu.memory_space<vmem>> -> memref<8xi32, #tpu.memory_space<vmem>>
    %dma_wait3A_1002 = arith.constant 0 : i32
    %dma_wait3A_1003 = arith.constant 0 : i32
    %dma_wait3A_1004 = tpu.memref_slice %arg3[%dma_wait3A_1002, %dma_wait3A_1003] : memref<100000x4096xf32, #tpu.memory_space<hbm>> -> memref<100000x4096xf32, #tpu.memory_space<hbm>>
    tpu.wait_indirect_dma semaphore(%arg10 : memref<!tpu.dma_semaphore, #tpu.memory_space<semaphore_mem>>) src(%dma_wait3A_1004 : memref<100000x4096xf32, #tpu.memory_space<hbm>>) dst(%arg7 : memref<8x4096xf32, #tpu.memory_space<vmem>>)
    %dma_start3A_1005 = arith.constant 31 : i32
    %dma_start3A_1006 = arith.constant 0 : i32
    %dma_start3A_1007 = arith.constant 0 : i32
    %dma_start3A_1008 = tpu.memref_slice %arg4[%dma_start3A_1005, %add3A, %dma_start3A_1006, %dma_start3A_1007] : memref<32x32x8x4096xf32, #tpu.memory_space<hbm>> -> memref<1x1x8x4096xf32, #tpu.memory_space<hbm>>
    %dma_start3A_1009 = tpu.memref_squeeze %dma_start3A_1008 : memref<1x1x8x4096xf32, #tpu.memory_space<hbm>> -> memref<8x4096xf32, #tpu.memory_space<hbm>>
    %dma_start3A_1010 = arith.constant 0 : i32
    %dma_start3A_1011 = arith.constant 0 : i32
    %dma_start3A_1012 = tpu.memref_slice %arg4[%dma_start3A_1005, %add3A, %dma_start3A_1010, %dma_start3A_1011] : memref<32x32x8x4096xf32, #tpu.memory_space<hbm>> -> memref<1x1x8x4096xf32, #tpu.memory_space<hbm>>
    %dma_start3A_1013 = tpu.memref_squeeze %dma_start3A_1012 : memref<1x1x8x4096xf32, #tpu.memory_space<hbm>> -> memref<8x4096xf32, #tpu.memory_space<hbm>>
    tpu.enqueue_dma source(%arg7 : memref<8x4096xf32, #tpu.memory_space<vmem>>) target(%dma_start3A_1013 : memref<8x4096xf32, #tpu.memory_space<hbm>>) target_semaphore(%arg13 : memref<!tpu.dma_semaphore, #tpu.memory_space<semaphore_mem>>)
    %dma_wait3A_1014 = arith.constant 0 : i32
    %dma_wait3A_1015 = arith.constant 0 : i32
    %dma_wait3A_1016 = arith.constant 0 : i32
    %dma_wait3A_1017 = tpu.memref_slice %arg4[%dma_wait3A_1014, %add3A, %dma_wait3A_1015, %dma_wait3A_1016] : memref<32x32x8x4096xf32, #tpu.memory_space<hbm>> -> memref<1x1x8x4096xf32, #tpu.memory_space<hbm>>
    %dma_wait3A_1018 = tpu.memref_squeeze %dma_wait3A_1017 : memref<1x1x8x4096xf32, #tpu.memory_space<hbm>> -> memref<8x4096xf32, #tpu.memory_space<hbm>>
    %dma_wait3A_1019 = arith.constant 0 : i32
    %dma_wait3A_1020 = arith.constant 0 : i32
    %dma_wait3A_1021 = tpu.memref_slice %arg4[%dma_wait3A_1014, %add3A, %dma_wait3A_1019, %dma_wait3A_1020] : memref<32x32x8x4096xf32, #tpu.memory_space<hbm>> -> memref<1x1x8x4096xf32, #tpu.memory_space<hbm>>
    %dma_wait3A_1022 = tpu.memref_squeeze %dma_wait3A_1021 : memref<1x1x8x4096xf32, #tpu.memory_space<hbm>> -> memref<8x4096xf32, #tpu.memory_space<hbm>>
    tpu.wait_dma2 semaphore(%arg13 : memref<!tpu.dma_semaphore, #tpu.memory_space<semaphore_mem>>) src(%arg7 : memref<8x4096xf32, #tpu.memory_space<vmem>>) dst(%dma_wait3A_1022 : memref<8x4096xf32, #tpu.memory_space<hbm>>)
    return
  }
}

</mosaic_0001>

<sc_bundles>
// kernel: kernel.3.cloned.1.call-start
scs
__scs_entry_jumppad:
0x0: {  	(pc) =	sbr.rel $0x88, $3  }
0x1: {  	(tag) =	ssettag $0x0;
	lr =	simm.s32 $0x1  }
0x2: {  	[smem:$0x3F9F] =	sst lr;
	_ =	strace $0xD0000000  }
0x3: {  	_ = 	snop  }
0x4: {  	_ = 	snop  }
0x5: {  	_ = 	snop  }
0x6: {  	_ = 	snop  }
0x7: {  	_ = 	snop  }
__scs_overlays_trampoline_lowered:
0x8: {  	[smem:$0x3FAE] =	sst s0  }
0x9: {  	[smem:$0x3FAF] =	sst s1  }
0xa: {  	[smem:$0x3FB0] =	sst s2  }
0xb: {  	[smem:$0x3FB1] =	sst s3  }
0xc: {  	[smem:$0x3FB2] =	sst s4  }
0xd: {  	[smem:$0x3FB3] =	sst s5  }
0xe: {  	[smem:$0x3FB4] =	sst s6  }
0xf: {  	[smem:$0x3FB5] =	sst s7  }
0x10: {  	[smem:$0x3FB6] =	sst s8  }
0x11: {  	[smem:$0x3FB7] =	sst s9;
	s0 =	simm.s32 @!p0 $0x0  }
0x12: {  	s1 =	sld [smem:$0x3F9D];
	s0 =	simm.s32 @p0 $0x1  }
0x13: {  	[smem:$0x3FB8] =	sst s0;
	s0 =	simm.s32 @!p1 $0x0  }
0x14: {  	s2 =	sld [smem:$0x3F9C];
	s0 =	simm.s32 @p1 $0x1  }
0x15: {  	[smem:$0x3FB9] =	sst s0;
	s0 =	simm.s32 @!p2 $0x0  }
0x16: {  	s3 =	sld [smem:$0x3FDB];
	s0 =	simm.s32 @p2 $0x1  }
0x17: {  	s4 =	simm.s32 $0x1BF5;
	[smem:$0x3FBB] =	sst s0  }
0x18: {  	s0 =	sld [smem:$0x3F9E];
	_ =	swait.ge [sflag:s4], $0x0  }
0x19: {  	s7 =	sld [smem:$0x3F9F]  }
0x1a: {  	s8 =	sadd.s32 $0xFFFFE003, lr  }
0x1b: {  	s9 =	sadd.s32 $0xFFFFFEF7, lr;
	s5 =	simm.s32 $0xFFFFFFFF;
	p2 =	slt.u32 s8, $0xFFFFF086  }
0x1c: {  	p1 =	slt.u32 s9, $0xF7A;
	s5 =	simm.s32 @!p2 $0x0  }
0x1d: {  	s5 =	simm.s32 @p1 $0x1;
	p0 =	seq.s32 s7, s2  }
0x1e: {  	s7 =	smul.u32 @!p0 $0xF7A, s2;
	p2 =	seq.s32 @!p0 s5, $0x0  }
0x1f: {  	s9 =	smul.u32 $0xF7A, s1;
	s8 =	simm.s32 @!p0 $0x1BF5;
	p2 =	por !p2, p0  }
0x20: {  	[sflag:s8] =	ssyncset.s32 @!p0 $0xFFFFF086;
	s6 =	sadd.s32 @!p0 s3, s7;
	s7 =	simm.s32 @!p0 $0x108  }
0x21: {  	s3 =	sadd.s32 s3, s9;
	s6 =	sadd.s32 @!p0 $0x88, s6;
	s7 =	simm.s32 @p2 $0x1082  }
0x22: {  	[simem:s7], [sflag:s8] =	dma.local @!p0 [hbm:s6], $0xF7A  }
0x23: {  	s9 =	sor.u32 $0xD0000000, s2;
	s6 =	simm.s32 $0x108;
	_ =	swait.ge @!p0 [sflag:s8], $0x0  }
0x24: {  	s3 =	sadd.s32 $0x88, s3;
	s6 =	simm.s32 @!p1 $0x1082;
	[sflag:s4] =	ssyncset.s32 $0xFFFFF086  }
0x25: {  	[simem:s6], [sflag:s4] =	dma.local [hbm:s3], $0xF7A  }
0x26: {  	[smem:$0x3F9F] =	sst s1;
	(tag) =	ssettag s2;
	_ =	strace s9  }
0x27: {  	s1 =	sld [smem:$0x3FAF]  }
0x28: {  	s2 =	sld [smem:$0x3FB0]  }
0x29: {  	s4 =	sld [smem:$0x3FB2]  }
0x2a: {  	p0 =	seq.s32 s5, $0x0;
	s5 =	sld [smem:$0x3FB3]  }
0x2b: {  	s6 =	sld [smem:$0x3FB4]  }
0x2c: {  	s7 =	sld [smem:$0x3FB5]  }
0x2d: {  	s3 =	simm.s32 $0x108;
	s8 =	sld [smem:$0x3FB6]  }
0x2e: {  	s3 =	simm.s32 @!p0 $0x1082;
	s9 =	sld [smem:$0x3FB7]  }
0x2f: {  	lr =	sadd.s32 s0, s3;
	s0 =	sld [smem:$0x3FAE]  }
0x30: {  	s3 =	sld [smem:$0x3FB1]  }
0x31: {  	[smem:$0x3FBA] =	sst s10  }
0x32: {  	s10 =	sld [smem:$0x3FB8];
	_ =	sdelay $0x3  }
0x33: {  	p0 =	seq.s32 s10, $0x1;
	s10 =	sld [smem:$0x3FBA];
	_ =	sdelay $0x3  }
0x34: {  	[smem:$0x3FBA] =	sst s10  }
0x35: {  	s10 =	sld [smem:$0x3FB9];
	_ =	sdelay $0x3  }
0x36: {  	p1 =	seq.s32 s10, $0x1;
	s10 =	sld [smem:$0x3FBA];
	_ =	sdelay $0x3  }
0x37: {  	[smem:$0x3FBA] =	sst s10  }
0x38: {  	s10 =	sld [smem:$0x3FBB]  }
0x39: {  	_ = 	snop;
	(pc) =	sbr.ind lr, $3  }
0x3a: {  	_ = 	snop  }
0x3b: {  	_ = 	snop  }
0x3c: {  	p2 =	seq.s32 s10, $0x1;
	s10 =	sld [smem:$0x3FBA]  }
0x3d: {  	_ =	shalt  }
0x3e: {  	_ =	shalt  }
0x3f: {  	_ =	shalt  }
0x40: {  	_ =	shalt  }
0x41: {  	_ =	shalt  }
0x42: {  	_ =	shalt  }
0x43: {  	_ =	shalt  }
0x44: {  	_ =	shalt  }
0x45: {  	_ =	shalt  }
0x46: {  	_ =	shalt  }
0x47: {  	_ =	shalt  }
0x48: {  	_ =	shalt  }
0x49: {  	_ =	shalt  }
0x4a: {  	_ =	shalt  }
0x4b: {  	_ =	shalt  }
0x4c: {  	_ =	shalt  }
0x4d: {  	_ =	shalt  }
0x4e: {  	_ =	shalt  }
0x4f: {  	_ =	shalt  }
0x50: {  	_ =	shalt  }
0x51: {  	_ =	shalt  }
0x52: {  	_ =	shalt  }
0x53: {  	_ =	shalt  }
0x54: {  	_ =	shalt  }
0x55: {  	_ =	shalt  }
0x56: {  	_ =	shalt  }
0x57: {  	_ =	shalt  }
0x58: {  	_ =	shalt  }
0x59: {  	_ =	shalt  }
0x5a: {  	_ =	shalt  }
0x5b: {  	_ =	shalt  }
0x5c: {  	_ =	shalt  }
0x5d: {  	_ =	shalt  }
0x5e: {  	_ =	shalt  }
0x5f: {  	_ =	shalt  }
0x60: {  	_ =	shalt  }
0x61: {  	_ =	shalt  }
0x62: {  	_ =	shalt  }
0x63: {  	_ =	shalt  }
0x64: {  	_ =	shalt  }
0x65: {  	_ =	shalt  }
0x66: {  	_ =	shalt  }
0x67: {  	_ =	shalt  }
0x68: {  	_ =	shalt  }
0x69: {  	_ =	shalt  }
0x6a: {  	_ =	shalt  }
0x6b: {  	_ =	shalt  }
0x6c: {  	_ =	shalt  }
0x6d: {  	_ =	shalt  }
0x6e: {  	_ =	shalt  }
0x6f: {  	_ =	shalt  }
0x70: {  	_ =	shalt  }
0x71: {  	_ =	shalt  }
0x72: {  	_ =	shalt  }
0x73: {  	_ =	shalt  }
0x74: {  	_ =	shalt  }
0x75: {  	_ =	shalt  }
0x76: {  	_ =	shalt  }
0x77: {  	_ =	shalt  }
0x78: {  	_ =	shalt  }
0x79: {  	_ =	shalt  }
0x7a: {  	_ =	shalt  }
0x7b: {  	_ =	shalt  }
0x7c: {  	_ =	shalt  }
0x7d: {  	_ =	shalt  }
0x7e: {  	_ =	shalt  }
0x7f: {  	_ =	shalt  }
0x80: {  	_ =	shalt  }
0x81: {  	_ =	shalt  }
0x82: {  	_ =	shalt  }
0x83: {  	_ =	shalt  }
0x84: {  	_ =	shalt  }
0x85: {  	_ =	shalt  }
0x86: {  	_ =	shalt  }
0x87: {  	_ =	shalt  }
.Lfunc_end0:
.L_simem_size_0:
called_computation_lowered:
.L_overlay_start_0:
0x88: {  	s2 =	sld [smem:$0x3FD9]  }
0x89: {  	s3 =	sld [smem:$0x3FFE];
	_ =	sdelay $0x1  }
0x8a: {  	s1 =	srdreg.scid  }
0x8b: {  	s0 =	sand.u32 $0x1, s1  }
0x8c: {  	s17 =	sshll.u32 s0, $0xA;
	s2 =	sadd.s32 s3, s2  }
0x8d: {  	s2 =	sadd.s32 s2, s17  }
0x8e: {  	[smem:$0x3FC6] =	sst s2  }
0x8f: {  	_ = 	snop  }
0x90: {  	s2 =	sld [smem:$0x3FC8]  }
0x91: {  	s18 =	sld [smem:$0x3FD0];
	(tm) =	ssettm $0x1  }
0x92: {  	s4 =	sld [smem:$0x3FFB];
	_ =	sdelay $0x3  }
0x93: {  	_ =	strace s4  }
0x94: {  	s4 =	sld [smem:$0x3FFC];
	_ =	sdelay $0x3  }
0x95: {  	_ =	strace s4  }
0x96: {  	s4 =	sld [smem:$0x3FFD];
	_ =	sdelay $0x3  }
0x97: {  	_ =	strace s4  }
0x98: {  	_ =	strace $0x8FFFFFFF  }
0x99: {  	s19 =	sld [smem:$0x3FDB];
	_ =	sdelay $0x1  }
0x9a: {  	s5 =	simm.s32 $_scs_section_size  }
0x9b: {  	s6 =	simm.s32 $_size__tile_overlayer_lowered;
	s7 =	simm.s32 $_tile_overlayer_lowered  }
0x9c: {  	s22 =	simm.s32 $0x1BFF;
	s21 =	sshll.u32 s7, $0x1;
	s4 =	sadd.s32 s5, s19  }
0x9d: {  	s8 =	simm.s32 $0x0;
	s20 =	sshll.u32 s6, $0x1;
	s6 =	sadd.s32 s21, s4  }
0x9e: {  	[timem:s8], [sflag:s22] =	dma.local [hbm:s6], s20  }
0x9f: {  	_ =	swait.ge [sflag:s22], s20  }
0xa0: {  	s5 =	ssub.s32 $0x0, s20;
	[sflag:s22] =	ssyncset.done $0x0  }
0xa1: {  	[sflag:s22] =	ssyncadd.s32 s5;
	_ =	sdelay $0x1  }
0xa2: {  	s23 =	simm.s32 $0x1B8B  }
0xa3: {  	_ =	swait.ge [sflag:s23], $0x1  }
0xa4: {  	[sflag:s23] =	ssyncset.done $0x0  }
0xa5: {  	s25 =	simm.s32 $0x1B8E;
	s24 =	sld [smem:$0x3FFE];
	[sflag:s23] =	ssyncadd.s32 $0xFFFFFFFF  }
0xa6: {  	s26 =	simm.s32 $execute0_lowered;
	[smem:$0x3FD2] =	sst s25  }
0xa7: {  	s6 =	sshll.u32 s26, $0x1;
	_ =	strace $0x80000046;
	[dreg:$0x1] =	wrdreg $0xFFFFFFFF  }
0xa8: {  	s28 =	simm.s32 $_size_execute0_lowered;
	s4 =	sadd.s32 s4, s6;
	[dreg:$0x0] =	wrdreg $0x0  }
0xa9: {  	s6 =	sshll.u32 s28, $0x1;
	[dreg:$0x2] =	wrdreg s4  }
0xaa: {  	[dreg:$0x3] =	wrdreg s6  }
0xab: {  	[dreg:$0x4] =	wrdreg $0xC0  }
0xac: {  	_ =	task [dreg:s8], $0x5FFFF  }
0xad: {  	[dreg:$0x1] =	wrdreg $0xFFFFFFFF  }
0xae: {  	[dreg:$0x0] =	wrdreg $0x60  }
0xaf: {  	[dreg:$0x2] =	wrdreg s24  }
0xb0: {  	[dreg:$0x3] =	wrdreg s2  }
0xb1: {  	[dreg:$0x4] =	wrdreg s18  }
0xb2: {  	[dreg:$0x5] =	wrdreg $0x9  }
0xb3: {  	_ =	task.clear_ibuf [dreg:s8], $0x6FFFF;
	_ =	strace $0x90000046  }
0xb4: {  	s29 =	simm.s32 $0x9;
	_ =	strace $0x80000048  }
0xb5: {  	_ =	swait.ge [sflag:s29], $0x1  }
0xb6: {  	[sflag:s29] =	ssyncadd.s32 $0xFFFFFFFF  }
0xb7: {  	_ =	strace $0x90000048  }
0xb8: {  	_ =	sfence  }
0xb9: {  	s30 =	sld [smem:$0x0];
	_ =	sdelay $0x2  }
0xba: {  	s31 =	sshll.u32 s1, $0xD;
	s1 =	sshrl.u32 s1, $0x2  }
0xbb: {  	s3 =	sand.u32 $0x4000, s31;
	s1 =	sadd.s32 s1, s30  }
0xbc: {  	s0 =	sor.u32 s3, s0;
	s1 =	sshll.u32 s1, $0x11  }
0xbd: {  	s0 =	sor.u32 s1, s0  }
0xbe: {  	s0 =	sadd.s32 $0x8F2B, s0  }
0xbf: {  	[sflag:s0] =	ssyncadd.remote.s32 $0x1  }
0xc0: {  	_ =	sfence.sel $0xFFFF  }
0xc1: {  	[dreg:$0x0] =	wrdreg $0xFFFFFFFF;
	(pc) =	sbr.abs _section_cstart, $3  }
0xc2: {  	[dreg:$0x1] =	wrdreg $0xFFFFFFFF  }
0xc3: {  	_ =	task.clear_ibuf [dreg:s8], $0x2FFFF;
	_ =	strace $0x9FFFFFFF  }
0xc4: {  	(tm) =	ssettm $0x7FFFFFFF  }
0xc5: {  	_ =	shalt  }
tec
execute0_lowered:
.L_overlay_start_1:
0x0: {  	(tag) =	ssettag $0x1  }
0x1: {  	s0 =	rddreg [dreg:$0x0]  }
0x2: {  	s1 =	srdreg.scid;
	s3 =	stileid.u32  }
0x3: {  	s2 =	rddreg [dreg:$0x1];
	s1 =	sand.u32 $0x1, s1;
	s3 =	sshll.u32 s3, $0x1  }
0x4: {  	s4 =	rddreg [dreg:$0x2];
	s5 =	sor.u32 s1, s3  }
0x5: {  	s3 =	simm.s32 $0x0;
	s6 =	sshll.u32 s5, $0x9;
	s5 =	sshll.u32 s5, $0xC  }
0x6: {  	[smem:$0x7FF] =	sst s3;
	s0 =	sadd.s32 s6, s0;
	s20 =	sadd.s32 s4, s5  }
0x7: {  	_ =	strace $0x80000047;
	s0 =	sadd.s32 $0x400, s0;
	[smem:$0x7FC] =	sst s20  }
0x8: {  	s25 =	sadd.s32 $0x20000, s20;
	[dreg:$0x4] =	wrdreg s0  }
0x9: {  	s26 =	sadd.s32 $0x40000, s20;
	[dreg:$0x5] =	wrdreg s25  }
0xa: {  	s28 =	sadd.s32 $0x60000, s20;
	[dreg:$0x6] =	wrdreg s26  }
0xb: {  	s29 =	sadd.s32 $0x80000, s20;
	[dreg:$0x7] =	wrdreg s28  }
0xc: {  	s30 =	sadd.s32 $0xA0000, s20;
	[dreg:$0x8] =	wrdreg s29  }
0xd: {  	s31 =	sadd.s32 $0xC0000, s20;
	[dreg:$0x9] =	wrdreg s30  }
0xe: {  	s4 =	sadd.s32 $0xE0000, s20;
	[dreg:$0xa] =	wrdreg s31  }
0xf: {  	s5 =	sadd.s32 $0x100000, s20;
	[dreg:$0xb] =	wrdreg s4  }
0x10: {  	s6 =	sadd.s32 $0x120000, s20;
	[dreg:$0xc] =	wrdreg s5  }
0x11: {  	s7 =	sadd.s32 $0x140000, s20;
	[dreg:$0xd] =	wrdreg s6  }
0x12: {  	s8 =	sadd.s32 $0x160000, s20;
	[dreg:$0xe] =	wrdreg s7  }
0x13: {  	s9 =	sadd.s32 $0x180000, s20;
	[dreg:$0xf] =	wrdreg s8  }
0x14: {  	s10 =	sadd.s32 $0x1A0000, s20;
	[dreg:$0x10] =	wrdreg s9  }
0x15: {  	s1 =	ssub.s32 $0x2, s1;
	s11 =	sadd.s32 $0x1C0000, s20;
	[dreg:$0x11] =	wrdreg s10  }
0x16: {  	s12 =	sshrl.u32 s1, $0x1;
	s13 =	sadd.s32 $0x1E0000, s20;
	[dreg:$0x12] =	wrdreg s11  }
0x17: {  	s1 =	ssub.s32 s1, s12;
	s14 =	sadd.s32 $0x200000, s20;
	[dreg:$0x13] =	wrdreg s13  }
0x18: {  	s12 =	sadd.s32 $0x800, s2;
	s15 =	sadd.s32 $0x220000, s20;
	[dreg:$0x14] =	wrdreg s14  }
0x19: {  	s16 =	sadd.s32 $0x240000, s20;
	s17 =	sadd.s32 $0x260000, s20;
	[dreg:$0x15] =	wrdreg s15  }
0x1a: {  	s18 =	sadd.s32 $0x280000, s20;
	s19 =	sadd.s32 $0x2A0000, s20;
	[dreg:$0x16] =	wrdreg s16  }
0x1b: {  	s21 =	sadd.s32 $0x2C0000, s20;
	s22 =	sadd.s32 $0x2E0000, s20;
	[dreg:$0x17] =	wrdreg s17  }
0x1c: {  	s23 =	sadd.s32 $0x300000, s20;
	s24 =	sadd.s32 $0x320000, s20;
	[dreg:$0x18] =	wrdreg s18  }
0x1d: {  	s5 =	sadd.s32 $0x100, s2;
	s6 =	sadd.s32 $0x200, s2;
	[dreg:$0x19] =	wrdreg s19  }
0x1e: {  	s7 =	sadd.s32 $0x300, s2;
	s8 =	sadd.s32 $0x400, s2;
	[dreg:$0x1a] =	wrdreg s21  }
0x1f: {  	s9 =	sadd.s32 $0x500, s2;
	s10 =	sadd.s32 $0x600, s2;
	[dreg:$0x1b] =	wrdreg s22  }
0x20: {  	s11 =	sadd.s32 $0x700, s2;
	s13 =	sadd.s32 $0x900, s2;
	[dreg:$0x1c] =	wrdreg s23  }
0x21: {  	s14 =	sadd.s32 $0xA00, s2;
	[dreg:$0x1d] =	wrdreg s24;
	s25 =	sadd.s32 $0x340000, s20  }
0x22: {  	s15 =	sadd.s32 $0xB00, s2;
	s26 =	sadd.s32 $0x360000, s20;
	s16 =	sadd.s32 $0xC00, s2  }
0x23: {  	s28 =	sadd.s32 $0x380000, s20;
	s17 =	sadd.s32 $0xD00, s2;
	[dreg:$0x1e] =	wrdreg s25  }
0x24: {  	s29 =	sadd.s32 $0x3A0000, s20;
	s18 =	sadd.s32 $0xE00, s2;
	[dreg:$0x1f] =	wrdreg s26  }
0x25: {  	s30 =	sadd.s32 $0x3C0000, s20;
	s19 =	sadd.s32 $0xF00, s2;
	[smem:$0x7F9] =	sst s28  }
0x26: {  	v0 =	vlaneseq.u32;
	s31 =	sadd.s32 $0x3E0000, s20;
	s20 =	smax.u32 s1, $0x1;
	[smem:$0x7FA] =	sst s29  }
0x27: {  	v1 =	vshrl.u32 v0, $0x3;
	s21 =	simm.s32 $0x1;
	s4 =	simm.s32 $0x4;
	[smem:$0x7FB] =	sst s30  }
0x28: {  	vm0 =	vmmov $0xffff;
	v0 =	vand.u32 $0x7, v0;
	v1 =	vmul.u32 $0x8, v1;
	s23 =	simm.s32 $0x2;
	s24 =	simm.s32 $0x6;
	[smem:$0x7FD] =	sst s31  }
.LBB2_1:
0x29: {  	[smem:$0x7F8] =	sst s20  }
0x2a: {  	s28 =	rddreg [dreg:$0x4];
	s31 =	simm.s32 $0x7  }
0x2b: {  	[tilespmem:s3], [sflag:$0x7] =	stream.linear.gather [hbm4b:s28+s3], $0x1000, $0x38;
	[tilespmem:$0x19000] =	vst v63  }
0x2c: {  	_ =	swait.ge [sflag:s31], $0x1000  }
0x2d: {  	[sflag:s31] =	ssyncset.done $0x0  }
0x2e: {  	[sflag:s31] =	ssyncadd.s32 $0xFFFFF000  }
0x2f: {  	v2 =	vld.msk [tilespmem:$0x0], $0xff;
	_ =	sdelay $0x4  }
0x30: {  	v3 =	vshll.u32 v2, $0x5  }
0x31: {  	v2 =	vand.u32 $0x7, v2;
	v3 =	vand.u32 $0xFFFFFF00, v3  }
0x32: {  	v2 =	vor.u32 v2, v3  }
0x33: {  	v2 =	vperm.xlane v2, v0;
	_ =	sdelay $0x1  }
0x34: {  	v2 =	vadd.s32 v1, v2;
	_ =	sdelay $0x3  }
0x35: {  	s1 =	simm.s32 $0x1000;
	s29 =	rddreg [dreg:$0x1]  }
0x36: {  	[tilespmem:s1], [sflag:$0x1] =	stream.indirect_vreg.gather [hbm4b:s29+s3], $0x80, v2, vm0, $0xb8;
	[tilespmem:$0x19000] =	vst v63  }
0x37: {  	s0 =	simm.s32 $0x1800  }
0x38: {  	[tilespmem:s0], [sflag:$0x1] =	stream.indirect_vreg.gather [hbm4b:s5+s3], $0x80, v2, vm0, $0xb8;
	[tilespmem:$0x19000] =	vst v63  }
0x39: {  	s2 =	simm.s32 $0x2000  }
0x3a: {  	[tilespmem:s2], [sflag:$0x1] =	stream.indirect_vreg.gather [hbm4b:s6+s3], $0x80, v2, vm0, $0xb8;
	[tilespmem:$0x19000] =	vst v63  }
0x3b: {  	s20 =	simm.s32 $0x2800  }
0x3c: {  	[tilespmem:s20], [sflag:$0x1] =	stream.indirect_vreg.gather [hbm4b:s7+s3], $0x80, v2, vm0, $0xb8;
	[tilespmem:$0x19000] =	vst v63  }
0x3d: {  	s22 =	simm.s32 $0x3000  }
0x3e: {  	[tilespmem:s22], [sflag:$0x1] =	stream.indirect_vreg.gather [hbm4b:s8+s3], $0x80, v2, vm0, $0xb8;
	[tilespmem:$0x19000] =	vst v63  }
0x3f: {  	s25 =	simm.s32 $0x3800  }
0x40: {  	[tilespmem:s25], [sflag:$0x1] =	stream.indirect_vreg.gather [hbm4b:s9+s3], $0x80, v2, vm0, $0xb8;
	[tilespmem:$0x19000] =	vst v63  }
0x41: {  	s26 =	simm.s32 $0x4000  }
0x42: {  	[tilespmem:s26], [sflag:$0x1] =	stream.indirect_vreg.gather [hbm4b:s10+s3], $0x80, v2, vm0, $0xb8;
	[tilespmem:$0x19000] =	vst v63  }
0x43: {  	s28 =	simm.s32 $0x4800  }
0x44: {  	[tilespmem:s28], [sflag:$0x1] =	stream.indirect_vreg.gather [hbm4b:s11+s3], $0x80, v2, vm0, $0xb8;
	[tilespmem:$0x19000] =	vst v63  }
0x45: {  	s30 =	simm.s32 $0x5000  }
0x46: {  	[tilespmem:s30], [sflag:$0x1] =	stream.indirect_vreg.gather [hbm4b:s12+s3], $0x80, v2, vm0, $0xb8;
	[tilespmem:$0x19000] =	vst v63  }
0x47: {  	s31 =	simm.s32 $0x5800  }
0x48: {  	[tilespmem:s31], [sflag:$0x1] =	stream.indirect_vreg.gather [hbm4b:s13+s3], $0x80, v2, vm0, $0xb8;
	[tilespmem:$0x19000] =	vst v63  }
0x49: {  	s2 =	simm.s32 $0x6000  }
0x4a: {  	[tilespmem:s2], [sflag:$0x1] =	stream.indirect_vreg.gather [hbm4b:s14+s3], $0x80, v2, vm0, $0xb8;
	[tilespmem:$0x19000] =	vst v63  }
0x4b: {  	s22 =	simm.s32 $0x6800  }
0x4c: {  	[tilespmem:s22], [sflag:$0x1] =	stream.indirect_vreg.gather [hbm4b:s15+s3], $0x80, v2, vm0, $0xb8;
	[tilespmem:$0x19000] =	vst v63  }
0x4d: {  	s25 =	simm.s32 $0x7000  }
0x4e: {  	[tilespmem:s25], [sflag:$0x1] =	stream.indirect_vreg.gather [hbm4b:s16+s3], $0x80, v2, vm0, $0xb8;
	[tilespmem:$0x19000] =	vst v63  }
0x4f: {  	s26 =	simm.s32 $0x7800  }
0x50: {  	[tilespmem:s26], [sflag:$0x1] =	stream.indirect_vreg.gather [hbm4b:s17+s3], $0x80, v2, vm0, $0xb8;
	[tilespmem:$0x19000] =	vst v63  }
0x51: {  	s28 =	simm.s32 $0x8000  }
0x52: {  	[tilespmem:s28], [sflag:$0x1] =	stream.indirect_vreg.gather [hbm4b:s18+s3], $0x80, v2, vm0, $0xb8;
	[tilespmem:$0x19000] =	vst v63  }
0x53: {  	s30 =	simm.s32 $0x8800  }
0x54: {  	[tilespmem:s30], [sflag:$0x1] =	stream.indirect_vreg.gather [hbm4b:s19+s3], $0x80, v2, vm0, $0xb8;
	[tilespmem:$0x19000] =	vst v63  }
0x55: {  	v2 =	vld.msk [tilespmem:$0x80], $0xff;
	_ =	sdelay $0x4  }
0x56: {  	v3 =	vshll.u32 v2, $0x5  }
0x57: {  	v2 =	vand.u32 $0x7, v2;
	v3 =	vand.u32 $0xFFFFFF00, v3  }
0x58: {  	v2 =	vor.u32 v2, v3  }
0x59: {  	v2 =	vperm.xlane v2, v0;
	_ =	sdelay $0x1  }
0x5a: {  	v2 =	vadd.s32 v1, v2;
	_ =	sdelay $0x3  }
0x5b: {  	s31 =	simm.s32 $0x9000  }
0x5c: {  	[tilespmem:s31], [sflag:$0x2] =	stream.indirect_vreg.gather [hbm4b:s29+s3], $0x80, v2, vm0, $0xb8;
	[tilespmem:$0x19000] =	vst v63  }
0x5d: {  	s2 =	simm.s32 $0x9800  }
0x5e: {  	[tilespmem:s2], [sflag:$0x2] =	stream.indirect_vreg.gather [hbm4b:s5+s3], $0x80, v2, vm0, $0xb8;
	[tilespmem:$0x19000] =	vst v63  }
0x5f: {  	s22 =	simm.s32 $0xA000  }
0x60: {  	[tilespmem:s22], [sflag:$0x2] =	stream.indirect_vreg.gather [hbm4b:s6+s3], $0x80, v2, vm0, $0xb8;
	[tilespmem:$0x19000] =	vst v63  }
0x61: {  	s26 =	simm.s32 $0xA800  }
0x62: {  	[tilespmem:s26], [sflag:$0x2] =	stream.indirect_vreg.gather [hbm4b:s7+s3], $0x80, v2, vm0, $0xb8;
	[tilespmem:$0x19000] =	vst v63  }
0x63: {  	s30 =	simm.s32 $0xB000  }
0x64: {  	[tilespmem:s30], [sflag:$0x2] =	stream.indirect_vreg.gather [hbm4b:s8+s3], $0x80, v2, vm0, $0xb8;
	[tilespmem:$0x19000] =	vst v63  }
0x65: {  	s31 =	simm.s32 $0xB800  }
0x66: {  	[tilespmem:s31], [sflag:$0x2] =	stream.indirect_vreg.gather [hbm4b:s9+s3], $0x80, v2, vm0, $0xb8;
	[tilespmem:$0x19000] =	vst v63  }
0x67: {  	s1 =	simm.s32 $0xC000  }
0x68: {  	[tilespmem:s1], [sflag:$0x2] =	stream.indirect_vreg.gather [hbm4b:s10+s3], $0x80, v2, vm0, $0xb8;
	[tilespmem:$0x19000] =	vst v63  }
0x69: {  	s2 =	simm.s32 $0xC800  }
0x6a: {  	[tilespmem:s2], [sflag:$0x2] =	stream.indirect_vreg.gather [hbm4b:s11+s3], $0x80, v2, vm0, $0xb8;
	[tilespmem:$0x19000] =	vst v63  }
0x6b: {  	s22 =	simm.s32 $0xD000  }
0x6c: {  	[tilespmem:s22], [sflag:$0x2] =	stream.indirect_vreg.gather [hbm4b:s12+s3], $0x80, v2, vm0, $0xb8;
	[tilespmem:$0x19000] =	vst v63  }
0x6d: {  	s26 =	simm.s32 $0xD800  }
0x6e: {  	[tilespmem:s26], [sflag:$0x2] =	stream.indirect_vreg.gather [hbm4b:s13+s3], $0x80, v2, vm0, $0xb8;
	[tilespmem:$0x19000] =	vst v63  }
0x6f: {  	s30 =	simm.s32 $0xE000  }
0x70: {  	[tilespmem:s30], [sflag:$0x2] =	stream.indirect_vreg.gather [hbm4b:s14+s3], $0x80, v2, vm0, $0xb8;
	[tilespmem:$0x19000] =	vst v63  }
0x71: {  	s31 =	simm.s32 $0xE800  }
0x72: {  	[tilespmem:s31], [sflag:$0x2] =	stream.indirect_vreg.gather [hbm4b:s15+s3], $0x80, v2, vm0, $0xb8;
	[tilespmem:$0x19000] =	vst v63  }
0x73: {  	s1 =	simm.s32 $0xF000  }
0x74: {  	[tilespmem:s1], [sflag:$0x2] =	stream.indirect_vreg.gather [hbm4b:s16+s3], $0x80, v2, vm0, $0xb8;
	[tilespmem:$0x19000] =	vst v63  }
0x75: {  	s2 =	simm.s32 $0xF800  }
0x76: {  	[tilespmem:s2], [sflag:$0x2] =	stream.indirect_vreg.gather [hbm4b:s17+s3], $0x80, v2, vm0, $0xb8;
	[tilespmem:$0x19000] =	vst v63  }
0x77: {  	s22 =	simm.s32 $0x10000  }
0x78: {  	[tilespmem:s22], [sflag:$0x2] =	stream.indirect_vreg.gather [hbm4b:s18+s3], $0x80, v2, vm0, $0xb8;
	[tilespmem:$0x19000] =	vst v63  }
0x79: {  	s26 =	simm.s32 $0x10800  }
0x7a: {  	[tilespmem:s26], [sflag:$0x2] =	stream.indirect_vreg.gather [hbm4b:s19+s3], $0x80, v2, vm0, $0xb8;
	[tilespmem:$0x19000] =	vst v63  }
0x7b: {  	v2 =	vld.msk [tilespmem:$0x100], $0xff;
	_ =	sdelay $0x4  }
0x7c: {  	v3 =	vshll.u32 v2, $0x5  }
0x7d: {  	v2 =	vand.u32 $0x7, v2;
	v3 =	vand.u32 $0xFFFFFF00, v3  }
0x7e: {  	v2 =	vor.u32 v2, v3  }
0x7f: {  	v2 =	vperm.xlane v2, v0;
	_ =	sdelay $0x1  }
0x80: {  	v2 =	vadd.s32 v1, v2;
	_ =	sdelay $0x3  }
0x81: {  	s22 =	simm.s32 $0x11000  }
0x82: {  	[tilespmem:s22], [sflag:$0x3] =	stream.indirect_vreg.gather [hbm4b:s29+s3], $0x80, v2, vm0, $0xb8;
	[tilespmem:$0x19000] =	vst v63  }
0x83: {  	s30 =	simm.s32 $0x11800  }
0x84: {  	[tilespmem:s30], [sflag:$0x3] =	stream.indirect_vreg.gather [hbm4b:s5+s3], $0x80, v2, vm0, $0xb8;
	[tilespmem:$0x19000] =	vst v63  }
0x85: {  	s31 =	simm.s32 $0x12000  }
0x86: {  	[tilespmem:s31], [sflag:$0x3] =	stream.indirect_vreg.gather [hbm4b:s6+s3], $0x80, v2, vm0, $0xb8;
	[tilespmem:$0x19000] =	vst v63  }
0x87: {  	s2 =	simm.s32 $0x12800  }
0x88: {  	[tilespmem:s2], [sflag:$0x3] =	stream.indirect_vreg.gather [hbm4b:s7+s3], $0x80, v2, vm0, $0xb8;
	[tilespmem:$0x19000] =	vst v63  }
0x89: {  	s22 =	simm.s32 $0x13000  }
0x8a: {  	[tilespmem:s22], [sflag:$0x3] =	stream.indirect_vreg.gather [hbm4b:s8+s3], $0x80, v2, vm0, $0xb8;
	[tilespmem:$0x19000] =	vst v63  }
0x8b: {  	s26 =	simm.s32 $0x13800  }
0x8c: {  	[tilespmem:s26], [sflag:$0x3] =	stream.indirect_vreg.gather [hbm4b:s9+s3], $0x80, v2, vm0, $0xb8;
	[tilespmem:$0x19000] =	vst v63  }
0x8d: {  	s28 =	simm.s32 $0x14000  }
0x8e: {  	[tilespmem:s28], [sflag:$0x3] =	stream.indirect_vreg.gather [hbm4b:s10+s3], $0x80, v2, vm0, $0xb8;
	[tilespmem:$0x19000] =	vst v63  }
0x8f: {  	s30 =	simm.s32 $0x14800  }
0x90: {  	[tilespmem:s30], [sflag:$0x3] =	stream.indirect_vreg.gather [hbm4b:s11+s3], $0x80, v2, vm0, $0xb8;
	[tilespmem:$0x19000] =	vst v63  }
0x91: {  	s31 =	simm.s32 $0x15000  }
0x92: {  	[tilespmem:s31], [sflag:$0x3] =	stream.indirect_vreg.gather [hbm4b:s12+s3], $0x80, v2, vm0, $0xb8;
	[tilespmem:$0x19000] =	vst v63  }
0x93: {  	s2 =	simm.s32 $0x15800  }
0x94: {  	[tilespmem:s2], [sflag:$0x3] =	stream.indirect_vreg.gather [hbm4b:s13+s3], $0x80, v2, vm0, $0xb8;
	[tilespmem:$0x19000] =	vst v63  }
0x95: {  	s22 =	simm.s32 $0x16000  }
0x96: {  	[tilespmem:s22], [sflag:$0x3] =	stream.indirect_vreg.gather [hbm4b:s14+s3], $0x80, v2, vm0, $0xb8;
	[tilespmem:$0x19000] =	vst v63  }
0x97: {  	s26 =	simm.s32 $0x16800  }
0x98: {  	[tilespmem:s26], [sflag:$0x3] =	stream.indirect_vreg.gather [hbm4b:s15+s3], $0x80, v2, vm0, $0xb8;
	[tilespmem:$0x19000] =	vst v63  }
0x99: {  	s28 =	simm.s32 $0x17000  }
0x9a: {  	[tilespmem:s28], [sflag:$0x3] =	stream.indirect_vreg.gather [hbm4b:s16+s3], $0x80, v2, vm0, $0xb8;
	[tilespmem:$0x19000] =	vst v63  }
0x9b: {  	s30 =	simm.s32 $0x17800  }
0x9c: {  	[tilespmem:s30], [sflag:$0x3] =	stream.indirect_vreg.gather [hbm4b:s17+s3], $0x80, v2, vm0, $0xb8;
	[tilespmem:$0x19000] =	vst v63  }
0x9d: {  	s31 =	simm.s32 $0x18000  }
0x9e: {  	[tilespmem:s31], [sflag:$0x3] =	stream.indirect_vreg.gather [hbm4b:s18+s3], $0x80, v2, vm0, $0xb8;
	[tilespmem:$0x19000] =	vst v63  }
0x9f: {  	s2 =	simm.s32 $0x18800  }
0xa0: {  	[tilespmem:s2], [sflag:$0x3] =	stream.indirect_vreg.gather [hbm4b:s19+s3], $0x80, v2, vm0, $0xb8;
	[tilespmem:$0x19000] =	vst v63  }
0xa1: {  	_ =	swait.ge [sflag:s21], $0x8000  }
0xa2: {  	s22 =	sld [smem:$0x7FC]  }
0xa3: {  	[sflag:s21] =	ssyncset.done $0x0  }
0xa4: {  	s26 =	simm.s32 $0x1000;
	[sflag:s21] =	ssyncadd.s32 $0xFFFF8000  }
0xa5: {  	[hbm4b:s22+s3] =	stream.linear.scatter [tilespmem:s26], [sflag:$0x4], $0x8000, $0x38;
	[tilespmem:$0x19000] =	vst v63  }
0xa6: {  	_ =	swait.ge [sflag:s4], $0x8000  }
0xa7: {  	[sflag:s4] =	ssyncset.done $0x0  }
0xa8: {  	[sflag:s4] =	ssyncadd.s32 $0xFFFF8000  }
0xa9: {  	v2 =	vld.msk [tilespmem:$0x180], $0xff;
	_ =	sdelay $0x4  }
0xaa: {  	v3 =	vshll.u32 v2, $0x5  }
0xab: {  	v2 =	vand.u32 $0x7, v2;
	v3 =	vand.u32 $0xFFFFFF00, v3  }
0xac: {  	v2 =	vor.u32 v2, v3  }
0xad: {  	v2 =	vperm.xlane v2, v0;
	_ =	sdelay $0x1  }
0xae: {  	v2 =	vadd.s32 v1, v2;
	_ =	sdelay $0x4  }
0xaf: {  	[tilespmem:s26], [sflag:$0x1] =	stream.indirect_vreg.gather [hbm4b:s29+s3], $0x80, v2, vm0, $0xb8;
	[tilespmem:$0x19000] =	vst v63  }
0xb0: {  	s22 =	simm.s32 $0x1800  }
0xb1: {  	[tilespmem:s22], [sflag:$0x1] =	stream.indirect_vreg.gather [hbm4b:s5+s3], $0x80, v2, vm0, $0xb8;
	[tilespmem:$0x19000] =	vst v63  }
0xb2: {  	s30 =	simm.s32 $0x2000  }
0xb3: {  	[tilespmem:s30], [sflag:$0x1] =	stream.indirect_vreg.gather [hbm4b:s6+s3], $0x80, v2, vm0, $0xb8;
	[tilespmem:$0x19000] =	vst v63  }
0xb4: {  	s26 =	simm.s32 $0x2800  }
0xb5: {  	[tilespmem:s26], [sflag:$0x1] =	stream.indirect_vreg.gather [hbm4b:s7+s3], $0x80, v2, vm0, $0xb8;
	[tilespmem:$0x19000] =	vst v63  }
0xb6: {  	s31 =	simm.s32 $0x3000  }
0xb7: {  	[tilespmem:s31], [sflag:$0x1] =	stream.indirect_vreg.gather [hbm4b:s8+s3], $0x80, v2, vm0, $0xb8;
	[tilespmem:$0x19000] =	vst v63  }
0xb8: {  	s20 =	simm.s32 $0x3800  }
0xb9: {  	[tilespmem:s20], [sflag:$0x1] =	stream.indirect_vreg.gather [hbm4b:s9+s3], $0x80, v2, vm0, $0xb8;
	[tilespmem:$0x19000] =	vst v63  }
0xba: {  	s0 =	simm.s32 $0x4000  }
0xbb: {  	[tilespmem:s0], [sflag:$0x1] =	stream.indirect_vreg.gather [hbm4b:s10+s3], $0x80, v2, vm0, $0xb8;
	[tilespmem:$0x19000] =	vst v63  }
0xbc: {  	s1 =	simm.s32 $0x4800  }
0xbd: {  	[tilespmem:s1], [sflag:$0x1] =	stream.indirect_vreg.gather [hbm4b:s11+s3], $0x80, v2, vm0, $0xb8;
	[tilespmem:$0x19000] =	vst v63  }
0xbe: {  	s2 =	simm.s32 $0x5000  }
0xbf: {  	[tilespmem:s2], [sflag:$0x1] =	stream.indirect_vreg.gather [hbm4b:s12+s3], $0x80, v2, vm0, $0xb8;
	[tilespmem:$0x19000] =	vst v63  }
0xc0: {  	s28 =	simm.s32 $0x5800  }
0xc1: {  	[tilespmem:s28], [sflag:$0x1] =	stream.indirect_vreg.gather [hbm4b:s13+s3], $0x80, v2, vm0, $0xb8;
	[tilespmem:$0x19000] =	vst v63  }
0xc2: {  	s20 =	simm.s32 $0x6000  }
0xc3: {  	[tilespmem:s20], [sflag:$0x1] =	stream.indirect_vreg.gather [hbm4b:s14+s3], $0x80, v2, vm0, $0xb8;
	[tilespmem:$0x19000] =	vst v63  }
0xc4: {  	s28 =	simm.s32 $0x6800  }
0xc5: {  	[tilespmem:s28], [sflag:$0x1] =	stream.indirect_vreg.gather [hbm4b:s15+s3], $0x80, v2, vm0, $0xb8;
	[tilespmem:$0x19000] =	vst v63  }
0xc6: {  	s20 =	simm.s32 $0x7000  }
0xc7: {  	[tilespmem:s20], [sflag:$0x1] =	stream.indirect_vreg.gather [hbm4b:s16+s3], $0x80, v2, vm0, $0xb8;
	[tilespmem:$0x19000] =	vst v63  }
0xc8: {  	s28 =	simm.s32 $0x7800  }
0xc9: {  	[tilespmem:s28], [sflag:$0x1] =	stream.indirect_vreg.gather [hbm4b:s17+s3], $0x80, v2, vm0, $0xb8;
	[tilespmem:$0x19000] =	vst v63  }
0xca: {  	s20 =	simm.s32 $0x8000  }
0xcb: {  	[tilespmem:s20], [sflag:$0x1] =	stream.indirect_vreg.gather [hbm4b:s18+s3], $0x80, v2, vm0, $0xb8;
	[tilespmem:$0x19000] =	vst v63  }
0xcc: {  	s28 =	simm.s32 $0x8800  }
0xcd: {  	[tilespmem:s28], [sflag:$0x1] =	stream.indirect_vreg.gather [hbm4b:s19+s3], $0x80, v2, vm0, $0xb8;
	[tilespmem:$0x19000] =	vst v63  }
0xce: {  	_ =	swait.ge [sflag:s23], $0x8000  }
0xcf: {  	[sflag:s23] =	ssyncset.done $0x0  }
0xd0: {  	s20 =	simm.s32 $0x9000;
	s0 =	rddreg [dreg:$0x5];
	[sflag:s23] =	ssyncadd.s32 $0xFFFF8000  }
0xd1: {  	[hbm4b:s0+s3] =	stream.linear.scatter [tilespmem:s20], [sflag:$0x5], $0x8000, $0x38;
	[tilespmem:$0x19000] =	vst v63  }
0xd2: {  	s0 =	simm.s32 $0x5  }
0xd3: {  	_ =	swait.ge [sflag:s0], $0x8000  }
0xd4: {  	[sflag:s0] =	ssyncset.done $0x0  }
0xd5: {  	[sflag:s0] =	ssyncadd.s32 $0xFFFF8000  }
0xd6: {  	v2 =	vld.msk [tilespmem:$0x200], $0xff;
	_ =	sdelay $0x4  }
0xd7: {  	v3 =	vshll.u32 v2, $0x5  }
0xd8: {  	v2 =	vand.u32 $0x7, v2;
	v3 =	vand.u32 $0xFFFFFF00, v3  }
0xd9: {  	v2 =	vor.u32 v2, v3  }
0xda: {  	v2 =	vperm.xlane v2, v0;
	_ =	sdelay $0x1  }
0xdb: {  	v2 =	vadd.s32 v1, v2;
	_ =	sdelay $0x4  }
0xdc: {  	[tilespmem:s20], [sflag:$0x2] =	stream.indirect_vreg.gather [hbm4b:s29+s3], $0x80, v2, vm0, $0xb8;
	[tilespmem:$0x19000] =	vst v63  }
0xdd: {  	s25 =	simm.s32 $0x9800  }
0xde: {  	[tilespmem:s25], [sflag:$0x2] =	stream.indirect_vreg.gather [hbm4b:s5+s3], $0x80, v2, vm0, $0xb8;
	[tilespmem:$0x19000] =	vst v63  }
0xdf: {  	s28 =	simm.s32 $0xA000  }
0xe0: {  	[tilespmem:s28], [sflag:$0x2] =	stream.indirect_vreg.gather [hbm4b:s6+s3], $0x80, v2, vm0, $0xb8;
	[tilespmem:$0x19000] =	vst v63  }
0xe1: {  	s25 =	simm.s32 $0xA800  }
0xe2: {  	[tilespmem:s25], [sflag:$0x2] =	stream.indirect_vreg.gather [hbm4b:s7+s3], $0x80, v2, vm0, $0xb8;
	[tilespmem:$0x19000] =	vst v63  }
0xe3: {  	s28 =	simm.s32 $0xB000  }
0xe4: {  	[tilespmem:s28], [sflag:$0x2] =	stream.indirect_vreg.gather [hbm4b:s8+s3], $0x80, v2, vm0, $0xb8;
	[tilespmem:$0x19000] =	vst v63  }
0xe5: {  	s25 =	simm.s32 $0xB800  }
0xe6: {  	[tilespmem:s25], [sflag:$0x2] =	stream.indirect_vreg.gather [hbm4b:s9+s3], $0x80, v2, vm0, $0xb8;
	[tilespmem:$0x19000] =	vst v63  }
0xe7: {  	s28 =	simm.s32 $0xC000  }
0xe8: {  	[tilespmem:s28], [sflag:$0x2] =	stream.indirect_vreg.gather [hbm4b:s10+s3], $0x80, v2, vm0, $0xb8;
	[tilespmem:$0x19000] =	vst v63  }
0xe9: {  	s25 =	simm.s32 $0xC800  }
0xea: {  	[tilespmem:s25], [sflag:$0x2] =	stream.indirect_vreg.gather [hbm4b:s11+s3], $0x80, v2, vm0, $0xb8;
	[tilespmem:$0x19000] =	vst v63  }
0xeb: {  	s28 =	simm.s32 $0xD000  }
0xec: {  	[tilespmem:s28], [sflag:$0x2] =	stream.indirect_vreg.gather [hbm4b:s12+s3], $0x80, v2, vm0, $0xb8;
	[tilespmem:$0x19000] =	vst v63  }
0xed: {  	s25 =	simm.s32 $0xD800  }
0xee: {  	[tilespmem:s25], [sflag:$0x2] =	stream.indirect_vreg.gather [hbm4b:s13+s3], $0x80, v2, vm0, $0xb8;
	[tilespmem:$0x19000] =	vst v63  }
0xef: {  	s28 =	simm.s32 $0xE000  }
0xf0: {  	[tilespmem:s28], [sflag:$0x2] =	stream.indirect_vreg.gather [hbm4b:s14+s3], $0x80, v2, vm0, $0xb8;
	[tilespmem:$0x19000] =	vst v63  }
0xf1: {  	s25 =	simm.s32 $0xE800  }
0xf2: {  	[tilespmem:s25], [sflag:$0x2] =	stream.indirect_vreg.gather [hbm4b:s15+s3], $0x80, v2, vm0, $0xb8;
	[tilespmem:$0x19000] =	vst v63  }
0xf3: {  	s28 =	simm.s32 $0xF000  }
0xf4: {  	[tilespmem:s28], [sflag:$0x2] =	stream.indirect_vreg.gather [hbm4b:s16+s3], $0x80, v2, vm0, $0xb8;
	[tilespmem:$0x19000] =	vst v63  }
0xf5: {  	s25 =	simm.s32 $0xF800  }
0xf6: {  	[tilespmem:s25], [sflag:$0x2] =	stream.indirect_vreg.gather [hbm4b:s17+s3], $0x80, v2, vm0, $0xb8;
	[tilespmem:$0x19000] =	vst v63  }
0xf7: {  	s28 =	simm.s32 $0x10000  }
0xf8: {  	[tilespmem:s28], [sflag:$0x2] =	stream.indirect_vreg.gather [hbm4b:s18+s3], $0x80, v2, vm0, $0xb8;
	[tilespmem:$0x19000] =	vst v63  }
0xf9: {  	s25 =	simm.s32 $0x10800  }
0xfa: {  	[tilespmem:s25], [sflag:$0x2] =	stream.indirect_vreg.gather [hbm4b:s19+s3], $0x80, v2, vm0, $0xb8;
	[tilespmem:$0x19000] =	vst v63  }
0xfb: {  	s25 =	simm.s32 $0x3  }
0xfc: {  	_ =	swait.ge [sflag:s25], $0x8000  }
0xfd: {  	[sflag:s25] =	ssyncset.done $0x0  }
0xfe: {  	s20 =	simm.s32 $0x11000;
	s28 =	rddreg [dreg:$0x6];
	[sflag:s25] =	ssyncadd.s32 $0xFFFF8000  }
0xff: {  	[hbm4b:s28+s3] =	stream.linear.scatter [tilespmem:s20], [sflag:$0x6], $0x8000, $0x38;
	[tilespmem:$0x19000] =	vst v63  }
0x100: {  	_ =	swait.ge [sflag:s24], $0x8000  }
0x101: {  	[sflag:s24] =	ssyncset.done $0x0  }
0x102: {  	[sflag:s24] =	ssyncadd.s32 $0xFFFF8000  }
0x103: {  	v2 =	vld.msk [tilespmem:$0x280], $0xff;
	_ =	sdelay $0x4  }
0x104: {  	v3 =	vshll.u32 v2, $0x5  }
0x105: {  	v2 =	vand.u32 $0x7, v2;
	v3 =	vand.u32 $0xFFFFFF00, v3  }
0x106: {  	v2 =	vor.u32 v2, v3  }
0x107: {  	v2 =	vperm.xlane v2, v0;
	_ =	sdelay $0x1  }
0x108: {  	v2 =	vadd.s32 v1, v2;
	_ =	sdelay $0x4  }
0x109: {  	[tilespmem:s20], [sflag:$0x3] =	stream.indirect_vreg.gather [hbm4b:s29+s3], $0x80, v2, vm0, $0xb8;
	[tilespmem:$0x19000] =	vst v63  }
0x10a: {  	s28 =	simm.s32 $0x11800  }
0x10b: {  	[tilespmem:s28], [sflag:$0x3] =	stream.indirect_vreg.gather [hbm4b:s5+s3], $0x80, v2, vm0, $0xb8;
	[tilespmem:$0x19000] =	vst v63  }
0x10c: {  	s28 =	simm.s32 $0x12000  }
0x10d: {  	[tilespmem:s28], [sflag:$0x3] =	stream.indirect_vreg.gather [hbm4b:s6+s3], $0x80, v2, vm0, $0xb8;
	[tilespmem:$0x19000] =	vst v63  }
0x10e: {  	s28 =	simm.s32 $0x12800  }
0x10f: {  	[tilespmem:s28], [sflag:$0x3] =	stream.indirect_vreg.gather [hbm4b:s7+s3], $0x80, v2, vm0, $0xb8;
	[tilespmem:$0x19000] =	vst v63  }
0x110: {  	s28 =	simm.s32 $0x13000  }
0x111: {  	[tilespmem:s28], [sflag:$0x3] =	stream.indirect_vreg.gather [hbm4b:s8+s3], $0x80, v2, vm0, $0xb8;
	[tilespmem:$0x19000] =	vst v63  }
0x112: {  	s28 =	simm.s32 $0x13800  }
0x113: {  	[tilespmem:s28], [sflag:$0x3] =	stream.indirect_vreg.gather [hbm4b:s9+s3], $0x80, v2, vm0, $0xb8;
	[tilespmem:$0x19000] =	vst v63  }
0x114: {  	s28 =	simm.s32 $0x14000  }
0x115: {  	[tilespmem:s28], [sflag:$0x3] =	stream.indirect_vreg.gather [hbm4b:s10+s3], $0x80, v2, vm0, $0xb8;
	[tilespmem:$0x19000] =	vst v63  }
0x116: {  	s28 =	simm.s32 $0x14800  }
0x117: {  	[tilespmem:s28], [sflag:$0x3] =	stream.indirect_vreg.gather [hbm4b:s11+s3], $0x80, v2, vm0, $0xb8;
	[tilespmem:$0x19000] =	vst v63  }
0x118: {  	s28 =	simm.s32 $0x15000  }
0x119: {  	[tilespmem:s28], [sflag:$0x3] =	stream.indirect_vreg.gather [hbm4b:s12+s3], $0x80, v2, vm0, $0xb8;
	[tilespmem:$0x19000] =	vst v63  }
0x11a: {  	s28 =	simm.s32 $0x15800  }
0x11b: {  	[tilespmem:s28], [sflag:$0x3] =	stream.indirect_vreg.gather [hbm4b:s13+s3], $0x80, v2, vm0, $0xb8;
	[tilespmem:$0x19000] =	vst v63  }
0x11c: {  	s28 =	simm.s32 $0x16000  }
0x11d: {  	[tilespmem:s28], [sflag:$0x3] =	stream.indirect_vreg.gather [hbm4b:s14+s3], $0x80, v2, vm0, $0xb8;
	[tilespmem:$0x19000] =	vst v63  }
0x11e: {  	s28 =	simm.s32 $0x16800  }
0x11f: {  	[tilespmem:s28], [sflag:$0x3] =	stream.indirect_vreg.gather [hbm4b:s15+s3], $0x80, v2, vm0, $0xb8;
	[tilespmem:$0x19000] =	vst v63  }
0x120: {  	s28 =	simm.s32 $0x17000  }
0x121: {  	[tilespmem:s28], [sflag:$0x3] =	stream.indirect_vreg.gather [hbm4b:s16+s3], $0x80, v2, vm0, $0xb8;
	[tilespmem:$0x19000] =	vst v63  }
0x122: {  	s28 =	simm.s32 $0x17800  }
0x123: {  	[tilespmem:s28], [sflag:$0x3] =	stream.indirect_vreg.gather [hbm4b:s17+s3], $0x80, v2, vm0, $0xb8;
	[tilespmem:$0x19000] =	vst v63  }
0x124: {  	s28 =	simm.s32 $0x18000  }
0x125: {  	[tilespmem:s28], [sflag:$0x3] =	stream.indirect_vreg.gather [hbm4b:s18+s3], $0x80, v2, vm0, $0xb8;
	[tilespmem:$0x19000] =	vst v63  }
0x126: {  	s28 =	simm.s32 $0x18800  }
0x127: {  	[tilespmem:s28], [sflag:$0x3] =	stream.indirect_vreg.gather [hbm4b:s19+s3], $0x80, v2, vm0, $0xb8;
	[tilespmem:$0x19000] =	vst v63  }
0x128: {  	_ =	swait.ge [sflag:s21], $0x8000  }
0x129: {  	[sflag:s21] =	ssyncset.done $0x0  }
0x12a: {  	s20 =	simm.s32 $0x1000;
	s28 =	rddreg [dreg:$0x7];
	[sflag:s21] =	ssyncadd.s32 $0xFFFF8000  }
0x12b: {  	[hbm4b:s28+s3] =	stream.linear.scatter [tilespmem:s20], [sflag:$0x4], $0x8000, $0x38;
	[tilespmem:$0x19000] =	vst v63  }
0x12c: {  	_ =	swait.ge [sflag:s4], $0x8000  }
0x12d: {  	[sflag:s4] =	ssyncset.done $0x0  }
0x12e: {  	[sflag:s4] =	ssyncadd.s32 $0xFFFF8000  }
0x12f: {  	v2 =	vld.msk [tilespmem:$0x300], $0xff;
	_ =	sdelay $0x4  }
0x130: {  	v3 =	vshll.u32 v2, $0x5  }
0x131: {  	v2 =	vand.u32 $0x7, v2;
	v3 =	vand.u32 $0xFFFFFF00, v3  }
0x132: {  	v2 =	vor.u32 v2, v3  }
0x133: {  	v2 =	vperm.xlane v2, v0;
	_ =	sdelay $0x1  }
0x134: {  	v2 =	vadd.s32 v1, v2;
	_ =	sdelay $0x4  }
0x135: {  	[tilespmem:s20], [sflag:$0x1] =	stream.indirect_vreg.gather [hbm4b:s29+s3], $0x80, v2, vm0, $0xb8;
	[tilespmem:$0x19000] =	vst v63  }
0x136: {  	_ = 	snop  }
0x137: {  	[tilespmem:s22], [sflag:$0x1] =	stream.indirect_vreg.gather [hbm4b:s5+s3], $0x80, v2, vm0, $0xb8;
	[tilespmem:$0x19000] =	vst v63  }
0x138: {  	_ = 	snop  }
0x139: {  	[tilespmem:s30], [sflag:$0x1] =	stream.indirect_vreg.gather [hbm4b:s6+s3], $0x80, v2, vm0, $0xb8;
	[tilespmem:$0x19000] =	vst v63  }
0x13a: {  	_ = 	snop  }
0x13b: {  	[tilespmem:s26], [sflag:$0x1] =	stream.indirect_vreg.gather [hbm4b:s7+s3], $0x80, v2, vm0, $0xb8;
	[tilespmem:$0x19000] =	vst v63  }
0x13c: {  	_ = 	snop  }
0x13d: {  	[tilespmem:s31], [sflag:$0x1] =	stream.indirect_vreg.gather [hbm4b:s8+s3], $0x80, v2, vm0, $0xb8;
	[tilespmem:$0x19000] =	vst v63  }
0x13e: {  	s31 =	simm.s32 $0x3800  }
0x13f: {  	[tilespmem:s31], [sflag:$0x1] =	stream.indirect_vreg.gather [hbm4b:s9+s3], $0x80, v2, vm0, $0xb8;
	[tilespmem:$0x19000] =	vst v63  }
0x140: {  	s20 =	simm.s32 $0x4000  }
0x141: {  	[tilespmem:s20], [sflag:$0x1] =	stream.indirect_vreg.gather [hbm4b:s10+s3], $0x80, v2, vm0, $0xb8;
	[tilespmem:$0x19000] =	vst v63  }
0x142: {  	_ = 	snop  }
0x143: {  	[tilespmem:s1], [sflag:$0x1] =	stream.indirect_vreg.gather [hbm4b:s11+s3], $0x80, v2, vm0, $0xb8;
	[tilespmem:$0x19000] =	vst v63  }
0x144: {  	_ = 	snop  }
0x145: {  	[tilespmem:s2], [sflag:$0x1] =	stream.indirect_vreg.gather [hbm4b:s12+s3], $0x80, v2, vm0, $0xb8;
	[tilespmem:$0x19000] =	vst v63  }
0x146: {  	s28 =	simm.s32 $0x5800  }
0x147: {  	[tilespmem:s28], [sflag:$0x1] =	stream.indirect_vreg.gather [hbm4b:s13+s3], $0x80, v2, vm0, $0xb8;
	[tilespmem:$0x19000] =	vst v63  }
0x148: {  	s30 =	simm.s32 $0x6000  }
0x149: {  	[tilespmem:s30], [sflag:$0x1] =	stream.indirect_vreg.gather [hbm4b:s14+s3], $0x80, v2, vm0, $0xb8;
	[tilespmem:$0x19000] =	vst v63  }
0x14a: {  	s2 =	simm.s32 $0x6800  }
0x14b: {  	[tilespmem:s2], [sflag:$0x1] =	stream.indirect_vreg.gather [hbm4b:s15+s3], $0x80, v2, vm0, $0xb8;
	[tilespmem:$0x19000] =	vst v63  }
0x14c: {  	s22 =	simm.s32 $0x7000  }
0x14d: {  	[tilespmem:s22], [sflag:$0x1] =	stream.indirect_vreg.gather [hbm4b:s16+s3], $0x80, v2, vm0, $0xb8;
	[tilespmem:$0x19000] =	vst v63  }
0x14e: {  	s26 =	simm.s32 $0x7800  }
0x14f: {  	[tilespmem:s26], [sflag:$0x1] =	stream.indirect_vreg.gather [hbm4b:s17+s3], $0x80, v2, vm0, $0xb8;
	[tilespmem:$0x19000] =	vst v63  }
0x150: {  	s28 =	simm.s32 $0x8000  }
0x151: {  	[tilespmem:s28], [sflag:$0x1] =	stream.indirect_vreg.gather [hbm4b:s18+s3], $0x80, v2, vm0, $0xb8;
	[tilespmem:$0x19000] =	vst v63  }
0x152: {  	s30 =	simm.s32 $0x8800  }
0x153: {  	[tilespmem:s30], [sflag:$0x1] =	stream.indirect_vreg.gather [hbm4b:s19+s3], $0x80, v2, vm0, $0xb8;
	[tilespmem:$0x19000] =	vst v63  }
0x154: {  	_ =	swait.ge [sflag:s23], $0x8000  }
0x155: {  	[sflag:s23] =	ssyncset.done $0x0  }
0x156: {  	s22 =	simm.s32 $0x9000;
	s2 =	rddreg [dreg:$0x8];
	[sflag:s23] =	ssyncadd.s32 $0xFFFF8000  }
0x157: {  	[hbm4b:s2+s3] =	stream.linear.scatter [tilespmem:s22], [sflag:$0x5], $0x8000, $0x38;
	[tilespmem:$0x19000] =	vst v63  }
0x158: {  	_ =	swait.ge [sflag:s0], $0x8000  }
0x159: {  	[sflag:s0] =	ssyncset.done $0x0  }
0x15a: {  	[sflag:s0] =	ssyncadd.s32 $0xFFFF8000  }
0x15b: {  	v2 =	vld.msk [tilespmem:$0x380], $0xff;
	_ =	sdelay $0x4  }
0x15c: {  	v3 =	vshll.u32 v2, $0x5  }
0x15d: {  	v2 =	vand.u32 $0x7, v2;
	v3 =	vand.u32 $0xFFFFFF00, v3  }
0x15e: {  	v2 =	vor.u32 v2, v3  }
0x15f: {  	v2 =	vperm.xlane v2, v0;
	_ =	sdelay $0x1  }
0x160: {  	v2 =	vadd.s32 v1, v2;
	_ =	sdelay $0x4  }
0x161: {  	[tilespmem:s22], [sflag:$0x2] =	stream.indirect_vreg.gather [hbm4b:s29+s3], $0x80, v2, vm0, $0xb8;
	[tilespmem:$0x19000] =	vst v63  }
0x162: {  	s22 =	simm.s32 $0x9800  }
0x163: {  	[tilespmem:s22], [sflag:$0x2] =	stream.indirect_vreg.gather [hbm4b:s5+s3], $0x80, v2, vm0, $0xb8;
	[tilespmem:$0x19000] =	vst v63  }
0x164: {  	s26 =	simm.s32 $0xA000  }
0x165: {  	[tilespmem:s26], [sflag:$0x2] =	stream.indirect_vreg.gather [hbm4b:s6+s3], $0x80, v2, vm0, $0xb8;
	[tilespmem:$0x19000] =	vst v63  }
0x166: {  	s26 =	simm.s32 $0xA800  }
0x167: {  	[tilespmem:s26], [sflag:$0x2] =	stream.indirect_vreg.gather [hbm4b:s7+s3], $0x80, v2, vm0, $0xb8;
	[tilespmem:$0x19000] =	vst v63  }
0x168: {  	s30 =	simm.s32 $0xB000  }
0x169: {  	[tilespmem:s30], [sflag:$0x2] =	stream.indirect_vreg.gather [hbm4b:s8+s3], $0x80, v2, vm0, $0xb8;
	[tilespmem:$0x19000] =	vst v63  }
0x16a: {  	s1 =	simm.s32 $0xB800  }
0x16b: {  	[tilespmem:s1], [sflag:$0x2] =	stream.indirect_vreg.gather [hbm4b:s9+s3], $0x80, v2, vm0, $0xb8;
	[tilespmem:$0x19000] =	vst v63  }
0x16c: {  	s28 =	simm.s32 $0xC000  }
0x16d: {  	[tilespmem:s28], [sflag:$0x2] =	stream.indirect_vreg.gather [hbm4b:s10+s3], $0x80, v2, vm0, $0xb8;
	[tilespmem:$0x19000] =	vst v63  }
0x16e: {  	s28 =	simm.s32 $0xC800  }
0x16f: {  	[tilespmem:s28], [sflag:$0x2] =	stream.indirect_vreg.gather [hbm4b:s11+s3], $0x80, v2, vm0, $0xb8;
	[tilespmem:$0x19000] =	vst v63  }
0x170: {  	s28 =	simm.s32 $0xD000  }
0x171: {  	[tilespmem:s28], [sflag:$0x2] =	stream.indirect_vreg.gather [hbm4b:s12+s3], $0x80, v2, vm0, $0xb8;
	[tilespmem:$0x19000] =	vst v63  }
0x172: {  	s28 =	simm.s32 $0xD800  }
0x173: {  	[tilespmem:s28], [sflag:$0x2] =	stream.indirect_vreg.gather [hbm4b:s13+s3], $0x80, v2, vm0, $0xb8;
	[tilespmem:$0x19000] =	vst v63  }
0x174: {  	s28 =	simm.s32 $0xE000  }
0x175: {  	[tilespmem:s28], [sflag:$0x2] =	stream.indirect_vreg.gather [hbm4b:s14+s3], $0x80, v2, vm0, $0xb8;
	[tilespmem:$0x19000] =	vst v63  }
0x176: {  	s28 =	simm.s32 $0xE800  }
0x177: {  	[tilespmem:s28], [sflag:$0x2] =	stream.indirect_vreg.gather [hbm4b:s15+s3], $0x80, v2, vm0, $0xb8;
	[tilespmem:$0x19000] =	vst v63  }
0x178: {  	s28 =	simm.s32 $0xF000  }
0x179: {  	[tilespmem:s28], [sflag:$0x2] =	stream.indirect_vreg.gather [hbm4b:s16+s3], $0x80, v2, vm0, $0xb8;
	[tilespmem:$0x19000] =	vst v63  }
0x17a: {  	s28 =	simm.s32 $0xF800  }
0x17b: {  	[tilespmem:s28], [sflag:$0x2] =	stream.indirect_vreg.gather [hbm4b:s17+s3], $0x80, v2, vm0, $0xb8;
	[tilespmem:$0x19000] =	vst v63  }
0x17c: {  	s28 =	simm.s32 $0x10000  }
0x17d: {  	[tilespmem:s28], [sflag:$0x2] =	stream.indirect_vreg.gather [hbm4b:s18+s3], $0x80, v2, vm0, $0xb8;
	[tilespmem:$0x19000] =	vst v63  }
0x17e: {  	s28 =	simm.s32 $0x10800  }
0x17f: {  	[tilespmem:s28], [sflag:$0x2] =	stream.indirect_vreg.gather [hbm4b:s19+s3], $0x80, v2, vm0, $0xb8;
	[tilespmem:$0x19000] =	vst v63  }
0x180: {  	_ =	swait.ge [sflag:s25], $0x8000  }
0x181: {  	[sflag:s25] =	ssyncset.done $0x0  }
0x182: {  	s2 =	simm.s32 $0x11000;
	s28 =	rddreg [dreg:$0x9];
	[sflag:s25] =	ssyncadd.s32 $0xFFFF8000  }
0x183: {  	[hbm4b:s28+s3] =	stream.linear.scatter [tilespmem:s2], [sflag:$0x6], $0x8000, $0x38;
	[tilespmem:$0x19000] =	vst v63  }
0x184: {  	_ =	swait.ge [sflag:s24], $0x8000  }
0x185: {  	[sflag:s24] =	ssyncset.done $0x0  }
0x186: {  	[sflag:s24] =	ssyncadd.s32 $0xFFFF8000  }
0x187: {  	v2 =	vld.msk [tilespmem:$0x400], $0xff;
	_ =	sdelay $0x4  }
0x188: {  	v3 =	vshll.u32 v2, $0x5  }
0x189: {  	v2 =	vand.u32 $0x7, v2;
	v3 =	vand.u32 $0xFFFFFF00, v3  }
0x18a: {  	v2 =	vor.u32 v2, v3  }
0x18b: {  	v2 =	vperm.xlane v2, v0;
	_ =	sdelay $0x1  }
0x18c: {  	v2 =	vadd.s32 v1, v2;
	_ =	sdelay $0x4  }
0x18d: {  	[tilespmem:s2], [sflag:$0x3] =	stream.indirect_vreg.gather [hbm4b:s29+s3], $0x80, v2, vm0, $0xb8;
	[tilespmem:$0x19000] =	vst v63  }
0x18e: {  	s28 =	simm.s32 $0x11800  }
0x18f: {  	[tilespmem:s28], [sflag:$0x3] =	stream.indirect_vreg.gather [hbm4b:s5+s3], $0x80, v2, vm0, $0xb8;
	[tilespmem:$0x19000] =	vst v63  }
0x190: {  	s28 =	simm.s32 $0x12000  }
0x191: {  	[tilespmem:s28], [sflag:$0x3] =	stream.indirect_vreg.gather [hbm4b:s6+s3], $0x80, v2, vm0, $0xb8;
	[tilespmem:$0x19000] =	vst v63  }
0x192: {  	s28 =	simm.s32 $0x12800  }
0x193: {  	[tilespmem:s28], [sflag:$0x3] =	stream.indirect_vreg.gather [hbm4b:s7+s3], $0x80, v2, vm0, $0xb8;
	[tilespmem:$0x19000] =	vst v63  }
0x194: {  	s28 =	simm.s32 $0x13000  }
0x195: {  	[tilespmem:s28], [sflag:$0x3] =	stream.indirect_vreg.gather [hbm4b:s8+s3], $0x80, v2, vm0, $0xb8;
	[tilespmem:$0x19000] =	vst v63  }
0x196: {  	s28 =	simm.s32 $0x13800  }
0x197: {  	[tilespmem:s28], [sflag:$0x3] =	stream.indirect_vreg.gather [hbm4b:s9+s3], $0x80, v2, vm0, $0xb8;
	[tilespmem:$0x19000] =	vst v63  }
0x198: {  	s28 =	simm.s32 $0x14000  }
0x199: {  	[tilespmem:s28], [sflag:$0x3] =	stream.indirect_vreg.gather [hbm4b:s10+s3], $0x80, v2, vm0, $0xb8;
	[tilespmem:$0x19000] =	vst v63  }
0x19a: {  	s28 =	simm.s32 $0x14800  }
0x19b: {  	[tilespmem:s28], [sflag:$0x3] =	stream.indirect_vreg.gather [hbm4b:s11+s3], $0x80, v2, vm0, $0xb8;
	[tilespmem:$0x19000] =	vst v63  }
0x19c: {  	s28 =	simm.s32 $0x15000  }
0x19d: {  	[tilespmem:s28], [sflag:$0x3] =	stream.indirect_vreg.gather [hbm4b:s12+s3], $0x80, v2, vm0, $0xb8;
	[tilespmem:$0x19000] =	vst v63  }
0x19e: {  	s28 =	simm.s32 $0x15800  }
0x19f: {  	[tilespmem:s28], [sflag:$0x3] =	stream.indirect_vreg.gather [hbm4b:s13+s3], $0x80, v2, vm0, $0xb8;
	[tilespmem:$0x19000] =	vst v63  }
0x1a0: {  	s28 =	simm.s32 $0x16000  }
0x1a1: {  	[tilespmem:s28], [sflag:$0x3] =	stream.indirect_vreg.gather [hbm4b:s14+s3], $0x80, v2, vm0, $0xb8;
	[tilespmem:$0x19000] =	vst v63  }
0x1a2: {  	s28 =	simm.s32 $0x16800  }
0x1a3: {  	[tilespmem:s28], [sflag:$0x3] =	stream.indirect_vreg.gather [hbm4b:s15+s3], $0x80, v2, vm0, $0xb8;
	[tilespmem:$0x19000] =	vst v63  }
0x1a4: {  	s28 =	simm.s32 $0x17000  }
0x1a5: {  	[tilespmem:s28], [sflag:$0x3] =	stream.indirect_vreg.gather [hbm4b:s16+s3], $0x80, v2, vm0, $0xb8;
	[tilespmem:$0x19000] =	vst v63  }
0x1a6: {  	s28 =	simm.s32 $0x17800  }
0x1a7: {  	[tilespmem:s28], [sflag:$0x3] =	stream.indirect_vreg.gather [hbm4b:s17+s3], $0x80, v2, vm0, $0xb8;
	[tilespmem:$0x19000] =	vst v63  }
0x1a8: {  	s28 =	simm.s32 $0x18000  }
0x1a9: {  	[tilespmem:s28], [sflag:$0x3] =	stream.indirect_vreg.gather [hbm4b:s18+s3], $0x80, v2, vm0, $0xb8;
	[tilespmem:$0x19000] =	vst v63  }
0x1aa: {  	s28 =	simm.s32 $0x18800  }
0x1ab: {  	[tilespmem:s28], [sflag:$0x3] =	stream.indirect_vreg.gather [hbm4b:s19+s3], $0x80, v2, vm0, $0xb8;
	[tilespmem:$0x19000] =	vst v63  }
0x1ac: {  	_ =	swait.ge [sflag:s21], $0x8000  }
0x1ad: {  	[sflag:s21] =	ssyncset.done $0x0  }
0x1ae: {  	s2 =	simm.s32 $0x1000;
	s28 =	rddreg [dreg:$0xa];
	[sflag:s21] =	ssyncadd.s32 $0xFFFF8000  }
0x1af: {  	[hbm4b:s28+s3] =	stream.linear.scatter [tilespmem:s2], [sflag:$0x4], $0x8000, $0x38;
	[tilespmem:$0x19000] =	vst v63  }
0x1b0: {  	_ =	swait.ge [sflag:s4], $0x8000  }
0x1b1: {  	[sflag:s4] =	ssyncset.done $0x0  }
0x1b2: {  	[sflag:s4] =	ssyncadd.s32 $0xFFFF8000  }
0x1b3: {  	v2 =	vld.msk [tilespmem:$0x480], $0xff;
	_ =	sdelay $0x4  }
0x1b4: {  	v3 =	vshll.u32 v2, $0x5  }
0x1b5: {  	v2 =	vand.u32 $0x7, v2;
	v3 =	vand.u32 $0xFFFFFF00, v3  }
0x1b6: {  	v2 =	vor.u32 v2, v3  }
0x1b7: {  	v2 =	vperm.xlane v2, v0;
	_ =	sdelay $0x1  }
0x1b8: {  	v2 =	vadd.s32 v1, v2;
	_ =	sdelay $0x4  }
0x1b9: {  	[tilespmem:s2], [sflag:$0x1] =	stream.indirect_vreg.gather [hbm4b:s29+s3], $0x80, v2, vm0, $0xb8;
	[tilespmem:$0x19000] =	vst v63  }
0x1ba: {  	s28 =	simm.s32 $0x1800  }
0x1bb: {  	[tilespmem:s28], [sflag:$0x1] =	stream.indirect_vreg.gather [hbm4b:s5+s3], $0x80, v2, vm0, $0xb8;
	[tilespmem:$0x19000] =	vst v63  }
0x1bc: {  	s28 =	simm.s32 $0x2000  }
0x1bd: {  	[tilespmem:s28], [sflag:$0x1] =	stream.indirect_vreg.gather [hbm4b:s6+s3], $0x80, v2, vm0, $0xb8;
	[tilespmem:$0x19000] =	vst v63  }
0x1be: {  	s28 =	simm.s32 $0x2800  }
0x1bf: {  	[tilespmem:s28], [sflag:$0x1] =	stream.indirect_vreg.gather [hbm4b:s7+s3], $0x80, v2, vm0, $0xb8;
	[tilespmem:$0x19000] =	vst v63  }
0x1c0: {  	s28 =	simm.s32 $0x3000  }
0x1c1: {  	[tilespmem:s28], [sflag:$0x1] =	stream.indirect_vreg.gather [hbm4b:s8+s3], $0x80, v2, vm0, $0xb8;
	[tilespmem:$0x19000] =	vst v63  }
0x1c2: {  	_ = 	snop  }
0x1c3: {  	[tilespmem:s31], [sflag:$0x1] =	stream.indirect_vreg.gather [hbm4b:s9+s3], $0x80, v2, vm0, $0xb8;
	[tilespmem:$0x19000] =	vst v63  }
0x1c4: {  	_ = 	snop  }
0x1c5: {  	[tilespmem:s20], [sflag:$0x1] =	stream.indirect_vreg.gather [hbm4b:s10+s3], $0x80, v2, vm0, $0xb8;
	[tilespmem:$0x19000] =	vst v63  }
0x1c6: {  	s20 =	simm.s32 $0x4800  }
0x1c7: {  	[tilespmem:s20], [sflag:$0x1] =	stream.indirect_vreg.gather [hbm4b:s11+s3], $0x80, v2, vm0, $0xb8;
	[tilespmem:$0x19000] =	vst v63  }
0x1c8: {  	s28 =	simm.s32 $0x5000  }
0x1c9: {  	[tilespmem:s28], [sflag:$0x1] =	stream.indirect_vreg.gather [hbm4b:s12+s3], $0x80, v2, vm0, $0xb8;
	[tilespmem:$0x19000] =	vst v63  }
0x1ca: {  	s31 =	simm.s32 $0x5800  }
0x1cb: {  	[tilespmem:s31], [sflag:$0x1] =	stream.indirect_vreg.gather [hbm4b:s13+s3], $0x80, v2, vm0, $0xb8;
	[tilespmem:$0x19000] =	vst v63  }
0x1cc: {  	s20 =	simm.s32 $0x6000  }
0x1cd: {  	[tilespmem:s20], [sflag:$0x1] =	stream.indirect_vreg.gather [hbm4b:s14+s3], $0x80, v2, vm0, $0xb8;
	[tilespmem:$0x19000] =	vst v63  }
0x1ce: {  	s28 =	simm.s32 $0x6800  }
0x1cf: {  	[tilespmem:s28], [sflag:$0x1] =	stream.indirect_vreg.gather [hbm4b:s15+s3], $0x80, v2, vm0, $0xb8;
	[tilespmem:$0x19000] =	vst v63  }
0x1d0: {  	s31 =	simm.s32 $0x7000  }
0x1d1: {  	[tilespmem:s31], [sflag:$0x1] =	stream.indirect_vreg.gather [hbm4b:s16+s3], $0x80, v2, vm0, $0xb8;
	[tilespmem:$0x19000] =	vst v63  }
0x1d2: {  	s20 =	simm.s32 $0x7800  }
0x1d3: {  	[tilespmem:s20], [sflag:$0x1] =	stream.indirect_vreg.gather [hbm4b:s17+s3], $0x80, v2, vm0, $0xb8;
	[tilespmem:$0x19000] =	vst v63  }
0x1d4: {  	s28 =	simm.s32 $0x8000  }
0x1d5: {  	[tilespmem:s28], [sflag:$0x1] =	stream.indirect_vreg.gather [hbm4b:s18+s3], $0x80, v2, vm0, $0xb8;
	[tilespmem:$0x19000] =	vst v63  }
0x1d6: {  	s31 =	simm.s32 $0x8800  }
0x1d7: {  	[tilespmem:s31], [sflag:$0x1] =	stream.indirect_vreg.gather [hbm4b:s19+s3], $0x80, v2, vm0, $0xb8;
	[tilespmem:$0x19000] =	vst v63  }
0x1d8: {  	_ =	swait.ge [sflag:s23], $0x8000  }
0x1d9: {  	[sflag:s23] =	ssyncset.done $0x0  }
0x1da: {  	s31 =	simm.s32 $0x9000;
	s20 =	rddreg [dreg:$0xb];
	[sflag:s23] =	ssyncadd.s32 $0xFFFF8000  }
0x1db: {  	[hbm4b:s20+s3] =	stream.linear.scatter [tilespmem:s31], [sflag:$0x5], $0x8000, $0x38;
	[tilespmem:$0x19000] =	vst v63  }
0x1dc: {  	_ =	swait.ge [sflag:s0], $0x8000  }
0x1dd: {  	[sflag:s0] =	ssyncset.done $0x0  }
0x1de: {  	[sflag:s0] =	ssyncadd.s32 $0xFFFF8000  }
0x1df: {  	v2 =	vld.msk [tilespmem:$0x500], $0xff;
	_ =	sdelay $0x4  }
0x1e0: {  	v3 =	vshll.u32 v2, $0x5  }
0x1e1: {  	v2 =	vand.u32 $0x7, v2;
	v3 =	vand.u32 $0xFFFFFF00, v3  }
0x1e2: {  	v2 =	vor.u32 v2, v3  }
0x1e3: {  	v2 =	vperm.xlane v2, v0;
	_ =	sdelay $0x1  }
0x1e4: {  	v2 =	vadd.s32 v1, v2;
	_ =	sdelay $0x4  }
0x1e5: {  	[tilespmem:s31], [sflag:$0x2] =	stream.indirect_vreg.gather [hbm4b:s29+s3], $0x80, v2, vm0, $0xb8;
	[tilespmem:$0x19000] =	vst v63  }
0x1e6: {  	_ = 	snop  }
0x1e7: {  	[tilespmem:s22], [sflag:$0x2] =	stream.indirect_vreg.gather [hbm4b:s5+s3], $0x80, v2, vm0, $0xb8;
	[tilespmem:$0x19000] =	vst v63  }
0x1e8: {  	s20 =	simm.s32 $0xA000  }
0x1e9: {  	[tilespmem:s20], [sflag:$0x2] =	stream.indirect_vreg.gather [hbm4b:s6+s3], $0x80, v2, vm0, $0xb8;
	[tilespmem:$0x19000] =	vst v63  }
0x1ea: {  	_ = 	snop  }
0x1eb: {  	[tilespmem:s26], [sflag:$0x2] =	stream.indirect_vreg.gather [hbm4b:s7+s3], $0x80, v2, vm0, $0xb8;
	[tilespmem:$0x19000] =	vst v63  }
0x1ec: {  	_ = 	snop  }
0x1ed: {  	[tilespmem:s30], [sflag:$0x2] =	stream.indirect_vreg.gather [hbm4b:s8+s3], $0x80, v2, vm0, $0xb8;
	[tilespmem:$0x19000] =	vst v63  }
0x1ee: {  	_ = 	snop  }
0x1ef: {  	[tilespmem:s1], [sflag:$0x2] =	stream.indirect_vreg.gather [hbm4b:s9+s3], $0x80, v2, vm0, $0xb8;
	[tilespmem:$0x19000] =	vst v63  }
0x1f0: {  	s22 =	simm.s32 $0xC000  }
0x1f1: {  	[tilespmem:s22], [sflag:$0x2] =	stream.indirect_vreg.gather [hbm4b:s10+s3], $0x80, v2, vm0, $0xb8;
	[tilespmem:$0x19000] =	vst v63  }
0x1f2: {  	s26 =	simm.s32 $0xC800  }
0x1f3: {  	[tilespmem:s26], [sflag:$0x2] =	stream.indirect_vreg.gather [hbm4b:s11+s3], $0x80, v2, vm0, $0xb8;
	[tilespmem:$0x19000] =	vst v63  }
0x1f4: {  	s28 =	simm.s32 $0xD000  }
0x1f5: {  	[tilespmem:s28], [sflag:$0x2] =	stream.indirect_vreg.gather [hbm4b:s12+s3], $0x80, v2, vm0, $0xb8;
	[tilespmem:$0x19000] =	vst v63  }
0x1f6: {  	s30 =	simm.s32 $0xD800  }
0x1f7: {  	[tilespmem:s30], [sflag:$0x2] =	stream.indirect_vreg.gather [hbm4b:s13+s3], $0x80, v2, vm0, $0xb8;
	[tilespmem:$0x19000] =	vst v63  }
0x1f8: {  	s31 =	simm.s32 $0xE000  }
0x1f9: {  	[tilespmem:s31], [sflag:$0x2] =	stream.indirect_vreg.gather [hbm4b:s14+s3], $0x80, v2, vm0, $0xb8;
	[tilespmem:$0x19000] =	vst v63  }
0x1fa: {  	s2 =	simm.s32 $0xE800  }
0x1fb: {  	[tilespmem:s2], [sflag:$0x2] =	stream.indirect_vreg.gather [hbm4b:s15+s3], $0x80, v2, vm0, $0xb8;
	[tilespmem:$0x19000] =	vst v63  }
0x1fc: {  	s20 =	simm.s32 $0xF000  }
0x1fd: {  	[tilespmem:s20], [sflag:$0x2] =	stream.indirect_vreg.gather [hbm4b:s16+s3], $0x80, v2, vm0, $0xb8;
	[tilespmem:$0x19000] =	vst v63  }
0x1fe: {  	s22 =	simm.s32 $0xF800  }
0x1ff: {  	[tilespmem:s22], [sflag:$0x2] =	stream.indirect_vreg.gather [hbm4b:s17+s3], $0x80, v2, vm0, $0xb8;
	[tilespmem:$0x19000] =	vst v63  }
0x200: {  	s26 =	simm.s32 $0x10000  }
0x201: {  	[tilespmem:s26], [sflag:$0x2] =	stream.indirect_vreg.gather [hbm4b:s18+s3], $0x80, v2, vm0, $0xb8;
	[tilespmem:$0x19000] =	vst v63  }
0x202: {  	s28 =	simm.s32 $0x10800  }
0x203: {  	[tilespmem:s28], [sflag:$0x2] =	stream.indirect_vreg.gather [hbm4b:s19+s3], $0x80, v2, vm0, $0xb8;
	[tilespmem:$0x19000] =	vst v63  }
0x204: {  	_ =	swait.ge [sflag:s25], $0x8000  }
0x205: {  	[sflag:s25] =	ssyncset.done $0x0  }
0x206: {  	[sflag:s25] =	ssyncadd.s32 $0xFFFF8000  }
0x207: {  	s31 =	simm.s32 $0x11000;
	s30 =	rddreg [dreg:$0xc]  }
0x208: {  	[hbm4b:s30+s3] =	stream.linear.scatter [tilespmem:s31], [sflag:$0x6], $0x8000, $0x38;
	[tilespmem:$0x19000] =	vst v63  }
0x209: {  	_ =	swait.ge [sflag:s24], $0x8000  }
0x20a: {  	[sflag:s24] =	ssyncset.done $0x0  }
0x20b: {  	[sflag:s24] =	ssyncadd.s32 $0xFFFF8000  }
0x20c: {  	v2 =	vld.msk [tilespmem:$0x580], $0xff;
	_ =	sdelay $0x4  }
0x20d: {  	v3 =	vshll.u32 v2, $0x5  }
0x20e: {  	v2 =	vand.u32 $0x7, v2;
	v3 =	vand.u32 $0xFFFFFF00, v3  }
0x20f: {  	v2 =	vor.u32 v2, v3  }
0x210: {  	v2 =	vperm.xlane v2, v0;
	_ =	sdelay $0x1  }
0x211: {  	v2 =	vadd.s32 v1, v2;
	_ =	sdelay $0x4  }
0x212: {  	[tilespmem:s31], [sflag:$0x3] =	stream.indirect_vreg.gather [hbm4b:s29+s3], $0x80, v2, vm0, $0xb8;
	[tilespmem:$0x19000] =	vst v63  }
0x213: {  	s2 =	simm.s32 $0x11800  }
0x214: {  	[tilespmem:s2], [sflag:$0x3] =	stream.indirect_vreg.gather [hbm4b:s5+s3], $0x80, v2, vm0, $0xb8;
	[tilespmem:$0x19000] =	vst v63  }
0x215: {  	s20 =	simm.s32 $0x12000  }
0x216: {  	[tilespmem:s20], [sflag:$0x3] =	stream.indirect_vreg.gather [hbm4b:s6+s3], $0x80, v2, vm0, $0xb8;
	[tilespmem:$0x19000] =	vst v63  }
0x217: {  	s22 =	simm.s32 $0x12800  }
0x218: {  	[tilespmem:s22], [sflag:$0x3] =	stream.indirect_vreg.gather [hbm4b:s7+s3], $0x80, v2, vm0, $0xb8;
	[tilespmem:$0x19000] =	vst v63  }
0x219: {  	s26 =	simm.s32 $0x13000  }
0x21a: {  	[tilespmem:s26], [sflag:$0x3] =	stream.indirect_vreg.gather [hbm4b:s8+s3], $0x80, v2, vm0, $0xb8;
	[tilespmem:$0x19000] =	vst v63  }
0x21b: {  	s28 =	simm.s32 $0x13800  }
0x21c: {  	[tilespmem:s28], [sflag:$0x3] =	stream.indirect_vreg.gather [hbm4b:s9+s3], $0x80, v2, vm0, $0xb8;
	[tilespmem:$0x19000] =	vst v63  }
0x21d: {  	s30 =	simm.s32 $0x14000  }
0x21e: {  	[tilespmem:s30], [sflag:$0x3] =	stream.indirect_vreg.gather [hbm4b:s10+s3], $0x80, v2, vm0, $0xb8;
	[tilespmem:$0x19000] =	vst v63  }
0x21f: {  	s31 =	simm.s32 $0x14800  }
0x220: {  	[tilespmem:s31], [sflag:$0x3] =	stream.indirect_vreg.gather [hbm4b:s11+s3], $0x80, v2, vm0, $0xb8;
	[tilespmem:$0x19000] =	vst v63  }
0x221: {  	s2 =	simm.s32 $0x15000  }
0x222: {  	[tilespmem:s2], [sflag:$0x3] =	stream.indirect_vreg.gather [hbm4b:s12+s3], $0x80, v2, vm0, $0xb8;
	[tilespmem:$0x19000] =	vst v63  }
0x223: {  	s20 =	simm.s32 $0x15800  }
0x224: {  	[tilespmem:s20], [sflag:$0x3] =	stream.indirect_vreg.gather [hbm4b:s13+s3], $0x80, v2, vm0, $0xb8;
	[tilespmem:$0x19000] =	vst v63  }
0x225: {  	s22 =	simm.s32 $0x16000  }
0x226: {  	[tilespmem:s22], [sflag:$0x3] =	stream.indirect_vreg.gather [hbm4b:s14+s3], $0x80, v2, vm0, $0xb8;
	[tilespmem:$0x19000] =	vst v63  }
0x227: {  	s26 =	simm.s32 $0x16800  }
0x228: {  	[tilespmem:s26], [sflag:$0x3] =	stream.indirect_vreg.gather [hbm4b:s15+s3], $0x80, v2, vm0, $0xb8;
	[tilespmem:$0x19000] =	vst v63  }
0x229: {  	s28 =	simm.s32 $0x17000  }
0x22a: {  	[tilespmem:s28], [sflag:$0x3] =	stream.indirect_vreg.gather [hbm4b:s16+s3], $0x80, v2, vm0, $0xb8;
	[tilespmem:$0x19000] =	vst v63  }
0x22b: {  	s30 =	simm.s32 $0x17800  }
0x22c: {  	[tilespmem:s30], [sflag:$0x3] =	stream.indirect_vreg.gather [hbm4b:s17+s3], $0x80, v2, vm0, $0xb8;
	[tilespmem:$0x19000] =	vst v63  }
0x22d: {  	s31 =	simm.s32 $0x18000  }
0x22e: {  	[tilespmem:s31], [sflag:$0x3] =	stream.indirect_vreg.gather [hbm4b:s18+s3], $0x80, v2, vm0, $0xb8;
	[tilespmem:$0x19000] =	vst v63  }
0x22f: {  	s2 =	simm.s32 $0x18800  }
0x230: {  	[tilespmem:s2], [sflag:$0x3] =	stream.indirect_vreg.gather [hbm4b:s19+s3], $0x80, v2, vm0, $0xb8;
	[tilespmem:$0x19000] =	vst v63  }
0x231: {  	_ =	swait.ge [sflag:s21], $0x8000  }
0x232: {  	[sflag:s21] =	ssyncset.done $0x0  }
0x233: {  	s22 =	simm.s32 $0x1000;
	s20 =	rddreg [dreg:$0xd];
	[sflag:s21] =	ssyncadd.s32 $0xFFFF8000  }
0x234: {  	[hbm4b:s20+s3] =	stream.linear.scatter [tilespmem:s22], [sflag:$0x4], $0x8000, $0x38;
	[tilespmem:$0x19000] =	vst v63  }
0x235: {  	_ =	swait.ge [sflag:s4], $0x8000  }
0x236: {  	[sflag:s4] =	ssyncset.done $0x0  }
0x237: {  	[sflag:s4] =	ssyncadd.s32 $0xFFFF8000  }
0x238: {  	v2 =	vld.msk [tilespmem:$0x600], $0xff;
	_ =	sdelay $0x4  }
0x239: {  	v3 =	vshll.u32 v2, $0x5  }
0x23a: {  	v2 =	vand.u32 $0x7, v2;
	v3 =	vand.u32 $0xFFFFFF00, v3  }
0x23b: {  	v2 =	vor.u32 v2, v3  }
0x23c: {  	v2 =	vperm.xlane v2, v0;
	_ =	sdelay $0x1  }
0x23d: {  	v2 =	vadd.s32 v1, v2;
	_ =	sdelay $0x4  }
0x23e: {  	[tilespmem:s22], [sflag:$0x1] =	stream.indirect_vreg.gather [hbm4b:s29+s3], $0x80, v2, vm0, $0xb8;
	[tilespmem:$0x19000] =	vst v63  }
0x23f: {  	s1 =	simm.s32 $0x1800  }
0x240: {  	[tilespmem:s1], [sflag:$0x1] =	stream.indirect_vreg.gather [hbm4b:s5+s3], $0x80, v2, vm0, $0xb8;
	[tilespmem:$0x19000] =	vst v63  }
0x241: {  	s20 =	simm.s32 $0x2000  }
0x242: {  	[tilespmem:s20], [sflag:$0x1] =	stream.indirect_vreg.gather [hbm4b:s6+s3], $0x80, v2, vm0, $0xb8;
	[tilespmem:$0x19000] =	vst v63  }
0x243: {  	s22 =	simm.s32 $0x2800  }
0x244: {  	[tilespmem:s22], [sflag:$0x1] =	stream.indirect_vreg.gather [hbm4b:s7+s3], $0x80, v2, vm0, $0xb8;
	[tilespmem:$0x19000] =	vst v63  }
0x245: {  	s31 =	simm.s32 $0x3000  }
0x246: {  	[tilespmem:s31], [sflag:$0x1] =	stream.indirect_vreg.gather [hbm4b:s8+s3], $0x80, v2, vm0, $0xb8;
	[tilespmem:$0x19000] =	vst v63  }
0x247: {  	s26 =	simm.s32 $0x3800  }
0x248: {  	[tilespmem:s26], [sflag:$0x1] =	stream.indirect_vreg.gather [hbm4b:s9+s3], $0x80, v2, vm0, $0xb8;
	[tilespmem:$0x19000] =	vst v63  }
0x249: {  	s28 =	simm.s32 $0x4000  }
0x24a: {  	[tilespmem:s28], [sflag:$0x1] =	stream.indirect_vreg.gather [hbm4b:s10+s3], $0x80, v2, vm0, $0xb8;
	[tilespmem:$0x19000] =	vst v63  }
0x24b: {  	s30 =	simm.s32 $0x4800  }
0x24c: {  	[tilespmem:s30], [sflag:$0x1] =	stream.indirect_vreg.gather [hbm4b:s11+s3], $0x80, v2, vm0, $0xb8;
	[tilespmem:$0x19000] =	vst v63  }
0x24d: {  	s26 =	simm.s32 $0x5000  }
0x24e: {  	[tilespmem:s26], [sflag:$0x1] =	stream.indirect_vreg.gather [hbm4b:s12+s3], $0x80, v2, vm0, $0xb8;
	[tilespmem:$0x19000] =	vst v63  }
0x24f: {  	s28 =	simm.s32 $0x5800  }
0x250: {  	[tilespmem:s28], [sflag:$0x1] =	stream.indirect_vreg.gather [hbm4b:s13+s3], $0x80, v2, vm0, $0xb8;
	[tilespmem:$0x19000] =	vst v63  }
0x251: {  	s30 =	simm.s32 $0x6000  }
0x252: {  	[tilespmem:s30], [sflag:$0x1] =	stream.indirect_vreg.gather [hbm4b:s14+s3], $0x80, v2, vm0, $0xb8;
	[tilespmem:$0x19000] =	vst v63  }
0x253: {  	s26 =	simm.s32 $0x6800  }
0x254: {  	[tilespmem:s26], [sflag:$0x1] =	stream.indirect_vreg.gather [hbm4b:s15+s3], $0x80, v2, vm0, $0xb8;
	[tilespmem:$0x19000] =	vst v63  }
0x255: {  	s28 =	simm.s32 $0x7000  }
0x256: {  	[tilespmem:s28], [sflag:$0x1] =	stream.indirect_vreg.gather [hbm4b:s16+s3], $0x80, v2, vm0, $0xb8;
	[tilespmem:$0x19000] =	vst v63  }
0x257: {  	s30 =	simm.s32 $0x7800  }
0x258: {  	[tilespmem:s30], [sflag:$0x1] =	stream.indirect_vreg.gather [hbm4b:s17+s3], $0x80, v2, vm0, $0xb8;
	[tilespmem:$0x19000] =	vst v63  }
0x259: {  	s26 =	simm.s32 $0x8000  }
0x25a: {  	[tilespmem:s26], [sflag:$0x1] =	stream.indirect_vreg.gather [hbm4b:s18+s3], $0x80, v2, vm0, $0xb8;
	[tilespmem:$0x19000] =	vst v63  }
0x25b: {  	s28 =	simm.s32 $0x8800  }
0x25c: {  	[tilespmem:s28], [sflag:$0x1] =	stream.indirect_vreg.gather [hbm4b:s19+s3], $0x80, v2, vm0, $0xb8;
	[tilespmem:$0x19000] =	vst v63  }
0x25d: {  	_ =	swait.ge [sflag:s23], $0x8000  }
0x25e: {  	[sflag:s23] =	ssyncset.done $0x0  }
0x25f: {  	s2 =	simm.s32 $0x9000;
	s30 =	rddreg [dreg:$0xe];
	[sflag:s23] =	ssyncadd.s32 $0xFFFF8000  }
0x260: {  	[hbm4b:s30+s3] =	stream.linear.scatter [tilespmem:s2], [sflag:$0x5], $0x8000, $0x38;
	[tilespmem:$0x19000] =	vst v63  }
0x261: {  	_ =	swait.ge [sflag:s0], $0x8000  }
0x262: {  	[sflag:s0] =	ssyncset.done $0x0  }
0x263: {  	[sflag:s0] =	ssyncadd.s32 $0xFFFF8000  }
0x264: {  	v2 =	vld.msk [tilespmem:$0x680], $0xff;
	_ =	sdelay $0x4  }
0x265: {  	v3 =	vshll.u32 v2, $0x5  }
0x266: {  	v2 =	vand.u32 $0x7, v2;
	v3 =	vand.u32 $0xFFFFFF00, v3  }
0x267: {  	v2 =	vor.u32 v2, v3  }
0x268: {  	v2 =	vperm.xlane v2, v0;
	_ =	sdelay $0x1  }
0x269: {  	v2 =	vadd.s32 v1, v2;
	_ =	sdelay $0x4  }
0x26a: {  	[tilespmem:s2], [sflag:$0x2] =	stream.indirect_vreg.gather [hbm4b:s29+s3], $0x80, v2, vm0, $0xb8;
	[tilespmem:$0x19000] =	vst v63  }
0x26b: {  	s2 =	simm.s32 $0x9800  }
0x26c: {  	[tilespmem:s2], [sflag:$0x2] =	stream.indirect_vreg.gather [hbm4b:s5+s3], $0x80, v2, vm0, $0xb8;
	[tilespmem:$0x19000] =	vst v63  }
0x26d: {  	s26 =	smov.u32 s29;
	s29 =	simm.s32 $0xA000  }
0x26e: {  	[tilespmem:s29], [sflag:$0x2] =	stream.indirect_vreg.gather [hbm4b:s6+s3], $0x80, v2, vm0, $0xb8;
	[tilespmem:$0x19000] =	vst v63  }
0x26f: {  	s30 =	simm.s32 $0xA800  }
0x270: {  	[tilespmem:s30], [sflag:$0x2] =	stream.indirect_vreg.gather [hbm4b:s7+s3], $0x80, v2, vm0, $0xb8;
	[tilespmem:$0x19000] =	vst v63  }
0x271: {  	s30 =	simm.s32 $0xB000  }
0x272: {  	[tilespmem:s30], [sflag:$0x2] =	stream.indirect_vreg.gather [hbm4b:s8+s3], $0x80, v2, vm0, $0xb8;
	[tilespmem:$0x19000] =	vst v63  }
0x273: {  	s30 =	simm.s32 $0xB800  }
0x274: {  	[tilespmem:s30], [sflag:$0x2] =	stream.indirect_vreg.gather [hbm4b:s9+s3], $0x80, v2, vm0, $0xb8;
	[tilespmem:$0x19000] =	vst v63  }
0x275: {  	s30 =	simm.s32 $0xC000  }
0x276: {  	[tilespmem:s30], [sflag:$0x2] =	stream.indirect_vreg.gather [hbm4b:s10+s3], $0x80, v2, vm0, $0xb8;
	[tilespmem:$0x19000] =	vst v63  }
0x277: {  	s30 =	simm.s32 $0xC800  }
0x278: {  	[tilespmem:s30], [sflag:$0x2] =	stream.indirect_vreg.gather [hbm4b:s11+s3], $0x80, v2, vm0, $0xb8;
	[tilespmem:$0x19000] =	vst v63  }
0x279: {  	s30 =	simm.s32 $0xD000  }
0x27a: {  	[tilespmem:s30], [sflag:$0x2] =	stream.indirect_vreg.gather [hbm4b:s12+s3], $0x80, v2, vm0, $0xb8;
	[tilespmem:$0x19000] =	vst v63  }
0x27b: {  	s30 =	simm.s32 $0xD800  }
0x27c: {  	[tilespmem:s30], [sflag:$0x2] =	stream.indirect_vreg.gather [hbm4b:s13+s3], $0x80, v2, vm0, $0xb8;
	[tilespmem:$0x19000] =	vst v63  }
0x27d: {  	s30 =	simm.s32 $0xE000  }
0x27e: {  	[tilespmem:s30], [sflag:$0x2] =	stream.indirect_vreg.gather [hbm4b:s14+s3], $0x80, v2, vm0, $0xb8;
	[tilespmem:$0x19000] =	vst v63  }
0x27f: {  	s30 =	simm.s32 $0xE800  }
0x280: {  	[tilespmem:s30], [sflag:$0x2] =	stream.indirect_vreg.gather [hbm4b:s15+s3], $0x80, v2, vm0, $0xb8;
	[tilespmem:$0x19000] =	vst v63  }
0x281: {  	s30 =	simm.s32 $0xF000  }
0x282: {  	[tilespmem:s30], [sflag:$0x2] =	stream.indirect_vreg.gather [hbm4b:s16+s3], $0x80, v2, vm0, $0xb8;
	[tilespmem:$0x19000] =	vst v63  }
0x283: {  	s30 =	simm.s32 $0xF800  }
0x284: {  	[tilespmem:s30], [sflag:$0x2] =	stream.indirect_vreg.gather [hbm4b:s17+s3], $0x80, v2, vm0, $0xb8;
	[tilespmem:$0x19000] =	vst v63  }
0x285: {  	s30 =	simm.s32 $0x10000  }
0x286: {  	[tilespmem:s30], [sflag:$0x2] =	stream.indirect_vreg.gather [hbm4b:s18+s3], $0x80, v2, vm0, $0xb8;
	[tilespmem:$0x19000] =	vst v63  }
0x287: {  	s30 =	simm.s32 $0x10800  }
0x288: {  	[tilespmem:s30], [sflag:$0x2] =	stream.indirect_vreg.gather [hbm4b:s19+s3], $0x80, v2, vm0, $0xb8;
	[tilespmem:$0x19000] =	vst v63  }
0x289: {  	_ =	swait.ge [sflag:s25], $0x8000  }
0x28a: {  	[sflag:s25] =	ssyncset.done $0x0  }
0x28b: {  	s30 =	simm.s32 $0x11000;
	s28 =	rddreg [dreg:$0xf];
	[sflag:s25] =	ssyncadd.s32 $0xFFFF8000  }
0x28c: {  	[hbm4b:s28+s3] =	stream.linear.scatter [tilespmem:s30], [sflag:$0x6], $0x8000, $0x38;
	[tilespmem:$0x19000] =	vst v63  }
0x28d: {  	_ =	swait.ge [sflag:s24], $0x8000  }
0x28e: {  	[sflag:s24] =	ssyncset.done $0x0  }
0x28f: {  	[sflag:s24] =	ssyncadd.s32 $0xFFFF8000  }
0x290: {  	v2 =	vld.msk [tilespmem:$0x700], $0xff;
	_ =	sdelay $0x4  }
0x291: {  	v3 =	vshll.u32 v2, $0x5  }
0x292: {  	v2 =	vand.u32 $0x7, v2;
	v3 =	vand.u32 $0xFFFFFF00, v3  }
0x293: {  	v2 =	vor.u32 v2, v3  }
0x294: {  	v2 =	vperm.xlane v2, v0;
	_ =	sdelay $0x1  }
0x295: {  	v2 =	vadd.s32 v1, v2;
	_ =	sdelay $0x4  }
0x296: {  	[tilespmem:s30], [sflag:$0x3] =	stream.indirect_vreg.gather [hbm4b:s26+s3], $0x80, v2, vm0, $0xb8;
	[tilespmem:$0x19000] =	vst v63  }
0x297: {  	s30 =	simm.s32 $0x11800  }
0x298: {  	[tilespmem:s30], [sflag:$0x3] =	stream.indirect_vreg.gather [hbm4b:s5+s3], $0x80, v2, vm0, $0xb8;
	[tilespmem:$0x19000] =	vst v63  }
0x299: {  	s30 =	simm.s32 $0x12000  }
0x29a: {  	[tilespmem:s30], [sflag:$0x3] =	stream.indirect_vreg.gather [hbm4b:s6+s3], $0x80, v2, vm0, $0xb8;
	[tilespmem:$0x19000] =	vst v63  }
0x29b: {  	s30 =	simm.s32 $0x12800  }
0x29c: {  	[tilespmem:s30], [sflag:$0x3] =	stream.indirect_vreg.gather [hbm4b:s7+s3], $0x80, v2, vm0, $0xb8;
	[tilespmem:$0x19000] =	vst v63  }
0x29d: {  	s30 =	simm.s32 $0x13000  }
0x29e: {  	[tilespmem:s30], [sflag:$0x3] =	stream.indirect_vreg.gather [hbm4b:s8+s3], $0x80, v2, vm0, $0xb8;
	[tilespmem:$0x19000] =	vst v63  }
0x29f: {  	s30 =	simm.s32 $0x13800  }
0x2a0: {  	[tilespmem:s30], [sflag:$0x3] =	stream.indirect_vreg.gather [hbm4b:s9+s3], $0x80, v2, vm0, $0xb8;
	[tilespmem:$0x19000] =	vst v63  }
0x2a1: {  	s30 =	simm.s32 $0x14000  }
0x2a2: {  	[tilespmem:s30], [sflag:$0x3] =	stream.indirect_vreg.gather [hbm4b:s10+s3], $0x80, v2, vm0, $0xb8;
	[tilespmem:$0x19000] =	vst v63  }
0x2a3: {  	s30 =	simm.s32 $0x14800  }
0x2a4: {  	[tilespmem:s30], [sflag:$0x3] =	stream.indirect_vreg.gather [hbm4b:s11+s3], $0x80, v2, vm0, $0xb8;
	[tilespmem:$0x19000] =	vst v63  }
0x2a5: {  	s30 =	simm.s32 $0x15000  }
0x2a6: {  	[tilespmem:s30], [sflag:$0x3] =	stream.indirect_vreg.gather [hbm4b:s12+s3], $0x80, v2, vm0, $0xb8;
	[tilespmem:$0x19000] =	vst v63  }
0x2a7: {  	s30 =	simm.s32 $0x15800  }
0x2a8: {  	[tilespmem:s30], [sflag:$0x3] =	stream.indirect_vreg.gather [hbm4b:s13+s3], $0x80, v2, vm0, $0xb8;
	[tilespmem:$0x19000] =	vst v63  }
0x2a9: {  	s30 =	simm.s32 $0x16000  }
0x2aa: {  	[tilespmem:s30], [sflag:$0x3] =	stream.indirect_vreg.gather [hbm4b:s14+s3], $0x80, v2, vm0, $0xb8;
	[tilespmem:$0x19000] =	vst v63  }
0x2ab: {  	s30 =	simm.s32 $0x16800  }
0x2ac: {  	[tilespmem:s30], [sflag:$0x3] =	stream.indirect_vreg.gather [hbm4b:s15+s3], $0x80, v2, vm0, $0xb8;
	[tilespmem:$0x19000] =	vst v63  }
0x2ad: {  	s30 =	simm.s32 $0x17000  }
0x2ae: {  	[tilespmem:s30], [sflag:$0x3] =	stream.indirect_vreg.gather [hbm4b:s16+s3], $0x80, v2, vm0, $0xb8;
	[tilespmem:$0x19000] =	vst v63  }
0x2af: {  	s30 =	simm.s32 $0x17800  }
0x2b0: {  	[tilespmem:s30], [sflag:$0x3] =	stream.indirect_vreg.gather [hbm4b:s17+s3], $0x80, v2, vm0, $0xb8;
	[tilespmem:$0x19000] =	vst v63  }
0x2b1: {  	s30 =	simm.s32 $0x18000  }
0x2b2: {  	[tilespmem:s30], [sflag:$0x3] =	stream.indirect_vreg.gather [hbm4b:s18+s3], $0x80, v2, vm0, $0xb8;
	[tilespmem:$0x19000] =	vst v63  }
0x2b3: {  	s30 =	simm.s32 $0x18800  }
0x2b4: {  	[tilespmem:s30], [sflag:$0x3] =	stream.indirect_vreg.gather [hbm4b:s19+s3], $0x80, v2, vm0, $0xb8;
	[tilespmem:$0x19000] =	vst v63  }
0x2b5: {  	_ =	swait.ge [sflag:s21], $0x8000  }
0x2b6: {  	[sflag:s21] =	ssyncset.done $0x0  }
0x2b7: {  	s30 =	simm.s32 $0x1000;
	s28 =	rddreg [dreg:$0x10];
	[sflag:s21] =	ssyncadd.s32 $0xFFFF8000  }
0x2b8: {  	[hbm4b:s28+s3] =	stream.linear.scatter [tilespmem:s30], [sflag:$0x4], $0x8000, $0x38;
	[tilespmem:$0x19000] =	vst v63  }
0x2b9: {  	_ =	swait.ge [sflag:s4], $0x8000  }
0x2ba: {  	[sflag:s4] =	ssyncset.done $0x0  }
0x2bb: {  	[sflag:s4] =	ssyncadd.s32 $0xFFFF8000  }
0x2bc: {  	v2 =	vld.msk [tilespmem:$0x780], $0xff;
	_ =	sdelay $0x4  }
0x2bd: {  	v3 =	vshll.u32 v2, $0x5  }
0x2be: {  	v2 =	vand.u32 $0x7, v2;
	v3 =	vand.u32 $0xFFFFFF00, v3  }
0x2bf: {  	v2 =	vor.u32 v2, v3  }
0x2c0: {  	v2 =	vperm.xlane v2, v0;
	_ =	sdelay $0x1  }
0x2c1: {  	v2 =	vadd.s32 v1, v2;
	_ =	sdelay $0x4  }
0x2c2: {  	[tilespmem:s30], [sflag:$0x1] =	stream.indirect_vreg.gather [hbm4b:s26+s3], $0x80, v2, vm0, $0xb8;
	[tilespmem:$0x19000] =	vst v63  }
0x2c3: {  	_ = 	snop  }
0x2c4: {  	[tilespmem:s1], [sflag:$0x1] =	stream.indirect_vreg.gather [hbm4b:s5+s3], $0x80, v2, vm0, $0xb8;
	[tilespmem:$0x19000] =	vst v63  }
0x2c5: {  	_ = 	snop  }
0x2c6: {  	[tilespmem:s20], [sflag:$0x1] =	stream.indirect_vreg.gather [hbm4b:s6+s3], $0x80, v2, vm0, $0xb8;
	[tilespmem:$0x19000] =	vst v63  }
0x2c7: {  	_ = 	snop  }
0x2c8: {  	[tilespmem:s22], [sflag:$0x1] =	stream.indirect_vreg.gather [hbm4b:s7+s3], $0x80, v2, vm0, $0xb8;
	[tilespmem:$0x19000] =	vst v63  }
0x2c9: {  	_ = 	snop  }
0x2ca: {  	[tilespmem:s31], [sflag:$0x1] =	stream.indirect_vreg.gather [hbm4b:s8+s3], $0x80, v2, vm0, $0xb8;
	[tilespmem:$0x19000] =	vst v63  }
0x2cb: {  	s1 =	simm.s32 $0x3800  }
0x2cc: {  	[tilespmem:s1], [sflag:$0x1] =	stream.indirect_vreg.gather [hbm4b:s9+s3], $0x80, v2, vm0, $0xb8;
	[tilespmem:$0x19000] =	vst v63  }
0x2cd: {  	s20 =	simm.s32 $0x4000  }
0x2ce: {  	[tilespmem:s20], [sflag:$0x1] =	stream.indirect_vreg.gather [hbm4b:s10+s3], $0x80, v2, vm0, $0xb8;
	[tilespmem:$0x19000] =	vst v63  }
0x2cf: {  	s30 =	simm.s32 $0x4800  }
0x2d0: {  	[tilespmem:s30], [sflag:$0x1] =	stream.indirect_vreg.gather [hbm4b:s11+s3], $0x80, v2, vm0, $0xb8;
	[tilespmem:$0x19000] =	vst v63  }
0x2d1: {  	s31 =	simm.s32 $0x5000  }
0x2d2: {  	[tilespmem:s31], [sflag:$0x1] =	stream.indirect_vreg.gather [hbm4b:s12+s3], $0x80, v2, vm0, $0xb8;
	[tilespmem:$0x19000] =	vst v63  }
0x2d3: {  	s28 =	simm.s32 $0x5800  }
0x2d4: {  	[tilespmem:s28], [sflag:$0x1] =	stream.indirect_vreg.gather [hbm4b:s13+s3], $0x80, v2, vm0, $0xb8;
	[tilespmem:$0x19000] =	vst v63  }
0x2d5: {  	s30 =	simm.s32 $0x6000  }
0x2d6: {  	[tilespmem:s30], [sflag:$0x1] =	stream.indirect_vreg.gather [hbm4b:s14+s3], $0x80, v2, vm0, $0xb8;
	[tilespmem:$0x19000] =	vst v63  }
0x2d7: {  	s31 =	simm.s32 $0x6800  }
0x2d8: {  	[tilespmem:s31], [sflag:$0x1] =	stream.indirect_vreg.gather [hbm4b:s15+s3], $0x80, v2, vm0, $0xb8;
	[tilespmem:$0x19000] =	vst v63  }
0x2d9: {  	s28 =	simm.s32 $0x7000  }
0x2da: {  	[tilespmem:s28], [sflag:$0x1] =	stream.indirect_vreg.gather [hbm4b:s16+s3], $0x80, v2, vm0, $0xb8;
	[tilespmem:$0x19000] =	vst v63  }
0x2db: {  	s30 =	simm.s32 $0x7800  }
0x2dc: {  	[tilespmem:s30], [sflag:$0x1] =	stream.indirect_vreg.gather [hbm4b:s17+s3], $0x80, v2, vm0, $0xb8;
	[tilespmem:$0x19000] =	vst v63  }
0x2dd: {  	s31 =	simm.s32 $0x8000  }
0x2de: {  	[tilespmem:s31], [sflag:$0x1] =	stream.indirect_vreg.gather [hbm4b:s18+s3], $0x80, v2, vm0, $0xb8;
	[tilespmem:$0x19000] =	vst v63  }
0x2df: {  	s28 =	simm.s32 $0x8800  }
0x2e0: {  	[tilespmem:s28], [sflag:$0x1] =	stream.indirect_vreg.gather [hbm4b:s19+s3], $0x80, v2, vm0, $0xb8;
	[tilespmem:$0x19000] =	vst v63  }
0x2e1: {  	_ =	swait.ge [sflag:s23], $0x8000  }
0x2e2: {  	[sflag:s23] =	ssyncset.done $0x0  }
0x2e3: {  	s31 =	simm.s32 $0x9000;
	s30 =	rddreg [dreg:$0x11];
	[sflag:s23] =	ssyncadd.s32 $0xFFFF8000  }
0x2e4: {  	[hbm4b:s30+s3] =	stream.linear.scatter [tilespmem:s31], [sflag:$0x5], $0x8000, $0x38;
	[tilespmem:$0x19000] =	vst v63  }
0x2e5: {  	_ =	swait.ge [sflag:s0], $0x8000  }
0x2e6: {  	[sflag:s0] =	ssyncset.done $0x0  }
0x2e7: {  	[sflag:s0] =	ssyncadd.s32 $0xFFFF8000  }
0x2e8: {  	v2 =	vld.msk [tilespmem:$0x800], $0xff;
	_ =	sdelay $0x4  }
0x2e9: {  	v3 =	vshll.u32 v2, $0x5  }
0x2ea: {  	v2 =	vand.u32 $0x7, v2;
	v3 =	vand.u32 $0xFFFFFF00, v3  }
0x2eb: {  	v2 =	vor.u32 v2, v3  }
0x2ec: {  	v2 =	vperm.xlane v2, v0;
	_ =	sdelay $0x1  }
0x2ed: {  	v2 =	vadd.s32 v1, v2;
	_ =	sdelay $0x4  }
0x2ee: {  	[tilespmem:s31], [sflag:$0x2] =	stream.indirect_vreg.gather [hbm4b:s26+s3], $0x80, v2, vm0, $0xb8;
	[tilespmem:$0x19000] =	vst v63  }
0x2ef: {  	_ = 	snop  }
0x2f0: {  	[tilespmem:s2], [sflag:$0x2] =	stream.indirect_vreg.gather [hbm4b:s5+s3], $0x80, v2, vm0, $0xb8;
	[tilespmem:$0x19000] =	vst v63  }
0x2f1: {  	_ = 	snop  }
0x2f2: {  	[tilespmem:s29], [sflag:$0x2] =	stream.indirect_vreg.gather [hbm4b:s6+s3], $0x80, v2, vm0, $0xb8;
	[tilespmem:$0x19000] =	vst v63  }
0x2f3: {  	s29 =	simm.s32 $0xA800  }
0x2f4: {  	[tilespmem:s29], [sflag:$0x2] =	stream.indirect_vreg.gather [hbm4b:s7+s3], $0x80, v2, vm0, $0xb8;
	[tilespmem:$0x19000] =	vst v63  }
0x2f5: {  	s30 =	simm.s32 $0xB000  }
0x2f6: {  	[tilespmem:s30], [sflag:$0x2] =	stream.indirect_vreg.gather [hbm4b:s8+s3], $0x80, v2, vm0, $0xb8;
	[tilespmem:$0x19000] =	vst v63  }
0x2f7: {  	s31 =	simm.s32 $0xB800  }
0x2f8: {  	[tilespmem:s31], [sflag:$0x2] =	stream.indirect_vreg.gather [hbm4b:s9+s3], $0x80, v2, vm0, $0xb8;
	[tilespmem:$0x19000] =	vst v63  }
0x2f9: {  	s22 =	simm.s32 $0xC000  }
0x2fa: {  	[tilespmem:s22], [sflag:$0x2] =	stream.indirect_vreg.gather [hbm4b:s10+s3], $0x80, v2, vm0, $0xb8;
	[tilespmem:$0x19000] =	vst v63  }
0x2fb: {  	s28 =	simm.s32 $0xC800  }
0x2fc: {  	[tilespmem:s28], [sflag:$0x2] =	stream.indirect_vreg.gather [hbm4b:s11+s3], $0x80, v2, vm0, $0xb8;
	[tilespmem:$0x19000] =	vst v63  }
0x2fd: {  	s29 =	simm.s32 $0xD000  }
0x2fe: {  	[tilespmem:s29], [sflag:$0x2] =	stream.indirect_vreg.gather [hbm4b:s12+s3], $0x80, v2, vm0, $0xb8;
	[tilespmem:$0x19000] =	vst v63  }
0x2ff: {  	s30 =	simm.s32 $0xD800  }
0x300: {  	[tilespmem:s30], [sflag:$0x2] =	stream.indirect_vreg.gather [hbm4b:s13+s3], $0x80, v2, vm0, $0xb8;
	[tilespmem:$0x19000] =	vst v63  }
0x301: {  	s31 =	simm.s32 $0xE000  }
0x302: {  	[tilespmem:s31], [sflag:$0x2] =	stream.indirect_vreg.gather [hbm4b:s14+s3], $0x80, v2, vm0, $0xb8;
	[tilespmem:$0x19000] =	vst v63  }
0x303: {  	s22 =	simm.s32 $0xE800  }
0x304: {  	[tilespmem:s22], [sflag:$0x2] =	stream.indirect_vreg.gather [hbm4b:s15+s3], $0x80, v2, vm0, $0xb8;
	[tilespmem:$0x19000] =	vst v63  }
0x305: {  	s28 =	simm.s32 $0xF000  }
0x306: {  	[tilespmem:s28], [sflag:$0x2] =	stream.indirect_vreg.gather [hbm4b:s16+s3], $0x80, v2, vm0, $0xb8;
	[tilespmem:$0x19000] =	vst v63  }
0x307: {  	s29 =	simm.s32 $0xF800  }
0x308: {  	[tilespmem:s29], [sflag:$0x2] =	stream.indirect_vreg.gather [hbm4b:s17+s3], $0x80, v2, vm0, $0xb8;
	[tilespmem:$0x19000] =	vst v63  }
0x309: {  	s30 =	simm.s32 $0x10000  }
0x30a: {  	[tilespmem:s30], [sflag:$0x2] =	stream.indirect_vreg.gather [hbm4b:s18+s3], $0x80, v2, vm0, $0xb8;
	[tilespmem:$0x19000] =	vst v63  }
0x30b: {  	s31 =	simm.s32 $0x10800  }
0x30c: {  	[tilespmem:s31], [sflag:$0x2] =	stream.indirect_vreg.gather [hbm4b:s19+s3], $0x80, v2, vm0, $0xb8;
	[tilespmem:$0x19000] =	vst v63  }
0x30d: {  	_ =	swait.ge [sflag:s25], $0x8000  }
0x30e: {  	[sflag:s25] =	ssyncset.done $0x0  }
0x30f: {  	s29 =	simm.s32 $0x11000;
	s22 =	rddreg [dreg:$0x12];
	[sflag:s25] =	ssyncadd.s32 $0xFFFF8000  }
0x310: {  	[hbm4b:s22+s3] =	stream.linear.scatter [tilespmem:s29], [sflag:$0x6], $0x8000, $0x38;
	[tilespmem:$0x19000] =	vst v63  }
0x311: {  	_ =	swait.ge [sflag:s24], $0x8000  }
0x312: {  	[sflag:s24] =	ssyncset.done $0x0  }
0x313: {  	[sflag:s24] =	ssyncadd.s32 $0xFFFF8000  }
0x314: {  	v2 =	vld.msk [tilespmem:$0x880], $0xff;
	_ =	sdelay $0x4  }
0x315: {  	v3 =	vshll.u32 v2, $0x5  }
0x316: {  	v2 =	vand.u32 $0x7, v2;
	v3 =	vand.u32 $0xFFFFFF00, v3  }
0x317: {  	v2 =	vor.u32 v2, v3  }
0x318: {  	v2 =	vperm.xlane v2, v0;
	_ =	sdelay $0x1  }
0x319: {  	v2 =	vadd.s32 v1, v2;
	_ =	sdelay $0x4  }
0x31a: {  	[tilespmem:s29], [sflag:$0x3] =	stream.indirect_vreg.gather [hbm4b:s26+s3], $0x80, v2, vm0, $0xb8;
	[tilespmem:$0x19000] =	vst v63  }
0x31b: {  	s30 =	simm.s32 $0x11800  }
0x31c: {  	[tilespmem:s30], [sflag:$0x3] =	stream.indirect_vreg.gather [hbm4b:s5+s3], $0x80, v2, vm0, $0xb8;
	[tilespmem:$0x19000] =	vst v63  }
0x31d: {  	s22 =	simm.s32 $0x12000  }
0x31e: {  	[tilespmem:s22], [sflag:$0x3] =	stream.indirect_vreg.gather [hbm4b:s6+s3], $0x80, v2, vm0, $0xb8;
	[tilespmem:$0x19000] =	vst v63  }
0x31f: {  	s29 =	simm.s32 $0x12800  }
0x320: {  	[tilespmem:s29], [sflag:$0x3] =	stream.indirect_vreg.gather [hbm4b:s7+s3], $0x80, v2, vm0, $0xb8;
	[tilespmem:$0x19000] =	vst v63  }
0x321: {  	s31 =	simm.s32 $0x13000  }
0x322: {  	[tilespmem:s31], [sflag:$0x3] =	stream.indirect_vreg.gather [hbm4b:s8+s3], $0x80, v2, vm0, $0xb8;
	[tilespmem:$0x19000] =	vst v63  }
0x323: {  	s30 =	simm.s32 $0x13800  }
0x324: {  	[tilespmem:s30], [sflag:$0x3] =	stream.indirect_vreg.gather [hbm4b:s9+s3], $0x80, v2, vm0, $0xb8;
	[tilespmem:$0x19000] =	vst v63  }
0x325: {  	s28 =	simm.s32 $0x14000  }
0x326: {  	[tilespmem:s28], [sflag:$0x3] =	stream.indirect_vreg.gather [hbm4b:s10+s3], $0x80, v2, vm0, $0xb8;
	[tilespmem:$0x19000] =	vst v63  }
0x327: {  	s31 =	simm.s32 $0x14800  }
0x328: {  	[tilespmem:s31], [sflag:$0x3] =	stream.indirect_vreg.gather [hbm4b:s11+s3], $0x80, v2, vm0, $0xb8;
	[tilespmem:$0x19000] =	vst v63  }
0x329: {  	s28 =	simm.s32 $0x15000  }
0x32a: {  	[tilespmem:s28], [sflag:$0x3] =	stream.indirect_vreg.gather [hbm4b:s12+s3], $0x80, v2, vm0, $0xb8;
	[tilespmem:$0x19000] =	vst v63  }
0x32b: {  	s31 =	simm.s32 $0x15800  }
0x32c: {  	[tilespmem:s31], [sflag:$0x3] =	stream.indirect_vreg.gather [hbm4b:s13+s3], $0x80, v2, vm0, $0xb8;
	[tilespmem:$0x19000] =	vst v63  }
0x32d: {  	s28 =	simm.s32 $0x16000  }
0x32e: {  	[tilespmem:s28], [sflag:$0x3] =	stream.indirect_vreg.gather [hbm4b:s14+s3], $0x80, v2, vm0, $0xb8;
	[tilespmem:$0x19000] =	vst v63  }
0x32f: {  	s31 =	simm.s32 $0x16800  }
0x330: {  	[tilespmem:s31], [sflag:$0x3] =	stream.indirect_vreg.gather [hbm4b:s15+s3], $0x80, v2, vm0, $0xb8;
	[tilespmem:$0x19000] =	vst v63  }
0x331: {  	s28 =	simm.s32 $0x17000  }
0x332: {  	[tilespmem:s28], [sflag:$0x3] =	stream.indirect_vreg.gather [hbm4b:s16+s3], $0x80, v2, vm0, $0xb8;
	[tilespmem:$0x19000] =	vst v63  }
0x333: {  	s31 =	simm.s32 $0x17800  }
0x334: {  	[tilespmem:s31], [sflag:$0x3] =	stream.indirect_vreg.gather [hbm4b:s17+s3], $0x80, v2, vm0, $0xb8;
	[tilespmem:$0x19000] =	vst v63  }
0x335: {  	s28 =	simm.s32 $0x18000  }
0x336: {  	[tilespmem:s28], [sflag:$0x3] =	stream.indirect_vreg.gather [hbm4b:s18+s3], $0x80, v2, vm0, $0xb8;
	[tilespmem:$0x19000] =	vst v63  }
0x337: {  	s31 =	simm.s32 $0x18800  }
0x338: {  	[tilespmem:s31], [sflag:$0x3] =	stream.indirect_vreg.gather [hbm4b:s19+s3], $0x80, v2, vm0, $0xb8;
	[tilespmem:$0x19000] =	vst v63  }
0x339: {  	_ =	swait.ge [sflag:s21], $0x8000  }
0x33a: {  	[sflag:s21] =	ssyncset.done $0x0  }
0x33b: {  	s2 =	simm.s32 $0x1000;
	s28 =	rddreg [dreg:$0x13];
	[sflag:s21] =	ssyncadd.s32 $0xFFFF8000  }
0x33c: {  	[hbm4b:s28+s3] =	stream.linear.scatter [tilespmem:s2], [sflag:$0x4], $0x8000, $0x38;
	[tilespmem:$0x19000] =	vst v63  }
0x33d: {  	_ =	swait.ge [sflag:s4], $0x8000  }
0x33e: {  	[sflag:s4] =	ssyncset.done $0x0  }
0x33f: {  	[sflag:s4] =	ssyncadd.s32 $0xFFFF8000  }
0x340: {  	v2 =	vld.msk [tilespmem:$0x900], $0xff;
	_ =	sdelay $0x4  }
0x341: {  	v3 =	vshll.u32 v2, $0x5  }
0x342: {  	v2 =	vand.u32 $0x7, v2;
	v3 =	vand.u32 $0xFFFFFF00, v3  }
0x343: {  	v2 =	vor.u32 v2, v3  }
0x344: {  	v2 =	vperm.xlane v2, v0;
	_ =	sdelay $0x1  }
0x345: {  	v2 =	vadd.s32 v1, v2;
	_ =	sdelay $0x4  }
0x346: {  	[tilespmem:s2], [sflag:$0x1] =	stream.indirect_vreg.gather [hbm4b:s26+s3], $0x80, v2, vm0, $0xb8;
	[tilespmem:$0x19000] =	vst v63  }
0x347: {  	s2 =	simm.s32 $0x1800  }
0x348: {  	[tilespmem:s2], [sflag:$0x1] =	stream.indirect_vreg.gather [hbm4b:s5+s3], $0x80, v2, vm0, $0xb8;
	[tilespmem:$0x19000] =	vst v63  }
0x349: {  	s31 =	simm.s32 $0x2000  }
0x34a: {  	[tilespmem:s31], [sflag:$0x1] =	stream.indirect_vreg.gather [hbm4b:s6+s3], $0x80, v2, vm0, $0xb8;
	[tilespmem:$0x19000] =	vst v63  }
0x34b: {  	s28 =	simm.s32 $0x2800  }
0x34c: {  	[tilespmem:s28], [sflag:$0x1] =	stream.indirect_vreg.gather [hbm4b:s7+s3], $0x80, v2, vm0, $0xb8;
	[tilespmem:$0x19000] =	vst v63  }
0x34d: {  	s28 =	simm.s32 $0x3000  }
0x34e: {  	[tilespmem:s28], [sflag:$0x1] =	stream.indirect_vreg.gather [hbm4b:s8+s3], $0x80, v2, vm0, $0xb8;
	[tilespmem:$0x19000] =	vst v63  }
0x34f: {  	_ = 	snop  }
0x350: {  	[tilespmem:s1], [sflag:$0x1] =	stream.indirect_vreg.gather [hbm4b:s9+s3], $0x80, v2, vm0, $0xb8;
	[tilespmem:$0x19000] =	vst v63  }
0x351: {  	_ = 	snop  }
0x352: {  	[tilespmem:s20], [sflag:$0x1] =	stream.indirect_vreg.gather [hbm4b:s10+s3], $0x80, v2, vm0, $0xb8;
	[tilespmem:$0x19000] =	vst v63  }
0x353: {  	s28 =	simm.s32 $0x4800  }
0x354: {  	[tilespmem:s28], [sflag:$0x1] =	stream.indirect_vreg.gather [hbm4b:s11+s3], $0x80, v2, vm0, $0xb8;
	[tilespmem:$0x19000] =	vst v63  }
0x355: {  	s20 =	simm.s32 $0x5000  }
0x356: {  	[tilespmem:s20], [sflag:$0x1] =	stream.indirect_vreg.gather [hbm4b:s12+s3], $0x80, v2, vm0, $0xb8;
	[tilespmem:$0x19000] =	vst v63  }
0x357: {  	s28 =	simm.s32 $0x5800  }
0x358: {  	[tilespmem:s28], [sflag:$0x1] =	stream.indirect_vreg.gather [hbm4b:s13+s3], $0x80, v2, vm0, $0xb8;
	[tilespmem:$0x19000] =	vst v63  }
0x359: {  	s20 =	simm.s32 $0x6000  }
0x35a: {  	[tilespmem:s20], [sflag:$0x1] =	stream.indirect_vreg.gather [hbm4b:s14+s3], $0x80, v2, vm0, $0xb8;
	[tilespmem:$0x19000] =	vst v63  }
0x35b: {  	s28 =	simm.s32 $0x6800  }
0x35c: {  	[tilespmem:s28], [sflag:$0x1] =	stream.indirect_vreg.gather [hbm4b:s15+s3], $0x80, v2, vm0, $0xb8;
	[tilespmem:$0x19000] =	vst v63  }
0x35d: {  	s20 =	simm.s32 $0x7000  }
0x35e: {  	[tilespmem:s20], [sflag:$0x1] =	stream.indirect_vreg.gather [hbm4b:s16+s3], $0x80, v2, vm0, $0xb8;
	[tilespmem:$0x19000] =	vst v63  }
0x35f: {  	s28 =	simm.s32 $0x7800  }
0x360: {  	[tilespmem:s28], [sflag:$0x1] =	stream.indirect_vreg.gather [hbm4b:s17+s3], $0x80, v2, vm0, $0xb8;
	[tilespmem:$0x19000] =	vst v63  }
0x361: {  	s20 =	simm.s32 $0x8000  }
0x362: {  	[tilespmem:s20], [sflag:$0x1] =	stream.indirect_vreg.gather [hbm4b:s18+s3], $0x80, v2, vm0, $0xb8;
	[tilespmem:$0x19000] =	vst v63  }
0x363: {  	s28 =	simm.s32 $0x8800  }
0x364: {  	[tilespmem:s28], [sflag:$0x1] =	stream.indirect_vreg.gather [hbm4b:s19+s3], $0x80, v2, vm0, $0xb8;
	[tilespmem:$0x19000] =	vst v63  }
0x365: {  	_ =	swait.ge [sflag:s23], $0x8000  }
0x366: {  	[sflag:s23] =	ssyncset.done $0x0  }
0x367: {  	s20 =	simm.s32 $0x9000;
	s1 =	rddreg [dreg:$0x14];
	[sflag:s23] =	ssyncadd.s32 $0xFFFF8000  }
0x368: {  	[hbm4b:s1+s3] =	stream.linear.scatter [tilespmem:s20], [sflag:$0x5], $0x8000, $0x38;
	[tilespmem:$0x19000] =	vst v63  }
0x369: {  	_ =	swait.ge [sflag:s0], $0x8000  }
0x36a: {  	[sflag:s0] =	ssyncset.done $0x0  }
0x36b: {  	[sflag:s0] =	ssyncadd.s32 $0xFFFF8000  }
0x36c: {  	v2 =	vld.msk [tilespmem:$0x980], $0xff;
	_ =	sdelay $0x4  }
0x36d: {  	v3 =	vshll.u32 v2, $0x5  }
0x36e: {  	v2 =	vand.u32 $0x7, v2;
	v3 =	vand.u32 $0xFFFFFF00, v3  }
0x36f: {  	v2 =	vor.u32 v2, v3  }
0x370: {  	v2 =	vperm.xlane v2, v0;
	_ =	sdelay $0x1  }
0x371: {  	v2 =	vadd.s32 v1, v2;
	_ =	sdelay $0x4  }
0x372: {  	[tilespmem:s20], [sflag:$0x2] =	stream.indirect_vreg.gather [hbm4b:s26+s3], $0x80, v2, vm0, $0xb8;
	[tilespmem:$0x19000] =	vst v63  }
0x373: {  	s1 =	simm.s32 $0x9800  }
0x374: {  	[tilespmem:s1], [sflag:$0x2] =	stream.indirect_vreg.gather [hbm4b:s5+s3], $0x80, v2, vm0, $0xb8;
	[tilespmem:$0x19000] =	vst v63  }
0x375: {  	s28 =	simm.s32 $0xA000  }
0x376: {  	[tilespmem:s28], [sflag:$0x2] =	stream.indirect_vreg.gather [hbm4b:s6+s3], $0x80, v2, vm0, $0xb8;
	[tilespmem:$0x19000] =	vst v63  }
0x377: {  	s28 =	simm.s32 $0xA800  }
0x378: {  	[tilespmem:s28], [sflag:$0x2] =	stream.indirect_vreg.gather [hbm4b:s7+s3], $0x80, v2, vm0, $0xb8;
	[tilespmem:$0x19000] =	vst v63  }
0x379: {  	s28 =	simm.s32 $0xB000  }
0x37a: {  	[tilespmem:s28], [sflag:$0x2] =	stream.indirect_vreg.gather [hbm4b:s8+s3], $0x80, v2, vm0, $0xb8;
	[tilespmem:$0x19000] =	vst v63  }
0x37b: {  	s28 =	simm.s32 $0xB800  }
0x37c: {  	[tilespmem:s28], [sflag:$0x2] =	stream.indirect_vreg.gather [hbm4b:s9+s3], $0x80, v2, vm0, $0xb8;
	[tilespmem:$0x19000] =	vst v63  }
0x37d: {  	s28 =	simm.s32 $0xC000  }
0x37e: {  	[tilespmem:s28], [sflag:$0x2] =	stream.indirect_vreg.gather [hbm4b:s10+s3], $0x80, v2, vm0, $0xb8;
	[tilespmem:$0x19000] =	vst v63  }
0x37f: {  	s28 =	simm.s32 $0xC800  }
0x380: {  	[tilespmem:s28], [sflag:$0x2] =	stream.indirect_vreg.gather [hbm4b:s11+s3], $0x80, v2, vm0, $0xb8;
	[tilespmem:$0x19000] =	vst v63  }
0x381: {  	s28 =	simm.s32 $0xD000  }
0x382: {  	[tilespmem:s28], [sflag:$0x2] =	stream.indirect_vreg.gather [hbm4b:s12+s3], $0x80, v2, vm0, $0xb8;
	[tilespmem:$0x19000] =	vst v63  }
0x383: {  	s28 =	simm.s32 $0xD800  }
0x384: {  	[tilespmem:s28], [sflag:$0x2] =	stream.indirect_vreg.gather [hbm4b:s13+s3], $0x80, v2, vm0, $0xb8;
	[tilespmem:$0x19000] =	vst v63  }
0x385: {  	s28 =	simm.s32 $0xE000  }
0x386: {  	[tilespmem:s28], [sflag:$0x2] =	stream.indirect_vreg.gather [hbm4b:s14+s3], $0x80, v2, vm0, $0xb8;
	[tilespmem:$0x19000] =	vst v63  }
0x387: {  	s28 =	simm.s32 $0xE800  }
0x388: {  	[tilespmem:s28], [sflag:$0x2] =	stream.indirect_vreg.gather [hbm4b:s15+s3], $0x80, v2, vm0, $0xb8;
	[tilespmem:$0x19000] =	vst v63  }
0x389: {  	s28 =	simm.s32 $0xF000  }
0x38a: {  	[tilespmem:s28], [sflag:$0x2] =	stream.indirect_vreg.gather [hbm4b:s16+s3], $0x80, v2, vm0, $0xb8;
	[tilespmem:$0x19000] =	vst v63  }
0x38b: {  	s28 =	simm.s32 $0xF800  }
0x38c: {  	[tilespmem:s28], [sflag:$0x2] =	stream.indirect_vreg.gather [hbm4b:s17+s3], $0x80, v2, vm0, $0xb8;
	[tilespmem:$0x19000] =	vst v63  }
0x38d: {  	s28 =	simm.s32 $0x10000  }
0x38e: {  	[tilespmem:s28], [sflag:$0x2] =	stream.indirect_vreg.gather [hbm4b:s18+s3], $0x80, v2, vm0, $0xb8;
	[tilespmem:$0x19000] =	vst v63  }
0x38f: {  	s28 =	simm.s32 $0x10800  }
0x390: {  	[tilespmem:s28], [sflag:$0x2] =	stream.indirect_vreg.gather [hbm4b:s19+s3], $0x80, v2, vm0, $0xb8;
	[tilespmem:$0x19000] =	vst v63  }
0x391: {  	_ =	swait.ge [sflag:s25], $0x8000  }
0x392: {  	[sflag:s25] =	ssyncset.done $0x0  }
0x393: {  	s20 =	simm.s32 $0x11000;
	s28 =	rddreg [dreg:$0x15];
	[sflag:s25] =	ssyncadd.s32 $0xFFFF8000  }
0x394: {  	[hbm4b:s28+s3] =	stream.linear.scatter [tilespmem:s20], [sflag:$0x6], $0x8000, $0x38;
	[tilespmem:$0x19000] =	vst v63  }
0x395: {  	_ =	swait.ge [sflag:s24], $0x8000  }
0x396: {  	[sflag:s24] =	ssyncset.done $0x0  }
0x397: {  	[sflag:s24] =	ssyncadd.s32 $0xFFFF8000  }
0x398: {  	v2 =	vld.msk [tilespmem:$0xA00], $0xff;
	_ =	sdelay $0x4  }
0x399: {  	v3 =	vshll.u32 v2, $0x5  }
0x39a: {  	v2 =	vand.u32 $0x7, v2;
	v3 =	vand.u32 $0xFFFFFF00, v3  }
0x39b: {  	v2 =	vor.u32 v2, v3  }
0x39c: {  	v2 =	vperm.xlane v2, v0;
	_ =	sdelay $0x1  }
0x39d: {  	v2 =	vadd.s32 v1, v2;
	_ =	sdelay $0x4  }
0x39e: {  	[tilespmem:s20], [sflag:$0x3] =	stream.indirect_vreg.gather [hbm4b:s26+s3], $0x80, v2, vm0, $0xb8;
	[tilespmem:$0x19000] =	vst v63  }
0x39f: {  	s28 =	simm.s32 $0x11800  }
0x3a0: {  	[tilespmem:s28], [sflag:$0x3] =	stream.indirect_vreg.gather [hbm4b:s5+s3], $0x80, v2, vm0, $0xb8;
	[tilespmem:$0x19000] =	vst v63  }
0x3a1: {  	_ = 	snop  }
0x3a2: {  	[tilespmem:s22], [sflag:$0x3] =	stream.indirect_vreg.gather [hbm4b:s6+s3], $0x80, v2, vm0, $0xb8;
	[tilespmem:$0x19000] =	vst v63  }
0x3a3: {  	_ = 	snop  }
0x3a4: {  	[tilespmem:s29], [sflag:$0x3] =	stream.indirect_vreg.gather [hbm4b:s7+s3], $0x80, v2, vm0, $0xb8;
	[tilespmem:$0x19000] =	vst v63  }
0x3a5: {  	s29 =	simm.s32 $0x13000  }
0x3a6: {  	[tilespmem:s29], [sflag:$0x3] =	stream.indirect_vreg.gather [hbm4b:s8+s3], $0x80, v2, vm0, $0xb8;
	[tilespmem:$0x19000] =	vst v63  }
0x3a7: {  	_ = 	snop  }
0x3a8: {  	[tilespmem:s30], [sflag:$0x3] =	stream.indirect_vreg.gather [hbm4b:s9+s3], $0x80, v2, vm0, $0xb8;
	[tilespmem:$0x19000] =	vst v63  }
0x3a9: {  	s22 =	simm.s32 $0x14000  }
0x3aa: {  	[tilespmem:s22], [sflag:$0x3] =	stream.indirect_vreg.gather [hbm4b:s10+s3], $0x80, v2, vm0, $0xb8;
	[tilespmem:$0x19000] =	vst v63  }
0x3ab: {  	s28 =	simm.s32 $0x14800  }
0x3ac: {  	[tilespmem:s28], [sflag:$0x3] =	stream.indirect_vreg.gather [hbm4b:s11+s3], $0x80, v2, vm0, $0xb8;
	[tilespmem:$0x19000] =	vst v63  }
0x3ad: {  	s29 =	simm.s32 $0x15000  }
0x3ae: {  	[tilespmem:s29], [sflag:$0x3] =	stream.indirect_vreg.gather [hbm4b:s12+s3], $0x80, v2, vm0, $0xb8;
	[tilespmem:$0x19000] =	vst v63  }
0x3af: {  	s30 =	simm.s32 $0x15800  }
0x3b0: {  	[tilespmem:s30], [sflag:$0x3] =	stream.indirect_vreg.gather [hbm4b:s13+s3], $0x80, v2, vm0, $0xb8;
	[tilespmem:$0x19000] =	vst v63  }
0x3b1: {  	s22 =	simm.s32 $0x16000  }
0x3b2: {  	[tilespmem:s22], [sflag:$0x3] =	stream.indirect_vreg.gather [hbm4b:s14+s3], $0x80, v2, vm0, $0xb8;
	[tilespmem:$0x19000] =	vst v63  }
0x3b3: {  	s28 =	simm.s32 $0x16800  }
0x3b4: {  	[tilespmem:s28], [sflag:$0x3] =	stream.indirect_vreg.gather [hbm4b:s15+s3], $0x80, v2, vm0, $0xb8;
	[tilespmem:$0x19000] =	vst v63  }
0x3b5: {  	s29 =	simm.s32 $0x17000  }
0x3b6: {  	[tilespmem:s29], [sflag:$0x3] =	stream.indirect_vreg.gather [hbm4b:s16+s3], $0x80, v2, vm0, $0xb8;
	[tilespmem:$0x19000] =	vst v63  }
0x3b7: {  	s30 =	simm.s32 $0x17800  }
0x3b8: {  	[tilespmem:s30], [sflag:$0x3] =	stream.indirect_vreg.gather [hbm4b:s17+s3], $0x80, v2, vm0, $0xb8;
	[tilespmem:$0x19000] =	vst v63  }
0x3b9: {  	s22 =	simm.s32 $0x18000  }
0x3ba: {  	[tilespmem:s22], [sflag:$0x3] =	stream.indirect_vreg.gather [hbm4b:s18+s3], $0x80, v2, vm0, $0xb8;
	[tilespmem:$0x19000] =	vst v63  }
0x3bb: {  	s28 =	simm.s32 $0x18800  }
0x3bc: {  	[tilespmem:s28], [sflag:$0x3] =	stream.indirect_vreg.gather [hbm4b:s19+s3], $0x80, v2, vm0, $0xb8;
	[tilespmem:$0x19000] =	vst v63  }
0x3bd: {  	_ =	swait.ge [sflag:s21], $0x8000  }
0x3be: {  	[sflag:s21] =	ssyncset.done $0x0  }
0x3bf: {  	s30 =	simm.s32 $0x1000;
	s29 =	rddreg [dreg:$0x16];
	[sflag:s21] =	ssyncadd.s32 $0xFFFF8000  }
0x3c0: {  	[hbm4b:s29+s3] =	stream.linear.scatter [tilespmem:s30], [sflag:$0x4], $0x8000, $0x38;
	[tilespmem:$0x19000] =	vst v63  }
0x3c1: {  	_ =	swait.ge [sflag:s4], $0x8000  }
0x3c2: {  	[sflag:s4] =	ssyncset.done $0x0  }
0x3c3: {  	[sflag:s4] =	ssyncadd.s32 $0xFFFF8000  }
0x3c4: {  	v2 =	vld.msk [tilespmem:$0xA80], $0xff;
	_ =	sdelay $0x4  }
0x3c5: {  	v3 =	vshll.u32 v2, $0x5  }
0x3c6: {  	v2 =	vand.u32 $0x7, v2;
	v3 =	vand.u32 $0xFFFFFF00, v3  }
0x3c7: {  	v2 =	vor.u32 v2, v3  }
0x3c8: {  	v2 =	vperm.xlane v2, v0;
	_ =	sdelay $0x1  }
0x3c9: {  	v2 =	vadd.s32 v1, v2;
	_ =	sdelay $0x4  }
0x3ca: {  	[tilespmem:s30], [sflag:$0x1] =	stream.indirect_vreg.gather [hbm4b:s26+s3], $0x80, v2, vm0, $0xb8;
	[tilespmem:$0x19000] =	vst v63  }
0x3cb: {  	_ = 	snop  }
0x3cc: {  	[tilespmem:s2], [sflag:$0x1] =	stream.indirect_vreg.gather [hbm4b:s5+s3], $0x80, v2, vm0, $0xb8;
	[tilespmem:$0x19000] =	vst v63  }
0x3cd: {  	_ = 	snop  }
0x3ce: {  	[tilespmem:s31], [sflag:$0x1] =	stream.indirect_vreg.gather [hbm4b:s6+s3], $0x80, v2, vm0, $0xb8;
	[tilespmem:$0x19000] =	vst v63  }
0x3cf: {  	s31 =	simm.s32 $0x2800  }
0x3d0: {  	[tilespmem:s31], [sflag:$0x1] =	stream.indirect_vreg.gather [hbm4b:s7+s3], $0x80, v2, vm0, $0xb8;
	[tilespmem:$0x19000] =	vst v63  }
0x3d1: {  	s22 =	simm.s32 $0x3000  }
0x3d2: {  	[tilespmem:s22], [sflag:$0x1] =	stream.indirect_vreg.gather [hbm4b:s8+s3], $0x80, v2, vm0, $0xb8;
	[tilespmem:$0x19000] =	vst v63  }
0x3d3: {  	s28 =	simm.s32 $0x3800  }
0x3d4: {  	[tilespmem:s28], [sflag:$0x1] =	stream.indirect_vreg.gather [hbm4b:s9+s3], $0x80, v2, vm0, $0xb8;
	[tilespmem:$0x19000] =	vst v63  }
0x3d5: {  	s29 =	simm.s32 $0x4000  }
0x3d6: {  	[tilespmem:s29], [sflag:$0x1] =	stream.indirect_vreg.gather [hbm4b:s10+s3], $0x80, v2, vm0, $0xb8;
	[tilespmem:$0x19000] =	vst v63  }
0x3d7: {  	s30 =	simm.s32 $0x4800  }
0x3d8: {  	[tilespmem:s30], [sflag:$0x1] =	stream.indirect_vreg.gather [hbm4b:s11+s3], $0x80, v2, vm0, $0xb8;
	[tilespmem:$0x19000] =	vst v63  }
0x3d9: {  	s22 =	simm.s32 $0x5000  }
0x3da: {  	[tilespmem:s22], [sflag:$0x1] =	stream.indirect_vreg.gather [hbm4b:s12+s3], $0x80, v2, vm0, $0xb8;
	[tilespmem:$0x19000] =	vst v63  }
0x3db: {  	s20 =	simm.s32 $0x5800  }
0x3dc: {  	[tilespmem:s20], [sflag:$0x1] =	stream.indirect_vreg.gather [hbm4b:s13+s3], $0x80, v2, vm0, $0xb8;
	[tilespmem:$0x19000] =	vst v63  }
0x3dd: {  	s28 =	simm.s32 $0x6000  }
0x3de: {  	[tilespmem:s28], [sflag:$0x1] =	stream.indirect_vreg.gather [hbm4b:s14+s3], $0x80, v2, vm0, $0xb8;
	[tilespmem:$0x19000] =	vst v63  }
0x3df: {  	s29 =	simm.s32 $0x6800  }
0x3e0: {  	[tilespmem:s29], [sflag:$0x1] =	stream.indirect_vreg.gather [hbm4b:s15+s3], $0x80, v2, vm0, $0xb8;
	[tilespmem:$0x19000] =	vst v63  }
0x3e1: {  	s30 =	simm.s32 $0x7000  }
0x3e2: {  	[tilespmem:s30], [sflag:$0x1] =	stream.indirect_vreg.gather [hbm4b:s16+s3], $0x80, v2, vm0, $0xb8;
	[tilespmem:$0x19000] =	vst v63  }
0x3e3: {  	s20 =	simm.s32 $0x7800  }
0x3e4: {  	[tilespmem:s20], [sflag:$0x1] =	stream.indirect_vreg.gather [hbm4b:s17+s3], $0x80, v2, vm0, $0xb8;
	[tilespmem:$0x19000] =	vst v63  }
0x3e5: {  	s28 =	simm.s32 $0x8000  }
0x3e6: {  	[tilespmem:s28], [sflag:$0x1] =	stream.indirect_vreg.gather [hbm4b:s18+s3], $0x80, v2, vm0, $0xb8;
	[tilespmem:$0x19000] =	vst v63  }
0x3e7: {  	s29 =	simm.s32 $0x8800  }
0x3e8: {  	[tilespmem:s29], [sflag:$0x1] =	stream.indirect_vreg.gather [hbm4b:s19+s3], $0x80, v2, vm0, $0xb8;
	[tilespmem:$0x19000] =	vst v63  }
0x3e9: {  	_ =	swait.ge [sflag:s23], $0x8000  }
0x3ea: {  	[sflag:s23] =	ssyncset.done $0x0  }
0x3eb: {  	s2 =	simm.s32 $0x9000;
	s30 =	rddreg [dreg:$0x17];
	[sflag:s23] =	ssyncadd.s32 $0xFFFF8000  }
0x3ec: {  	[hbm4b:s30+s3] =	stream.linear.scatter [tilespmem:s2], [sflag:$0x5], $0x8000, $0x38;
	[tilespmem:$0x19000] =	vst v63  }
0x3ed: {  	_ =	swait.ge [sflag:s0], $0x8000  }
0x3ee: {  	[sflag:s0] =	ssyncset.done $0x0  }
0x3ef: {  	[sflag:s0] =	ssyncadd.s32 $0xFFFF8000  }
0x3f0: {  	v2 =	vld.msk [tilespmem:$0xB00], $0xff;
	_ =	sdelay $0x4  }
0x3f1: {  	v3 =	vshll.u32 v2, $0x5  }
0x3f2: {  	v2 =	vand.u32 $0x7, v2;
	v3 =	vand.u32 $0xFFFFFF00, v3  }
0x3f3: {  	v2 =	vor.u32 v2, v3  }
0x3f4: {  	v2 =	vperm.xlane v2, v0;
	_ =	sdelay $0x1  }
0x3f5: {  	v2 =	vadd.s32 v1, v2;
	_ =	sdelay $0x4  }
0x3f6: {  	[tilespmem:s2], [sflag:$0x2] =	stream.indirect_vreg.gather [hbm4b:s26+s3], $0x80, v2, vm0, $0xb8;
	[tilespmem:$0x19000] =	vst v63  }
0x3f7: {  	_ = 	snop  }
0x3f8: {  	[tilespmem:s1], [sflag:$0x2] =	stream.indirect_vreg.gather [hbm4b:s5+s3], $0x80, v2, vm0, $0xb8;
	[tilespmem:$0x19000] =	vst v63  }
0x3f9: {  	s20 =	simm.s32 $0xA000  }
0x3fa: {  	[tilespmem:s20], [sflag:$0x2] =	stream.indirect_vreg.gather [hbm4b:s6+s3], $0x80, v2, vm0, $0xb8;
	[tilespmem:$0x19000] =	vst v63  }
0x3fb: {  	s28 =	simm.s32 $0xA800  }
0x3fc: {  	[tilespmem:s28], [sflag:$0x2] =	stream.indirect_vreg.gather [hbm4b:s7+s3], $0x80, v2, vm0, $0xb8;
	[tilespmem:$0x19000] =	vst v63  }
0x3fd: {  	s29 =	simm.s32 $0xB000  }
0x3fe: {  	[tilespmem:s29], [sflag:$0x2] =	stream.indirect_vreg.gather [hbm4b:s8+s3], $0x80, v2, vm0, $0xb8;
	[tilespmem:$0x19000] =	vst v63  }
0x3ff: {  	s30 =	simm.s32 $0xB800  }
0x400: {  	[tilespmem:s30], [sflag:$0x2] =	stream.indirect_vreg.gather [hbm4b:s9+s3], $0x80, v2, vm0, $0xb8;
	[tilespmem:$0x19000] =	vst v63  }
0x401: {  	s2 =	simm.s32 $0xC000  }
0x402: {  	[tilespmem:s2], [sflag:$0x2] =	stream.indirect_vreg.gather [hbm4b:s10+s3], $0x80, v2, vm0, $0xb8;
	[tilespmem:$0x19000] =	vst v63  }
0x403: {  	s20 =	simm.s32 $0xC800  }
0x404: {  	[tilespmem:s20], [sflag:$0x2] =	stream.indirect_vreg.gather [hbm4b:s11+s3], $0x80, v2, vm0, $0xb8;
	[tilespmem:$0x19000] =	vst v63  }
0x405: {  	s28 =	simm.s32 $0xD000  }
0x406: {  	[tilespmem:s28], [sflag:$0x2] =	stream.indirect_vreg.gather [hbm4b:s12+s3], $0x80, v2, vm0, $0xb8;
	[tilespmem:$0x19000] =	vst v63  }
0x407: {  	s29 =	simm.s32 $0xD800  }
0x408: {  	[tilespmem:s29], [sflag:$0x2] =	stream.indirect_vreg.gather [hbm4b:s13+s3], $0x80, v2, vm0, $0xb8;
	[tilespmem:$0x19000] =	vst v63  }
0x409: {  	s30 =	simm.s32 $0xE000  }
0x40a: {  	[tilespmem:s30], [sflag:$0x2] =	stream.indirect_vreg.gather [hbm4b:s14+s3], $0x80, v2, vm0, $0xb8;
	[tilespmem:$0x19000] =	vst v63  }
0x40b: {  	s2 =	simm.s32 $0xE800  }
0x40c: {  	[tilespmem:s2], [sflag:$0x2] =	stream.indirect_vreg.gather [hbm4b:s15+s3], $0x80, v2, vm0, $0xb8;
	[tilespmem:$0x19000] =	vst v63  }
0x40d: {  	s20 =	simm.s32 $0xF000  }
0x40e: {  	[tilespmem:s20], [sflag:$0x2] =	stream.indirect_vreg.gather [hbm4b:s16+s3], $0x80, v2, vm0, $0xb8;
	[tilespmem:$0x19000] =	vst v63  }
0x40f: {  	s28 =	simm.s32 $0xF800  }
0x410: {  	[tilespmem:s28], [sflag:$0x2] =	stream.indirect_vreg.gather [hbm4b:s17+s3], $0x80, v2, vm0, $0xb8;
	[tilespmem:$0x19000] =	vst v63  }
0x411: {  	s29 =	simm.s32 $0x10000  }
0x412: {  	[tilespmem:s29], [sflag:$0x2] =	stream.indirect_vreg.gather [hbm4b:s18+s3], $0x80, v2, vm0, $0xb8;
	[tilespmem:$0x19000] =	vst v63  }
0x413: {  	s30 =	simm.s32 $0x10800  }
0x414: {  	[tilespmem:s30], [sflag:$0x2] =	stream.indirect_vreg.gather [hbm4b:s19+s3], $0x80, v2, vm0, $0xb8;
	[tilespmem:$0x19000] =	vst v63  }
0x415: {  	_ =	swait.ge [sflag:s25], $0x8000  }
0x416: {  	[sflag:s25] =	ssyncset.done $0x0  }
0x417: {  	s20 =	simm.s32 $0x11000;
	s2 =	rddreg [dreg:$0x18];
	[sflag:s25] =	ssyncadd.s32 $0xFFFF8000  }
0x418: {  	[hbm4b:s2+s3] =	stream.linear.scatter [tilespmem:s20], [sflag:$0x6], $0x8000, $0x38;
	[tilespmem:$0x19000] =	vst v63  }
0x419: {  	_ =	swait.ge [sflag:s24], $0x8000  }
0x41a: {  	[sflag:s24] =	ssyncset.done $0x0  }
0x41b: {  	[sflag:s24] =	ssyncadd.s32 $0xFFFF8000  }
0x41c: {  	v2 =	vld.msk [tilespmem:$0xB80], $0xff;
	_ =	sdelay $0x4  }
0x41d: {  	v3 =	vshll.u32 v2, $0x5  }
0x41e: {  	v2 =	vand.u32 $0x7, v2;
	v3 =	vand.u32 $0xFFFFFF00, v3  }
0x41f: {  	v2 =	vor.u32 v2, v3  }
0x420: {  	v2 =	vperm.xlane v2, v0;
	_ =	sdelay $0x1  }
0x421: {  	v2 =	vadd.s32 v1, v2;
	_ =	sdelay $0x4  }
0x422: {  	[tilespmem:s20], [sflag:$0x3] =	stream.indirect_vreg.gather [hbm4b:s26+s3], $0x80, v2, vm0, $0xb8;
	[tilespmem:$0x19000] =	vst v63  }
0x423: {  	s30 =	simm.s32 $0x11800  }
0x424: {  	[tilespmem:s30], [sflag:$0x3] =	stream.indirect_vreg.gather [hbm4b:s5+s3], $0x80, v2, vm0, $0xb8;
	[tilespmem:$0x19000] =	vst v63  }
0x425: {  	s28 =	simm.s32 $0x12000  }
0x426: {  	[tilespmem:s28], [sflag:$0x3] =	stream.indirect_vreg.gather [hbm4b:s6+s3], $0x80, v2, vm0, $0xb8;
	[tilespmem:$0x19000] =	vst v63  }
0x427: {  	s29 =	simm.s32 $0x12800  }
0x428: {  	[tilespmem:s29], [sflag:$0x3] =	stream.indirect_vreg.gather [hbm4b:s7+s3], $0x80, v2, vm0, $0xb8;
	[tilespmem:$0x19000] =	vst v63  }
0x429: {  	s20 =	simm.s32 $0x13000  }
0x42a: {  	[tilespmem:s20], [sflag:$0x3] =	stream.indirect_vreg.gather [hbm4b:s8+s3], $0x80, v2, vm0, $0xb8;
	[tilespmem:$0x19000] =	vst v63  }
0x42b: {  	s28 =	simm.s32 $0x13800  }
0x42c: {  	[tilespmem:s28], [sflag:$0x3] =	stream.indirect_vreg.gather [hbm4b:s9+s3], $0x80, v2, vm0, $0xb8;
	[tilespmem:$0x19000] =	vst v63  }
0x42d: {  	s29 =	simm.s32 $0x14000  }
0x42e: {  	[tilespmem:s29], [sflag:$0x3] =	stream.indirect_vreg.gather [hbm4b:s10+s3], $0x80, v2, vm0, $0xb8;
	[tilespmem:$0x19000] =	vst v63  }
0x42f: {  	s20 =	simm.s32 $0x14800  }
0x430: {  	[tilespmem:s20], [sflag:$0x3] =	stream.indirect_vreg.gather [hbm4b:s11+s3], $0x80, v2, vm0, $0xb8;
	[tilespmem:$0x19000] =	vst v63  }
0x431: {  	s28 =	simm.s32 $0x15000  }
0x432: {  	[tilespmem:s28], [sflag:$0x3] =	stream.indirect_vreg.gather [hbm4b:s12+s3], $0x80, v2, vm0, $0xb8;
	[tilespmem:$0x19000] =	vst v63  }
0x433: {  	s29 =	simm.s32 $0x15800  }
0x434: {  	[tilespmem:s29], [sflag:$0x3] =	stream.indirect_vreg.gather [hbm4b:s13+s3], $0x80, v2, vm0, $0xb8;
	[tilespmem:$0x19000] =	vst v63  }
0x435: {  	s20 =	simm.s32 $0x16000  }
0x436: {  	[tilespmem:s20], [sflag:$0x3] =	stream.indirect_vreg.gather [hbm4b:s14+s3], $0x80, v2, vm0, $0xb8;
	[tilespmem:$0x19000] =	vst v63  }
0x437: {  	s28 =	simm.s32 $0x16800  }
0x438: {  	[tilespmem:s28], [sflag:$0x3] =	stream.indirect_vreg.gather [hbm4b:s15+s3], $0x80, v2, vm0, $0xb8;
	[tilespmem:$0x19000] =	vst v63  }
0x439: {  	s29 =	simm.s32 $0x17000  }
0x43a: {  	[tilespmem:s29], [sflag:$0x3] =	stream.indirect_vreg.gather [hbm4b:s16+s3], $0x80, v2, vm0, $0xb8;
	[tilespmem:$0x19000] =	vst v63  }
0x43b: {  	s20 =	simm.s32 $0x17800  }
0x43c: {  	[tilespmem:s20], [sflag:$0x3] =	stream.indirect_vreg.gather [hbm4b:s17+s3], $0x80, v2, vm0, $0xb8;
	[tilespmem:$0x19000] =	vst v63  }
0x43d: {  	s28 =	simm.s32 $0x18000  }
0x43e: {  	[tilespmem:s28], [sflag:$0x3] =	stream.indirect_vreg.gather [hbm4b:s18+s3], $0x80, v2, vm0, $0xb8;
	[tilespmem:$0x19000] =	vst v63  }
0x43f: {  	s29 =	simm.s32 $0x18800  }
0x440: {  	[tilespmem:s29], [sflag:$0x3] =	stream.indirect_vreg.gather [hbm4b:s19+s3], $0x80, v2, vm0, $0xb8;
	[tilespmem:$0x19000] =	vst v63  }
0x441: {  	_ =	swait.ge [sflag:s21], $0x8000  }
0x442: {  	[sflag:s21] =	ssyncset.done $0x0  }
0x443: {  	s20 =	simm.s32 $0x1000;
	s1 =	rddreg [dreg:$0x19];
	[sflag:s21] =	ssyncadd.s32 $0xFFFF8000  }
0x444: {  	[hbm4b:s1+s3] =	stream.linear.scatter [tilespmem:s20], [sflag:$0x4], $0x8000, $0x38;
	[tilespmem:$0x19000] =	vst v63  }
0x445: {  	_ =	swait.ge [sflag:s4], $0x8000  }
0x446: {  	[sflag:s4] =	ssyncset.done $0x0  }
0x447: {  	[sflag:s4] =	ssyncadd.s32 $0xFFFF8000  }
0x448: {  	v2 =	vld.msk [tilespmem:$0xC00], $0xff;
	_ =	sdelay $0x4  }
0x449: {  	v3 =	vshll.u32 v2, $0x5  }
0x44a: {  	v2 =	vand.u32 $0x7, v2;
	v3 =	vand.u32 $0xFFFFFF00, v3  }
0x44b: {  	v2 =	vor.u32 v2, v3  }
0x44c: {  	v2 =	vperm.xlane v2, v0;
	_ =	sdelay $0x1  }
0x44d: {  	v2 =	vadd.s32 v1, v2;
	_ =	sdelay $0x4  }
0x44e: {  	[tilespmem:s20], [sflag:$0x1] =	stream.indirect_vreg.gather [hbm4b:s26+s3], $0x80, v2, vm0, $0xb8;
	[tilespmem:$0x19000] =	vst v63  }
0x44f: {  	s20 =	simm.s32 $0x1800  }
0x450: {  	[tilespmem:s20], [sflag:$0x1] =	stream.indirect_vreg.gather [hbm4b:s5+s3], $0x80, v2, vm0, $0xb8;
	[tilespmem:$0x19000] =	vst v63  }
0x451: {  	s29 =	simm.s32 $0x2000  }
0x452: {  	[tilespmem:s29], [sflag:$0x1] =	stream.indirect_vreg.gather [hbm4b:s6+s3], $0x80, v2, vm0, $0xb8;
	[tilespmem:$0x19000] =	vst v63  }
0x453: {  	_ = 	snop  }
0x454: {  	[tilespmem:s31], [sflag:$0x1] =	stream.indirect_vreg.gather [hbm4b:s7+s3], $0x80, v2, vm0, $0xb8;
	[tilespmem:$0x19000] =	vst v63  }
0x455: {  	s28 =	simm.s32 $0x3000  }
0x456: {  	[tilespmem:s28], [sflag:$0x1] =	stream.indirect_vreg.gather [hbm4b:s8+s3], $0x80, v2, vm0, $0xb8;
	[tilespmem:$0x19000] =	vst v63  }
0x457: {  	s1 =	simm.s32 $0x3800  }
0x458: {  	[tilespmem:s1], [sflag:$0x1] =	stream.indirect_vreg.gather [hbm4b:s9+s3], $0x80, v2, vm0, $0xb8;
	[tilespmem:$0x19000] =	vst v63  }
0x459: {  	s31 =	simm.s32 $0x4000  }
0x45a: {  	[tilespmem:s31], [sflag:$0x1] =	stream.indirect_vreg.gather [hbm4b:s10+s3], $0x80, v2, vm0, $0xb8;
	[tilespmem:$0x19000] =	vst v63  }
0x45b: {  	s29 =	simm.s32 $0x4800  }
0x45c: {  	[tilespmem:s29], [sflag:$0x1] =	stream.indirect_vreg.gather [hbm4b:s11+s3], $0x80, v2, vm0, $0xb8;
	[tilespmem:$0x19000] =	vst v63  }
0x45d: {  	_ = 	snop  }
0x45e: {  	[tilespmem:s22], [sflag:$0x1] =	stream.indirect_vreg.gather [hbm4b:s12+s3], $0x80, v2, vm0, $0xb8;
	[tilespmem:$0x19000] =	vst v63  }
0x45f: {  	s29 =	simm.s32 $0x5800  }
0x460: {  	[tilespmem:s29], [sflag:$0x1] =	stream.indirect_vreg.gather [hbm4b:s13+s3], $0x80, v2, vm0, $0xb8;
	[tilespmem:$0x19000] =	vst v63  }
0x461: {  	s28 =	simm.s32 $0x6000  }
0x462: {  	[tilespmem:s28], [sflag:$0x1] =	stream.indirect_vreg.gather [hbm4b:s14+s3], $0x80, v2, vm0, $0xb8;
	[tilespmem:$0x19000] =	vst v63  }
0x463: {  	s29 =	simm.s32 $0x6800  }
0x464: {  	[tilespmem:s29], [sflag:$0x1] =	stream.indirect_vreg.gather [hbm4b:s15+s3], $0x80, v2, vm0, $0xb8;
	[tilespmem:$0x19000] =	vst v63  }
0x465: {  	s29 =	simm.s32 $0x7000  }
0x466: {  	[tilespmem:s29], [sflag:$0x1] =	stream.indirect_vreg.gather [hbm4b:s16+s3], $0x80, v2, vm0, $0xb8;
	[tilespmem:$0x19000] =	vst v63  }
0x467: {  	s28 =	simm.s32 $0x7800  }
0x468: {  	[tilespmem:s28], [sflag:$0x1] =	stream.indirect_vreg.gather [hbm4b:s17+s3], $0x80, v2, vm0, $0xb8;
	[tilespmem:$0x19000] =	vst v63  }
0x469: {  	s28 =	simm.s32 $0x8000  }
0x46a: {  	[tilespmem:s28], [sflag:$0x1] =	stream.indirect_vreg.gather [hbm4b:s18+s3], $0x80, v2, vm0, $0xb8;
	[tilespmem:$0x19000] =	vst v63  }
0x46b: {  	s28 =	simm.s32 $0x8800  }
0x46c: {  	[tilespmem:s28], [sflag:$0x1] =	stream.indirect_vreg.gather [hbm4b:s19+s3], $0x80, v2, vm0, $0xb8;
	[tilespmem:$0x19000] =	vst v63  }
0x46d: {  	_ =	swait.ge [sflag:s23], $0x8000  }
0x46e: {  	[sflag:s23] =	ssyncset.done $0x0  }
0x46f: {  	s22 =	simm.s32 $0x9000;
	s28 =	rddreg [dreg:$0x1a];
	[sflag:s23] =	ssyncadd.s32 $0xFFFF8000  }
0x470: {  	[hbm4b:s28+s3] =	stream.linear.scatter [tilespmem:s22], [sflag:$0x5], $0x8000, $0x38;
	[tilespmem:$0x19000] =	vst v63  }
0x471: {  	_ =	swait.ge [sflag:s0], $0x8000  }
0x472: {  	[sflag:s0] =	ssyncset.done $0x0  }
0x473: {  	[sflag:s0] =	ssyncadd.s32 $0xFFFF8000  }
0x474: {  	v2 =	vld.msk [tilespmem:$0xC80], $0xff;
	_ =	sdelay $0x4  }
0x475: {  	v3 =	vshll.u32 v2, $0x5  }
0x476: {  	v2 =	vand.u32 $0x7, v2;
	v3 =	vand.u32 $0xFFFFFF00, v3  }
0x477: {  	v2 =	vor.u32 v2, v3  }
0x478: {  	v2 =	vperm.xlane v2, v0;
	_ =	sdelay $0x1  }
0x479: {  	v2 =	vadd.s32 v1, v2;
	_ =	sdelay $0x4  }
0x47a: {  	[tilespmem:s22], [sflag:$0x2] =	stream.indirect_vreg.gather [hbm4b:s26+s3], $0x80, v2, vm0, $0xb8;
	[tilespmem:$0x19000] =	vst v63  }
0x47b: {  	s22 =	simm.s32 $0x9800  }
0x47c: {  	[tilespmem:s22], [sflag:$0x2] =	stream.indirect_vreg.gather [hbm4b:s5+s3], $0x80, v2, vm0, $0xb8;
	[tilespmem:$0x19000] =	vst v63  }
0x47d: {  	s28 =	simm.s32 $0xA000  }
0x47e: {  	[tilespmem:s28], [sflag:$0x2] =	stream.indirect_vreg.gather [hbm4b:s6+s3], $0x80, v2, vm0, $0xb8;
	[tilespmem:$0x19000] =	vst v63  }
0x47f: {  	s28 =	simm.s32 $0xA800  }
0x480: {  	[tilespmem:s28], [sflag:$0x2] =	stream.indirect_vreg.gather [hbm4b:s7+s3], $0x80, v2, vm0, $0xb8;
	[tilespmem:$0x19000] =	vst v63  }
0x481: {  	s28 =	simm.s32 $0xB000  }
0x482: {  	[tilespmem:s28], [sflag:$0x2] =	stream.indirect_vreg.gather [hbm4b:s8+s3], $0x80, v2, vm0, $0xb8;
	[tilespmem:$0x19000] =	vst v63  }
0x483: {  	s28 =	simm.s32 $0xB800  }
0x484: {  	[tilespmem:s28], [sflag:$0x2] =	stream.indirect_vreg.gather [hbm4b:s9+s3], $0x80, v2, vm0, $0xb8;
	[tilespmem:$0x19000] =	vst v63  }
0x485: {  	s28 =	simm.s32 $0xC000  }
0x486: {  	[tilespmem:s28], [sflag:$0x2] =	stream.indirect_vreg.gather [hbm4b:s10+s3], $0x80, v2, vm0, $0xb8;
	[tilespmem:$0x19000] =	vst v63  }
0x487: {  	s28 =	simm.s32 $0xC800  }
0x488: {  	[tilespmem:s28], [sflag:$0x2] =	stream.indirect_vreg.gather [hbm4b:s11+s3], $0x80, v2, vm0, $0xb8;
	[tilespmem:$0x19000] =	vst v63  }
0x489: {  	s28 =	simm.s32 $0xD000  }
0x48a: {  	[tilespmem:s28], [sflag:$0x2] =	stream.indirect_vreg.gather [hbm4b:s12+s3], $0x80, v2, vm0, $0xb8;
	[tilespmem:$0x19000] =	vst v63  }
0x48b: {  	s28 =	simm.s32 $0xD800  }
0x48c: {  	[tilespmem:s28], [sflag:$0x2] =	stream.indirect_vreg.gather [hbm4b:s13+s3], $0x80, v2, vm0, $0xb8;
	[tilespmem:$0x19000] =	vst v63  }
0x48d: {  	s28 =	simm.s32 $0xE000  }
0x48e: {  	[tilespmem:s28], [sflag:$0x2] =	stream.indirect_vreg.gather [hbm4b:s14+s3], $0x80, v2, vm0, $0xb8;
	[tilespmem:$0x19000] =	vst v63  }
0x48f: {  	s28 =	simm.s32 $0xE800  }
0x490: {  	[tilespmem:s28], [sflag:$0x2] =	stream.indirect_vreg.gather [hbm4b:s15+s3], $0x80, v2, vm0, $0xb8;
	[tilespmem:$0x19000] =	vst v63  }
0x491: {  	s28 =	simm.s32 $0xF000  }
0x492: {  	[tilespmem:s28], [sflag:$0x2] =	stream.indirect_vreg.gather [hbm4b:s16+s3], $0x80, v2, vm0, $0xb8;
	[tilespmem:$0x19000] =	vst v63  }
0x493: {  	s28 =	simm.s32 $0xF800  }
0x494: {  	[tilespmem:s28], [sflag:$0x2] =	stream.indirect_vreg.gather [hbm4b:s17+s3], $0x80, v2, vm0, $0xb8;
	[tilespmem:$0x19000] =	vst v63  }
0x495: {  	s28 =	simm.s32 $0x10000  }
0x496: {  	[tilespmem:s28], [sflag:$0x2] =	stream.indirect_vreg.gather [hbm4b:s18+s3], $0x80, v2, vm0, $0xb8;
	[tilespmem:$0x19000] =	vst v63  }
0x497: {  	s28 =	simm.s32 $0x10800  }
0x498: {  	[tilespmem:s28], [sflag:$0x2] =	stream.indirect_vreg.gather [hbm4b:s19+s3], $0x80, v2, vm0, $0xb8;
	[tilespmem:$0x19000] =	vst v63  }
0x499: {  	_ =	swait.ge [sflag:s25], $0x8000  }
0x49a: {  	[sflag:s25] =	ssyncset.done $0x0  }
0x49b: {  	s2 =	simm.s32 $0x11000;
	s28 =	rddreg [dreg:$0x1b];
	[sflag:s25] =	ssyncadd.s32 $0xFFFF8000  }
0x49c: {  	[hbm4b:s28+s3] =	stream.linear.scatter [tilespmem:s2], [sflag:$0x6], $0x8000, $0x38;
	[tilespmem:$0x19000] =	vst v63  }
0x49d: {  	_ =	swait.ge [sflag:s24], $0x8000  }
0x49e: {  	[sflag:s24] =	ssyncset.done $0x0  }
0x49f: {  	[sflag:s24] =	ssyncadd.s32 $0xFFFF8000  }
0x4a0: {  	v2 =	vld.msk [tilespmem:$0xD00], $0xff;
	_ =	sdelay $0x4  }
0x4a1: {  	v3 =	vshll.u32 v2, $0x5  }
0x4a2: {  	v2 =	vand.u32 $0x7, v2;
	v3 =	vand.u32 $0xFFFFFF00, v3  }
0x4a3: {  	v2 =	vor.u32 v2, v3  }
0x4a4: {  	v2 =	vperm.xlane v2, v0;
	_ =	sdelay $0x1  }
0x4a5: {  	v2 =	vadd.s32 v1, v2;
	_ =	sdelay $0x4  }
0x4a6: {  	[tilespmem:s2], [sflag:$0x3] =	stream.indirect_vreg.gather [hbm4b:s26+s3], $0x80, v2, vm0, $0xb8;
	[tilespmem:$0x19000] =	vst v63  }
0x4a7: {  	_ = 	snop  }
0x4a8: {  	[tilespmem:s30], [sflag:$0x3] =	stream.indirect_vreg.gather [hbm4b:s5+s3], $0x80, v2, vm0, $0xb8;
	[tilespmem:$0x19000] =	vst v63  }
0x4a9: {  	s28 =	simm.s32 $0x12000  }
0x4aa: {  	[tilespmem:s28], [sflag:$0x3] =	stream.indirect_vreg.gather [hbm4b:s6+s3], $0x80, v2, vm0, $0xb8;
	[tilespmem:$0x19000] =	vst v63  }
0x4ab: {  	s30 =	simm.s32 $0x12800  }
0x4ac: {  	[tilespmem:s30], [sflag:$0x3] =	stream.indirect_vreg.gather [hbm4b:s7+s3], $0x80, v2, vm0, $0xb8;
	[tilespmem:$0x19000] =	vst v63  }
0x4ad: {  	s28 =	simm.s32 $0x13000  }
0x4ae: {  	[tilespmem:s28], [sflag:$0x3] =	stream.indirect_vreg.gather [hbm4b:s8+s3], $0x80, v2, vm0, $0xb8;
	[tilespmem:$0x19000] =	vst v63  }
0x4af: {  	s30 =	simm.s32 $0x13800  }
0x4b0: {  	[tilespmem:s30], [sflag:$0x3] =	stream.indirect_vreg.gather [hbm4b:s9+s3], $0x80, v2, vm0, $0xb8;
	[tilespmem:$0x19000] =	vst v63  }
0x4b1: {  	s28 =	simm.s32 $0x14000  }
0x4b2: {  	[tilespmem:s28], [sflag:$0x3] =	stream.indirect_vreg.gather [hbm4b:s10+s3], $0x80, v2, vm0, $0xb8;
	[tilespmem:$0x19000] =	vst v63  }
0x4b3: {  	s30 =	simm.s32 $0x14800  }
0x4b4: {  	[tilespmem:s30], [sflag:$0x3] =	stream.indirect_vreg.gather [hbm4b:s11+s3], $0x80, v2, vm0, $0xb8;
	[tilespmem:$0x19000] =	vst v63  }
0x4b5: {  	s28 =	simm.s32 $0x15000  }
0x4b6: {  	[tilespmem:s28], [sflag:$0x3] =	stream.indirect_vreg.gather [hbm4b:s12+s3], $0x80, v2, vm0, $0xb8;
	[tilespmem:$0x19000] =	vst v63  }
0x4b7: {  	s30 =	simm.s32 $0x15800  }
0x4b8: {  	[tilespmem:s30], [sflag:$0x3] =	stream.indirect_vreg.gather [hbm4b:s13+s3], $0x80, v2, vm0, $0xb8;
	[tilespmem:$0x19000] =	vst v63  }
0x4b9: {  	s28 =	simm.s32 $0x16000  }
0x4ba: {  	[tilespmem:s28], [sflag:$0x3] =	stream.indirect_vreg.gather [hbm4b:s14+s3], $0x80, v2, vm0, $0xb8;
	[tilespmem:$0x19000] =	vst v63  }
0x4bb: {  	s30 =	simm.s32 $0x16800  }
0x4bc: {  	[tilespmem:s30], [sflag:$0x3] =	stream.indirect_vreg.gather [hbm4b:s15+s3], $0x80, v2, vm0, $0xb8;
	[tilespmem:$0x19000] =	vst v63  }
0x4bd: {  	s28 =	simm.s32 $0x17000  }
0x4be: {  	[tilespmem:s28], [sflag:$0x3] =	stream.indirect_vreg.gather [hbm4b:s16+s3], $0x80, v2, vm0, $0xb8;
	[tilespmem:$0x19000] =	vst v63  }
0x4bf: {  	s30 =	simm.s32 $0x17800  }
0x4c0: {  	[tilespmem:s30], [sflag:$0x3] =	stream.indirect_vreg.gather [hbm4b:s17+s3], $0x80, v2, vm0, $0xb8;
	[tilespmem:$0x19000] =	vst v63  }
0x4c1: {  	s28 =	simm.s32 $0x18000  }
0x4c2: {  	[tilespmem:s28], [sflag:$0x3] =	stream.indirect_vreg.gather [hbm4b:s18+s3], $0x80, v2, vm0, $0xb8;
	[tilespmem:$0x19000] =	vst v63  }
0x4c3: {  	s30 =	simm.s32 $0x18800  }
0x4c4: {  	[tilespmem:s30], [sflag:$0x3] =	stream.indirect_vreg.gather [hbm4b:s19+s3], $0x80, v2, vm0, $0xb8;
	[tilespmem:$0x19000] =	vst v63  }
0x4c5: {  	_ =	swait.ge [sflag:s21], $0x8000  }
0x4c6: {  	[sflag:s21] =	ssyncset.done $0x0  }
0x4c7: {  	s30 =	simm.s32 $0x1000;
	s2 =	rddreg [dreg:$0x1c];
	[sflag:s21] =	ssyncadd.s32 $0xFFFF8000  }
0x4c8: {  	[hbm4b:s2+s3] =	stream.linear.scatter [tilespmem:s30], [sflag:$0x4], $0x8000, $0x38;
	[tilespmem:$0x19000] =	vst v63  }
0x4c9: {  	_ =	swait.ge [sflag:s4], $0x8000  }
0x4ca: {  	[sflag:s4] =	ssyncset.done $0x0  }
0x4cb: {  	[sflag:s4] =	ssyncadd.s32 $0xFFFF8000  }
0x4cc: {  	v2 =	vld.msk [tilespmem:$0xD80], $0xff;
	_ =	sdelay $0x4  }
0x4cd: {  	v3 =	vshll.u32 v2, $0x5  }
0x4ce: {  	v2 =	vand.u32 $0x7, v2;
	v3 =	vand.u32 $0xFFFFFF00, v3  }
0x4cf: {  	v2 =	vor.u32 v2, v3  }
0x4d0: {  	v2 =	vperm.xlane v2, v0;
	_ =	sdelay $0x1  }
0x4d1: {  	v2 =	vadd.s32 v1, v2;
	_ =	sdelay $0x4  }
0x4d2: {  	[tilespmem:s30], [sflag:$0x1] =	stream.indirect_vreg.gather [hbm4b:s26+s3], $0x80, v2, vm0, $0xb8;
	[tilespmem:$0x19000] =	vst v63  }
0x4d3: {  	_ = 	snop  }
0x4d4: {  	[tilespmem:s20], [sflag:$0x1] =	stream.indirect_vreg.gather [hbm4b:s5+s3], $0x80, v2, vm0, $0xb8;
	[tilespmem:$0x19000] =	vst v63  }
0x4d5: {  	s28 =	simm.s32 $0x2000  }
0x4d6: {  	[tilespmem:s28], [sflag:$0x1] =	stream.indirect_vreg.gather [hbm4b:s6+s3], $0x80, v2, vm0, $0xb8;
	[tilespmem:$0x19000] =	vst v63  }
0x4d7: {  	s28 =	simm.s32 $0x2800  }
0x4d8: {  	[tilespmem:s28], [sflag:$0x1] =	stream.indirect_vreg.gather [hbm4b:s7+s3], $0x80, v2, vm0, $0xb8;
	[tilespmem:$0x19000] =	vst v63  }
0x4d9: {  	s28 =	simm.s32 $0x3000  }
0x4da: {  	[tilespmem:s28], [sflag:$0x1] =	stream.indirect_vreg.gather [hbm4b:s8+s3], $0x80, v2, vm0, $0xb8;
	[tilespmem:$0x19000] =	vst v63  }
0x4db: {  	_ = 	snop  }
0x4dc: {  	[tilespmem:s1], [sflag:$0x1] =	stream.indirect_vreg.gather [hbm4b:s9+s3], $0x80, v2, vm0, $0xb8;
	[tilespmem:$0x19000] =	vst v63  }
0x4dd: {  	_ = 	snop  }
0x4de: {  	[tilespmem:s31], [sflag:$0x1] =	stream.indirect_vreg.gather [hbm4b:s10+s3], $0x80, v2, vm0, $0xb8;
	[tilespmem:$0x19000] =	vst v63  }
0x4df: {  	s2 =	simm.s32 $0x4800  }
0x4e0: {  	[tilespmem:s2], [sflag:$0x1] =	stream.indirect_vreg.gather [hbm4b:s11+s3], $0x80, v2, vm0, $0xb8;
	[tilespmem:$0x19000] =	vst v63  }
0x4e1: {  	s28 =	simm.s32 $0x5000  }
0x4e2: {  	[tilespmem:s28], [sflag:$0x1] =	stream.indirect_vreg.gather [hbm4b:s12+s3], $0x80, v2, vm0, $0xb8;
	[tilespmem:$0x19000] =	vst v63  }
0x4e3: {  	s31 =	simm.s32 $0x5800  }
0x4e4: {  	[tilespmem:s31], [sflag:$0x1] =	stream.indirect_vreg.gather [hbm4b:s13+s3], $0x80, v2, vm0, $0xb8;
	[tilespmem:$0x19000] =	vst v63  }
0x4e5: {  	s2 =	simm.s32 $0x6000  }
0x4e6: {  	[tilespmem:s2], [sflag:$0x1] =	stream.indirect_vreg.gather [hbm4b:s14+s3], $0x80, v2, vm0, $0xb8;
	[tilespmem:$0x19000] =	vst v63  }
0x4e7: {  	s28 =	simm.s32 $0x6800  }
0x4e8: {  	[tilespmem:s28], [sflag:$0x1] =	stream.indirect_vreg.gather [hbm4b:s15+s3], $0x80, v2, vm0, $0xb8;
	[tilespmem:$0x19000] =	vst v63  }
0x4e9: {  	_ = 	snop  }
0x4ea: {  	[tilespmem:s29], [sflag:$0x1] =	stream.indirect_vreg.gather [hbm4b:s16+s3], $0x80, v2, vm0, $0xb8;
	[tilespmem:$0x19000] =	vst v63  }
0x4eb: {  	s31 =	simm.s32 $0x7800  }
0x4ec: {  	[tilespmem:s31], [sflag:$0x1] =	stream.indirect_vreg.gather [hbm4b:s17+s3], $0x80, v2, vm0, $0xb8;
	[tilespmem:$0x19000] =	vst v63  }
0x4ed: {  	s1 =	simm.s32 $0x8000  }
0x4ee: {  	[tilespmem:s1], [sflag:$0x1] =	stream.indirect_vreg.gather [hbm4b:s18+s3], $0x80, v2, vm0, $0xb8;
	[tilespmem:$0x19000] =	vst v63  }
0x4ef: {  	s2 =	simm.s32 $0x8800  }
0x4f0: {  	[tilespmem:s2], [sflag:$0x1] =	stream.indirect_vreg.gather [hbm4b:s19+s3], $0x80, v2, vm0, $0xb8;
	[tilespmem:$0x19000] =	vst v63  }
0x4f1: {  	_ =	swait.ge [sflag:s23], $0x8000  }
0x4f2: {  	[sflag:s23] =	ssyncset.done $0x0  }
0x4f3: {  	s2 =	simm.s32 $0x9000;
	s1 =	rddreg [dreg:$0x1d];
	[sflag:s23] =	ssyncadd.s32 $0xFFFF8000  }
0x4f4: {  	[hbm4b:s1+s3] =	stream.linear.scatter [tilespmem:s2], [sflag:$0x5], $0x8000, $0x38;
	[tilespmem:$0x19000] =	vst v63  }
0x4f5: {  	_ =	swait.ge [sflag:s0], $0x8000  }
0x4f6: {  	[sflag:s0] =	ssyncset.done $0x0  }
0x4f7: {  	[sflag:s0] =	ssyncadd.s32 $0xFFFF8000  }
0x4f8: {  	v2 =	vld.msk [tilespmem:$0xE00], $0xff;
	_ =	sdelay $0x4  }
0x4f9: {  	v3 =	vshll.u32 v2, $0x5  }
0x4fa: {  	v2 =	vand.u32 $0x7, v2;
	v3 =	vand.u32 $0xFFFFFF00, v3  }
0x4fb: {  	v2 =	vor.u32 v2, v3  }
0x4fc: {  	v2 =	vperm.xlane v2, v0;
	_ =	sdelay $0x1  }
0x4fd: {  	v2 =	vadd.s32 v1, v2;
	_ =	sdelay $0x4  }
0x4fe: {  	[tilespmem:s2], [sflag:$0x2] =	stream.indirect_vreg.gather [hbm4b:s26+s3], $0x80, v2, vm0, $0xb8;
	[tilespmem:$0x19000] =	vst v63  }
0x4ff: {  	_ = 	snop  }
0x500: {  	[tilespmem:s22], [sflag:$0x2] =	stream.indirect_vreg.gather [hbm4b:s5+s3], $0x80, v2, vm0, $0xb8;
	[tilespmem:$0x19000] =	vst v63  }
0x501: {  	s1 =	simm.s32 $0xA000  }
0x502: {  	[tilespmem:s1], [sflag:$0x2] =	stream.indirect_vreg.gather [hbm4b:s6+s3], $0x80, v2, vm0, $0xb8;
	[tilespmem:$0x19000] =	vst v63  }
0x503: {  	s1 =	simm.s32 $0xA800  }
0x504: {  	[tilespmem:s1], [sflag:$0x2] =	stream.indirect_vreg.gather [hbm4b:s7+s3], $0x80, v2, vm0, $0xb8;
	[tilespmem:$0x19000] =	vst v63  }
0x505: {  	s1 =	simm.s32 $0xB000  }
0x506: {  	[tilespmem:s1], [sflag:$0x2] =	stream.indirect_vreg.gather [hbm4b:s8+s3], $0x80, v2, vm0, $0xb8;
	[tilespmem:$0x19000] =	vst v63  }
0x507: {  	s1 =	simm.s32 $0xB800  }
0x508: {  	[tilespmem:s1], [sflag:$0x2] =	stream.indirect_vreg.gather [hbm4b:s9+s3], $0x80, v2, vm0, $0xb8;
	[tilespmem:$0x19000] =	vst v63  }
0x509: {  	s1 =	simm.s32 $0xC000  }
0x50a: {  	[tilespmem:s1], [sflag:$0x2] =	stream.indirect_vreg.gather [hbm4b:s10+s3], $0x80, v2, vm0, $0xb8;
	[tilespmem:$0x19000] =	vst v63  }
0x50b: {  	s1 =	simm.s32 $0xC800  }
0x50c: {  	[tilespmem:s1], [sflag:$0x2] =	stream.indirect_vreg.gather [hbm4b:s11+s3], $0x80, v2, vm0, $0xb8;
	[tilespmem:$0x19000] =	vst v63  }
0x50d: {  	s1 =	simm.s32 $0xD000  }
0x50e: {  	[tilespmem:s1], [sflag:$0x2] =	stream.indirect_vreg.gather [hbm4b:s12+s3], $0x80, v2, vm0, $0xb8;
	[tilespmem:$0x19000] =	vst v63  }
0x50f: {  	s1 =	simm.s32 $0xD800  }
0x510: {  	[tilespmem:s1], [sflag:$0x2] =	stream.indirect_vreg.gather [hbm4b:s13+s3], $0x80, v2, vm0, $0xb8;
	[tilespmem:$0x19000] =	vst v63  }
0x511: {  	s1 =	simm.s32 $0xE000  }
0x512: {  	[tilespmem:s1], [sflag:$0x2] =	stream.indirect_vreg.gather [hbm4b:s14+s3], $0x80, v2, vm0, $0xb8;
	[tilespmem:$0x19000] =	vst v63  }
0x513: {  	s1 =	simm.s32 $0xE800  }
0x514: {  	[tilespmem:s1], [sflag:$0x2] =	stream.indirect_vreg.gather [hbm4b:s15+s3], $0x80, v2, vm0, $0xb8;
	[tilespmem:$0x19000] =	vst v63  }
0x515: {  	s1 =	simm.s32 $0xF000  }
0x516: {  	[tilespmem:s1], [sflag:$0x2] =	stream.indirect_vreg.gather [hbm4b:s16+s3], $0x80, v2, vm0, $0xb8;
	[tilespmem:$0x19000] =	vst v63  }
0x517: {  	s1 =	simm.s32 $0xF800  }
0x518: {  	[tilespmem:s1], [sflag:$0x2] =	stream.indirect_vreg.gather [hbm4b:s17+s3], $0x80, v2, vm0, $0xb8;
	[tilespmem:$0x19000] =	vst v63  }
0x519: {  	s1 =	simm.s32 $0x10000  }
0x51a: {  	[tilespmem:s1], [sflag:$0x2] =	stream.indirect_vreg.gather [hbm4b:s18+s3], $0x80, v2, vm0, $0xb8;
	[tilespmem:$0x19000] =	vst v63  }
0x51b: {  	s1 =	simm.s32 $0x10800  }
0x51c: {  	[tilespmem:s1], [sflag:$0x2] =	stream.indirect_vreg.gather [hbm4b:s19+s3], $0x80, v2, vm0, $0xb8;
	[tilespmem:$0x19000] =	vst v63  }
0x51d: {  	_ =	swait.ge [sflag:s25], $0x8000  }
0x51e: {  	[sflag:s25] =	ssyncset.done $0x0  }
0x51f: {  	s1 =	simm.s32 $0x11000;
	s28 =	rddreg [dreg:$0x1e];
	[sflag:s25] =	ssyncadd.s32 $0xFFFF8000  }
0x520: {  	[hbm4b:s28+s3] =	stream.linear.scatter [tilespmem:s1], [sflag:$0x6], $0x8000, $0x38;
	[tilespmem:$0x19000] =	vst v63  }
0x521: {  	_ =	swait.ge [sflag:s24], $0x8000  }
0x522: {  	[sflag:s24] =	ssyncset.done $0x0  }
0x523: {  	[sflag:s24] =	ssyncadd.s32 $0xFFFF8000  }
0x524: {  	v2 =	vld.msk [tilespmem:$0xE80], $0xff;
	_ =	sdelay $0x4  }
0x525: {  	v3 =	vshll.u32 v2, $0x5  }
0x526: {  	v2 =	vand.u32 $0x7, v2;
	v3 =	vand.u32 $0xFFFFFF00, v3  }
0x527: {  	v2 =	vor.u32 v2, v3  }
0x528: {  	v2 =	vperm.xlane v2, v0;
	_ =	sdelay $0x1  }
0x529: {  	v2 =	vadd.s32 v1, v2;
	_ =	sdelay $0x4  }
0x52a: {  	[tilespmem:s1], [sflag:$0x3] =	stream.indirect_vreg.gather [hbm4b:s26+s3], $0x80, v2, vm0, $0xb8;
	[tilespmem:$0x19000] =	vst v63  }
0x52b: {  	s28 =	simm.s32 $0x11800  }
0x52c: {  	[tilespmem:s28], [sflag:$0x3] =	stream.indirect_vreg.gather [hbm4b:s5+s3], $0x80, v2, vm0, $0xb8;
	[tilespmem:$0x19000] =	vst v63  }
0x52d: {  	s28 =	simm.s32 $0x12000  }
0x52e: {  	[tilespmem:s28], [sflag:$0x3] =	stream.indirect_vreg.gather [hbm4b:s6+s3], $0x80, v2, vm0, $0xb8;
	[tilespmem:$0x19000] =	vst v63  }
0x52f: {  	s28 =	simm.s32 $0x12800  }
0x530: {  	[tilespmem:s28], [sflag:$0x3] =	stream.indirect_vreg.gather [hbm4b:s7+s3], $0x80, v2, vm0, $0xb8;
	[tilespmem:$0x19000] =	vst v63  }
0x531: {  	s28 =	simm.s32 $0x13000  }
0x532: {  	[tilespmem:s28], [sflag:$0x3] =	stream.indirect_vreg.gather [hbm4b:s8+s3], $0x80, v2, vm0, $0xb8;
	[tilespmem:$0x19000] =	vst v63  }
0x533: {  	s28 =	simm.s32 $0x13800  }
0x534: {  	[tilespmem:s28], [sflag:$0x3] =	stream.indirect_vreg.gather [hbm4b:s9+s3], $0x80, v2, vm0, $0xb8;
	[tilespmem:$0x19000] =	vst v63  }
0x535: {  	s28 =	simm.s32 $0x14000  }
0x536: {  	[tilespmem:s28], [sflag:$0x3] =	stream.indirect_vreg.gather [hbm4b:s10+s3], $0x80, v2, vm0, $0xb8;
	[tilespmem:$0x19000] =	vst v63  }
0x537: {  	s28 =	simm.s32 $0x14800  }
0x538: {  	[tilespmem:s28], [sflag:$0x3] =	stream.indirect_vreg.gather [hbm4b:s11+s3], $0x80, v2, vm0, $0xb8;
	[tilespmem:$0x19000] =	vst v63  }
0x539: {  	s28 =	simm.s32 $0x15000  }
0x53a: {  	[tilespmem:s28], [sflag:$0x3] =	stream.indirect_vreg.gather [hbm4b:s12+s3], $0x80, v2, vm0, $0xb8;
	[tilespmem:$0x19000] =	vst v63  }
0x53b: {  	s28 =	simm.s32 $0x15800  }
0x53c: {  	[tilespmem:s28], [sflag:$0x3] =	stream.indirect_vreg.gather [hbm4b:s13+s3], $0x80, v2, vm0, $0xb8;
	[tilespmem:$0x19000] =	vst v63  }
0x53d: {  	s28 =	simm.s32 $0x16000  }
0x53e: {  	[tilespmem:s28], [sflag:$0x3] =	stream.indirect_vreg.gather [hbm4b:s14+s3], $0x80, v2, vm0, $0xb8;
	[tilespmem:$0x19000] =	vst v63  }
0x53f: {  	s28 =	simm.s32 $0x16800  }
0x540: {  	[tilespmem:s28], [sflag:$0x3] =	stream.indirect_vreg.gather [hbm4b:s15+s3], $0x80, v2, vm0, $0xb8;
	[tilespmem:$0x19000] =	vst v63  }
0x541: {  	s28 =	simm.s32 $0x17000  }
0x542: {  	[tilespmem:s28], [sflag:$0x3] =	stream.indirect_vreg.gather [hbm4b:s16+s3], $0x80, v2, vm0, $0xb8;
	[tilespmem:$0x19000] =	vst v63  }
0x543: {  	s28 =	simm.s32 $0x17800  }
0x544: {  	[tilespmem:s28], [sflag:$0x3] =	stream.indirect_vreg.gather [hbm4b:s17+s3], $0x80, v2, vm0, $0xb8;
	[tilespmem:$0x19000] =	vst v63  }
0x545: {  	s28 =	simm.s32 $0x18000  }
0x546: {  	[tilespmem:s28], [sflag:$0x3] =	stream.indirect_vreg.gather [hbm4b:s18+s3], $0x80, v2, vm0, $0xb8;
	[tilespmem:$0x19000] =	vst v63  }
0x547: {  	s28 =	simm.s32 $0x18800  }
0x548: {  	[tilespmem:s28], [sflag:$0x3] =	stream.indirect_vreg.gather [hbm4b:s19+s3], $0x80, v2, vm0, $0xb8;
	[tilespmem:$0x19000] =	vst v63  }
0x549: {  	_ =	swait.ge [sflag:s21], $0x8000  }
0x54a: {  	[sflag:s21] =	ssyncset.done $0x0  }
0x54b: {  	s30 =	simm.s32 $0x1000;
	s28 =	rddreg [dreg:$0x1f];
	[sflag:s21] =	ssyncadd.s32 $0xFFFF8000  }
0x54c: {  	[hbm4b:s28+s3] =	stream.linear.scatter [tilespmem:s30], [sflag:$0x4], $0x8000, $0x38;
	[tilespmem:$0x19000] =	vst v63  }
0x54d: {  	_ =	swait.ge [sflag:s4], $0x8000  }
0x54e: {  	[sflag:s4] =	ssyncset.done $0x0  }
0x54f: {  	[sflag:s4] =	ssyncadd.s32 $0xFFFF8000  }
0x550: {  	v2 =	vld.msk [tilespmem:$0xF00], $0xff;
	_ =	sdelay $0x4  }
0x551: {  	v3 =	vshll.u32 v2, $0x5  }
0x552: {  	v2 =	vand.u32 $0x7, v2;
	v3 =	vand.u32 $0xFFFFFF00, v3  }
0x553: {  	v2 =	vor.u32 v2, v3  }
0x554: {  	v2 =	vperm.xlane v2, v0;
	_ =	sdelay $0x1  }
0x555: {  	v2 =	vadd.s32 v1, v2;
	_ =	sdelay $0x4  }
0x556: {  	[tilespmem:s30], [sflag:$0x1] =	stream.indirect_vreg.gather [hbm4b:s26+s3], $0x80, v2, vm0, $0xb8;
	[tilespmem:$0x19000] =	vst v63  }
0x557: {  	s20 =	simm.s32 $0x1800  }
0x558: {  	[tilespmem:s20], [sflag:$0x1] =	stream.indirect_vreg.gather [hbm4b:s5+s3], $0x80, v2, vm0, $0xb8;
	[tilespmem:$0x19000] =	vst v63  }
0x559: {  	s28 =	simm.s32 $0x2000  }
0x55a: {  	[tilespmem:s28], [sflag:$0x1] =	stream.indirect_vreg.gather [hbm4b:s6+s3], $0x80, v2, vm0, $0xb8;
	[tilespmem:$0x19000] =	vst v63  }
0x55b: {  	s28 =	simm.s32 $0x2800  }
0x55c: {  	[tilespmem:s28], [sflag:$0x1] =	stream.indirect_vreg.gather [hbm4b:s7+s3], $0x80, v2, vm0, $0xb8;
	[tilespmem:$0x19000] =	vst v63  }
0x55d: {  	s28 =	simm.s32 $0x3000  }
0x55e: {  	[tilespmem:s28], [sflag:$0x1] =	stream.indirect_vreg.gather [hbm4b:s8+s3], $0x80, v2, vm0, $0xb8;
	[tilespmem:$0x19000] =	vst v63  }
0x55f: {  	s28 =	simm.s32 $0x3800  }
0x560: {  	[tilespmem:s28], [sflag:$0x1] =	stream.indirect_vreg.gather [hbm4b:s9+s3], $0x80, v2, vm0, $0xb8;
	[tilespmem:$0x19000] =	vst v63  }
0x561: {  	s28 =	simm.s32 $0x4000  }
0x562: {  	[tilespmem:s28], [sflag:$0x1] =	stream.indirect_vreg.gather [hbm4b:s10+s3], $0x80, v2, vm0, $0xb8;
	[tilespmem:$0x19000] =	vst v63  }
0x563: {  	s28 =	simm.s32 $0x4800  }
0x564: {  	[tilespmem:s28], [sflag:$0x1] =	stream.indirect_vreg.gather [hbm4b:s11+s3], $0x80, v2, vm0, $0xb8;
	[tilespmem:$0x19000] =	vst v63  }
0x565: {  	s28 =	simm.s32 $0x5000  }
0x566: {  	[tilespmem:s28], [sflag:$0x1] =	stream.indirect_vreg.gather [hbm4b:s12+s3], $0x80, v2, vm0, $0xb8;
	[tilespmem:$0x19000] =	vst v63  }
0x567: {  	s28 =	simm.s32 $0x5800  }
0x568: {  	[tilespmem:s28], [sflag:$0x1] =	stream.indirect_vreg.gather [hbm4b:s13+s3], $0x80, v2, vm0, $0xb8;
	[tilespmem:$0x19000] =	vst v63  }
0x569: {  	s28 =	simm.s32 $0x6000  }
0x56a: {  	[tilespmem:s28], [sflag:$0x1] =	stream.indirect_vreg.gather [hbm4b:s14+s3], $0x80, v2, vm0, $0xb8;
	[tilespmem:$0x19000] =	vst v63  }
0x56b: {  	s28 =	simm.s32 $0x6800  }
0x56c: {  	[tilespmem:s28], [sflag:$0x1] =	stream.indirect_vreg.gather [hbm4b:s15+s3], $0x80, v2, vm0, $0xb8;
	[tilespmem:$0x19000] =	vst v63  }
0x56d: {  	s29 =	simm.s32 $0x7000  }
0x56e: {  	[tilespmem:s29], [sflag:$0x1] =	stream.indirect_vreg.gather [hbm4b:s16+s3], $0x80, v2, vm0, $0xb8;
	[tilespmem:$0x19000] =	vst v63  }
0x56f: {  	s29 =	simm.s32 $0x7800  }
0x570: {  	[tilespmem:s29], [sflag:$0x1] =	stream.indirect_vreg.gather [hbm4b:s17+s3], $0x80, v2, vm0, $0xb8;
	[tilespmem:$0x19000] =	vst v63  }
0x571: {  	s31 =	simm.s32 $0x8000  }
0x572: {  	[tilespmem:s31], [sflag:$0x1] =	stream.indirect_vreg.gather [hbm4b:s18+s3], $0x80, v2, vm0, $0xb8;
	[tilespmem:$0x19000] =	vst v63  }
0x573: {  	s31 =	simm.s32 $0x8800  }
0x574: {  	[tilespmem:s31], [sflag:$0x1] =	stream.indirect_vreg.gather [hbm4b:s19+s3], $0x80, v2, vm0, $0xb8;
	[tilespmem:$0x19000] =	vst v63  }
0x575: {  	_ =	swait.ge [sflag:s23], $0x8000  }
0x576: {  	s20 =	sld [smem:$0x7F9]  }
0x577: {  	[sflag:s23] =	ssyncset.done $0x0  }
0x578: {  	s2 =	simm.s32 $0x9000;
	[sflag:s23] =	ssyncadd.s32 $0xFFFF8000  }
0x579: {  	[hbm4b:s20+s3] =	stream.linear.scatter [tilespmem:s2], [sflag:$0x5], $0x8000, $0x38;
	[tilespmem:$0x19000] =	vst v63  }
0x57a: {  	_ =	swait.ge [sflag:s0], $0x8000  }
0x57b: {  	[sflag:s0] =	ssyncset.done $0x0  }
0x57c: {  	[sflag:s0] =	ssyncadd.s32 $0xFFFF8000  }
0x57d: {  	v2 =	vld.msk [tilespmem:$0xF80], $0xff;
	_ =	sdelay $0x4  }
0x57e: {  	v3 =	vshll.u32 v2, $0x5  }
0x57f: {  	v2 =	vand.u32 $0x7, v2;
	v3 =	vand.u32 $0xFFFFFF00, v3  }
0x580: {  	v2 =	vor.u32 v2, v3  }
0x581: {  	v2 =	vperm.xlane v2, v0;
	_ =	sdelay $0x1  }
0x582: {  	v2 =	vadd.s32 v1, v2;
	_ =	sdelay $0x4  }
0x583: {  	[tilespmem:s2], [sflag:$0x2] =	stream.indirect_vreg.gather [hbm4b:s26+s3], $0x80, v2, vm0, $0xb8;
	[tilespmem:$0x19000] =	vst v63  }
0x584: {  	s22 =	simm.s32 $0x9800  }
0x585: {  	[tilespmem:s22], [sflag:$0x2] =	stream.indirect_vreg.gather [hbm4b:s5+s3], $0x80, v2, vm0, $0xb8;
	[tilespmem:$0x19000] =	vst v63  }
0x586: {  	s29 =	simm.s32 $0xA000  }
0x587: {  	[tilespmem:s29], [sflag:$0x2] =	stream.indirect_vreg.gather [hbm4b:s6+s3], $0x80, v2, vm0, $0xb8;
	[tilespmem:$0x19000] =	vst v63  }
0x588: {  	s31 =	simm.s32 $0xA800  }
0x589: {  	[tilespmem:s31], [sflag:$0x2] =	stream.indirect_vreg.gather [hbm4b:s7+s3], $0x80, v2, vm0, $0xb8;
	[tilespmem:$0x19000] =	vst v63  }
0x58a: {  	s26 =	simm.s32 $0xB000  }
0x58b: {  	[tilespmem:s26], [sflag:$0x2] =	stream.indirect_vreg.gather [hbm4b:s8+s3], $0x80, v2, vm0, $0xb8;
	[tilespmem:$0x19000] =	vst v63  }
0x58c: {  	s28 =	simm.s32 $0xB800  }
0x58d: {  	[tilespmem:s28], [sflag:$0x2] =	stream.indirect_vreg.gather [hbm4b:s9+s3], $0x80, v2, vm0, $0xb8;
	[tilespmem:$0x19000] =	vst v63  }
0x58e: {  	s29 =	simm.s32 $0xC000  }
0x58f: {  	[tilespmem:s29], [sflag:$0x2] =	stream.indirect_vreg.gather [hbm4b:s10+s3], $0x80, v2, vm0, $0xb8;
	[tilespmem:$0x19000] =	vst v63  }
0x590: {  	s31 =	simm.s32 $0xC800  }
0x591: {  	[tilespmem:s31], [sflag:$0x2] =	stream.indirect_vreg.gather [hbm4b:s11+s3], $0x80, v2, vm0, $0xb8;
	[tilespmem:$0x19000] =	vst v63  }
0x592: {  	s26 =	simm.s32 $0xD000  }
0x593: {  	[tilespmem:s26], [sflag:$0x2] =	stream.indirect_vreg.gather [hbm4b:s12+s3], $0x80, v2, vm0, $0xb8;
	[tilespmem:$0x19000] =	vst v63  }
0x594: {  	s28 =	simm.s32 $0xD800  }
0x595: {  	[tilespmem:s28], [sflag:$0x2] =	stream.indirect_vreg.gather [hbm4b:s13+s3], $0x80, v2, vm0, $0xb8;
	[tilespmem:$0x19000] =	vst v63  }
0x596: {  	s29 =	simm.s32 $0xE000  }
0x597: {  	[tilespmem:s29], [sflag:$0x2] =	stream.indirect_vreg.gather [hbm4b:s14+s3], $0x80, v2, vm0, $0xb8;
	[tilespmem:$0x19000] =	vst v63  }
0x598: {  	s31 =	simm.s32 $0xE800  }
0x599: {  	[tilespmem:s31], [sflag:$0x2] =	stream.indirect_vreg.gather [hbm4b:s15+s3], $0x80, v2, vm0, $0xb8;
	[tilespmem:$0x19000] =	vst v63  }
0x59a: {  	s26 =	simm.s32 $0xF000  }
0x59b: {  	[tilespmem:s26], [sflag:$0x2] =	stream.indirect_vreg.gather [hbm4b:s16+s3], $0x80, v2, vm0, $0xb8;
	[tilespmem:$0x19000] =	vst v63  }
0x59c: {  	s28 =	simm.s32 $0xF800  }
0x59d: {  	[tilespmem:s28], [sflag:$0x2] =	stream.indirect_vreg.gather [hbm4b:s17+s3], $0x80, v2, vm0, $0xb8;
	[tilespmem:$0x19000] =	vst v63  }
0x59e: {  	s29 =	simm.s32 $0x10000  }
0x59f: {  	[tilespmem:s29], [sflag:$0x2] =	stream.indirect_vreg.gather [hbm4b:s18+s3], $0x80, v2, vm0, $0xb8;
	[tilespmem:$0x19000] =	vst v63  }
0x5a0: {  	s31 =	simm.s32 $0x10800  }
0x5a1: {  	[tilespmem:s31], [sflag:$0x2] =	stream.indirect_vreg.gather [hbm4b:s19+s3], $0x80, v2, vm0, $0xb8;
	[tilespmem:$0x19000] =	vst v63  }
0x5a2: {  	s20 =	sld [smem:$0x7F8];
	_ =	swait.ge [sflag:s25], $0x8000  }
0x5a3: {  	s26 =	sld [smem:$0x7FA]  }
0x5a4: {  	[sflag:s25] =	ssyncset.done $0x0  }
0x5a5: {  	s1 =	simm.s32 $0x11000;
	[sflag:s25] =	ssyncadd.s32 $0xFFFF8000  }
0x5a6: {  	[hbm4b:s26+s3] =	stream.linear.scatter [tilespmem:s1], [sflag:$0x6], $0x8000, $0x38;
	[tilespmem:$0x19000] =	vst v63  }
0x5a7: {  	_ =	swait.ge [sflag:s24], $0x8000  }
0x5a8: {  	[sflag:s24] =	ssyncset.done $0x0  }
0x5a9: {  	[sflag:s24] =	ssyncadd.s32 $0xFFFF8000  }
0x5aa: {  	_ =	swait.ge [sflag:s21], $0x8000  }
0x5ab: {  	s29 =	sld [smem:$0x7FB]  }
0x5ac: {  	[sflag:s21] =	ssyncset.done $0x0  }
0x5ad: {  	[sflag:s21] =	ssyncadd.s32 $0xFFFF8000  }
0x5ae: {  	[hbm4b:s29+s3] =	stream.linear.scatter [tilespmem:s30], [sflag:$0x4], $0x8000, $0x38;
	[tilespmem:$0x19000] =	vst v63  }
0x5af: {  	_ =	swait.ge [sflag:s4], $0x8000  }
0x5b0: {  	[sflag:s4] =	ssyncset.done $0x0  }
0x5b1: {  	[sflag:s4] =	ssyncadd.s32 $0xFFFF8000  }
0x5b2: {  	_ =	swait.ge [sflag:s23], $0x8000  }
0x5b3: {  	s31 =	sld [smem:$0x7FD]  }
0x5b4: {  	p0 =	sne.s32 s20, $0x1;
	[sflag:s23] =	ssyncset.done $0x0  }
.Ltmp0:
0x5b5: {  	[sflag:s23] =	ssyncadd.s32 $0xFFFF8000;
	(pc) =	sbr.rel @p0 .LBB2_1-.Ltmp0, $4  }
0x5b6: {  	[hbm4b:s31+s3] =	stream.linear.scatter [tilespmem:s2], [sflag:$0x5], $0x8000, $0x38;
	[tilespmem:$0x19000] =	vst v63  }
0x5b7: {  	_ =	swait.ge [sflag:s0], $0x8000  }
0x5b8: {  	[sflag:s0] =	ssyncset.done $0x0  }
0x5b9: {  	s20 =	sadd.s32 $0xFFFFFFFF, s20;
	[sflag:s0] =	ssyncadd.s32 $0xFFFF8000  }
0x5ba: {  	_ =	sfence.sel $0x180000  }
0x5bb: {  	[bflag:$0x0] =	sbarrier.arrive $0xFFFF  }
0x5bc: {  	_ =	strace $0x90000047  }
0x5bd: {  	s0 =	stileid.u32;
	[bflag:$0x2] =	sbarrier.arrive $0xFFFF  }
0x5be: {  	p0 =	sne.s32 s0, $0x0;
	s0 =	rddreg [dreg:$0x3]  }
0x5bf: {  	s0 =	sadd.s32 @!p0 $0x100000, s0  }
0x5c0: {  	[sflag:s0] =	ssyncadd.tile.s32 @!p0 $0x1;
	_ =	shalt  }
.Lfunc_end2:
_tile_overlayer_lowered:
.L_overlay_start_2:
0x5c1: {  	(tag) =	ssettag $0x2  }
0x5c2: {  	s0 =	rddreg [dreg:$0x0];
	s2 =	stileid.u32  }
0x5c3: {  	s1 =	rddreg [dreg:$0x1];
	p0 =	sne.s32 s2, $0x0  }
0x5c4: {  	s3 =	rddreg [dreg:$0x2];
	[bflag:$0x3] =	sbarrier.arrive $0xFFFF;
	s2 =	simm.s32 @!p0 $0x1C07  }
0x5c5: {  	[timem:s3], [sflag:s2] =	dma.local @!p0 [hbm:s0], s1  }
0x5c6: {  	s0 =	simm.s32 @!p0 $0x7  }
0x5c7: {  	_ =	swait.ge @!p0 [sflag:s0], s1  }
0x5c8: {  	s1 =	ssub.s32 @!p0 $0x0, s1;
	[sflag:s0] =	ssyncset.done @!p0 $0x0  }
0x5c9: {  	[sflag:s0] =	ssyncadd.s32 @!p0 s1  }
0x5ca: {  	[bflag:$0x3] =	sbarrier.arrive $0xFFFF  }
0x5cb: {  	_ =	shalt  }

</sc_bundles>
